<compile_context>
chip_gen: v7x
topology: tpu7x:2x2x1
jax: 0.10.2.dev20260603
libtpu: 0.0.44.dev20260713+nightly
codegen_flags: <defaults>
</compile_context>

<pallas_src>
import functools

import jax
import jax.numpy as jnp
from jax import lax
from jax.experimental import pallas as pl
from jax.experimental.pallas import tpu as pltpu

EMB = 100
RNN = 100
H1 = 100
NCLS = 2
B = 1024
T = 50
GATE = 128
ZW = 4 * GATE


def _pack_body(x_ref, i_ref, out_ref):
    blk = x_ref[...].astype(jnp.bfloat16)
    tr = lax.dot_general(blk, i_ref[...], (((0,), (0,)), ((), ())),
                         preferred_element_type=jnp.float32)
    out_ref[...] = pltpu.bitcast(tr.astype(jnp.bfloat16), jnp.float32)


def _tc_transpose_pack(table_t):
    v = table_t.shape[1]
    blk = 2048
    eye = jnp.eye(EMB, dtype=jnp.bfloat16)
    return pl.pallas_call(
        _pack_body,
        grid=(pl.cdiv(v, blk),),
        in_specs=[
            pl.BlockSpec((EMB, blk), lambda i: (0, i)),
            pl.BlockSpec((EMB, EMB), lambda i: (0, 0)),
        ],
        out_specs=pl.BlockSpec((blk // 2, EMB), lambda i: (i, 0)),
        out_shape=jax.ShapeDtypeStruct((v // 2, EMB), jnp.float32),
        compiler_params=pltpu.CompilerParams(
            dimension_semantics=("arbitrary",)),
    )(table_t, eye)


def _sc_gather_rows(idx_flat, table):
    from jax.experimental.pallas import tpu_sc as plsc

    info = plsc.get_sparse_core_info()
    ncores, nsub = info.num_cores, info.num_subcores
    nw = ncores * nsub
    n = idx_flat.shape[0]
    rows_per_w = n // nw
    chunk = 800
    nchunks = rows_per_w // chunk
    groups = chunk // 16
    mesh = plsc.VectorSubcoreMesh(core_axis_name="c", subcore_axis_name="s")

    @functools.partial(
        pl.kernel,
        mesh=mesh,
        out_type=jax.ShapeDtypeStruct((n, EMB), jnp.float32),
        scratch_types=[
            pltpu.VMEM((chunk,), jnp.int32),
            pltpu.VMEM((chunk, EMB), jnp.float32),
            pltpu.SemaphoreType.DMA,
            pltpu.SemaphoreType.DMA,
        ],
    )
    def gk(idx_hbm, table_hbm, out_hbm, idx_v, rows_v, gsem, osem):
        wid = lax.axis_index("s") * ncores + lax.axis_index("c")
        for j in range(nchunks):
            base = wid * rows_per_w + j * chunk
            if j > 0:
                pltpu.make_async_copy(
                    rows_v, out_hbm.at[pl.ds(0, chunk)], osem).wait()
            pltpu.sync_copy(idx_hbm.at[pl.ds(base, chunk)], idx_v)

            def fire_group(g, carry):
                vec = idx_v[pl.ds(g * 16, 16)]
                for l in range(16):
                    r = vec[l]
                    pltpu.async_copy(
                        table_hbm.at[pl.ds(r, 1)],
                        rows_v.at[pl.ds(g * 16 + l, 1)],
                        gsem,
                    )

                @pl.when(g >= 2)
                def _():
                    for _ in range(16):
                        pltpu.make_async_copy(
                            table_hbm.at[pl.ds(0, 1)],
                            rows_v.at[pl.ds(0, 1)],
                            gsem,
                        ).wait()

                return carry

            lax.fori_loop(0, groups, fire_group, 0)
            for _ in range(32):
                pltpu.make_async_copy(
                    table_hbm.at[pl.ds(0, 1)],
                    rows_v.at[pl.ds(0, 1)],
                    gsem,
                ).wait()
            pltpu.async_copy(rows_v, out_hbm.at[pl.ds(base, chunk)], osem)
        pltpu.make_async_copy(
            rows_v, out_hbm.at[pl.ds(0, chunk)], osem).wait()

    return gk(idx_flat, table)


def _lstm_body(x_ref, par_ref, w_ref, u_ref, b_ref, w1_ref, b1_ref, w15_ref,
               b15_ref, w2_ref, b2_ref, out_ref, h_scr, c_scr):
    t = pl.program_id(0)

    @pl.when(t == 0)
    def _():
        h_scr[...] = jnp.zeros_like(h_scr)
        c_scr[...] = jnp.zeros_like(c_scr)

    xi = lax.bitcast_convert_type(x_ref[0], jnp.int32)
    par = par_ref[0]
    lo = lax.bitcast_convert_type(xi << 16, jnp.float32)
    hi = lax.bitcast_convert_type(xi & jnp.int32(-65536), jnp.float32)
    x = jnp.where(par == 0, lo, hi)
    h = h_scr[...]
    z = jnp.dot(x, w_ref[...], preferred_element_type=jnp.float32)
    z = z + jnp.dot(h, u_ref[...], preferred_element_type=jnp.float32)
    z = z + b_ref[...]
    i = jax.nn.sigmoid(z[:, 0:GATE])
    f = jax.nn.sigmoid(z[:, GATE:2 * GATE])
    g = jnp.tanh(z[:, 2 * GATE:3 * GATE])
    o = jax.nn.sigmoid(z[:, 3 * GATE:4 * GATE])
    c = f * c_scr[...] + i * g
    h_new = o * jnp.tanh(c)
    c_scr[...] = c
    h_scr[...] = h_new

    @pl.when(t == T - 1)
    def _():
        l1 = jnp.maximum(
            jnp.dot(h_new, w1_ref[...], preferred_element_type=jnp.float32)
            + b1_ref[...], 0.0)
        l15 = jnp.maximum(
            jnp.dot(l1, w15_ref[...], preferred_element_type=jnp.float32)
            + b15_ref[...], 0.0)
        logits = (jnp.dot(l15, w2_ref[...], preferred_element_type=jnp.float32)
                  + b2_ref[...])
        m = jnp.max(logits, axis=-1, keepdims=True)
        e = jnp.exp(logits - m)
        out_ref[...] = e / jnp.sum(e, axis=-1, keepdims=True)


def _tc_lstm_mlp(xs, par, w_pad, u_pad, b_pad, w1_pad, b1, w15, b15, w2, b2):
    return pl.pallas_call(
        _lstm_body,
        grid=(T,),
        in_specs=[
            pl.BlockSpec((1, B, EMB), lambda t: (t, 0, 0)),
            pl.BlockSpec((1, B, 1), lambda t: (t, 0, 0)),
            pl.BlockSpec((EMB, ZW), lambda t: (0, 0)),
            pl.BlockSpec((GATE, ZW), lambda t: (0, 0)),
            pl.BlockSpec((1, ZW), lambda t: (0, 0)),
            pl.BlockSpec((GATE, H1), lambda t: (0, 0)),
            pl.BlockSpec((1, H1), lambda t: (0, 0)),
            pl.BlockSpec((H1, H1), lambda t: (0, 0)),
            pl.BlockSpec((1, H1), lambda t: (0, 0)),
            pl.BlockSpec((H1, NCLS), lambda t: (0, 0)),
            pl.BlockSpec((1, NCLS), lambda t: (0, 0)),
        ],
        out_specs=pl.BlockSpec((B, NCLS), lambda t: (0, 0)),
        out_shape=jax.ShapeDtypeStruct((B, NCLS), jnp.float32),
        scratch_shapes=[
            pltpu.VMEM((B, GATE), jnp.float32),
            pltpu.VMEM((B, GATE), jnp.float32),
        ],
        compiler_params=pltpu.CompilerParams(
            dimension_semantics=("arbitrary",)),
    )(xs, par, w_pad, u_pad, b_pad, w1_pad, b1, w15, b15, w2, b2)


def _pad_gates(w):
    k = w.shape[0]
    w4 = w.reshape(k, 4, RNN)
    w4 = jnp.pad(w4, ((0, 0), (0, 0), (0, GATE - RNN)))
    return w4.reshape(k, 4 * GATE)


def kernel(inputs, E, W_lstm, U_lstm, b_lstm, W1, b1, W15, b15, W2, b2):
    idx = jnp.transpose(inputs).reshape(-1).astype(jnp.int32)
    packed = _tc_transpose_pack(jnp.transpose(E))
    emb_flat = _sc_gather_rows(idx >> 1, packed)
    xs = emb_flat.reshape(T, B, EMB)
    par = (idx & 1).reshape(T, B, 1)

    w_pad = _pad_gates(W_lstm)
    u_pad = jnp.pad(_pad_gates(U_lstm), ((0, GATE - RNN), (0, 0)))
    b_pad = _pad_gates(b_lstm.reshape(1, -1))
    w1_pad = jnp.pad(W1, ((0, GATE - RNN), (0, 0)))

    return _tc_lstm_mlp(xs, par, w_pad, u_pad, b_pad, w1_pad,
                        b1.reshape(1, -1), W15, b15.reshape(1, -1),
                        W2, b2.reshape(1, -1))

# --- scband reference (transcript-rebuilt; emitter-appended) ---
"""Pipeline reference for scband-model-27058293965573 (READ-ONLY COPY).

The authoritative reference and input builder live on the scoring server;
editing this copy changes nothing except your own understanding.
"""

import jax, jax.numpy as jnp
import numpy as np

VOCAB = 1000000
EMB = 100
RNN = 100
H1 = 100
NC = 2
B = 1024
T = 50


def setup_inputs(seed: int = 0) -> dict:
    key = jax.random.key(seed)
    ks = jax.random.split(key, 12)
    inputs = jax.random.randint(ks[0], (B, T), 0, VOCAB)
    E = jax.random.normal(ks[1], (VOCAB, EMB), dtype=jnp.float32) * 0.01
    W_lstm = jax.random.normal(ks[2], (EMB, 4 * RNN), dtype=jnp.float32) * 0.05
    U_lstm = jax.random.normal(ks[3], (RNN, 4 * RNN), dtype=jnp.float32) * 0.05
    b_lstm = jnp.zeros((4 * RNN,), dtype=jnp.float32)
    W1 = jax.random.normal(ks[4], (RNN, H1), dtype=jnp.float32) * 0.05
    b1 = jnp.zeros((H1,), dtype=jnp.float32)
    W15 = jax.random.normal(ks[5], (H1, H1), dtype=jnp.float32) * 0.05
    b15 = jnp.zeros((H1,), dtype=jnp.float32)
    W2 = jax.random.normal(ks[6], (H1, NC), dtype=jnp.float32) * 0.05
    b2 = jnp.zeros((NC,), dtype=jnp.float32)
    return {"inputs": inputs, "E": E, "W_lstm": W_lstm, "U_lstm": U_lstm,
            "b_lstm": b_lstm, "W1": W1, "b1": b1, "W15": W15, "b15": b15,
            "W2": W2, "b2": b2}


def reference(inputs, E, W_lstm, U_lstm, b_lstm, W1, b1, W15, b15, W2, b2):
    # embedding_lookup -> gather (SparseCore-mappable)
    emb = jnp.take(E, inputs, axis=0)  # [B, T, EMB]
    xs = jnp.transpose(emb, (1, 0, 2))  # [T, B, EMB]

    def step(carry, x):
        h, c = carry
        z = x @ W_lstm + h @ U_lstm + b_lstm
        i, f, g, o = jnp.split(z, 4, axis=-1)
        i = jax.nn.sigmoid(i)
        f = jax.nn.sigmoid(f)
        g = jnp.tanh(g)
        o = jax.nn.sigmoid(o)
        c_new = f * c + i * g
        h_new = o * jnp.tanh(c_new)
        return (h_new, c_new), None

    h0 = jnp.zeros((inputs.shape[0], RNN), dtype=jnp.float32)
    c0 = jnp.zeros((inputs.shape[0], RNN), dtype=jnp.float32)
    (h, _), _ = jax.lax.scan(step, (h0, c0), xs)
    l1 = jax.nn.relu(h @ W1 + b1)
    l15 = jax.nn.relu(l1 @ W15 + b15)
    out = jax.nn.softmax(l15 @ W2 + b2, axis=-1)
    return out

if __name__ == "__main__":
    import jax
    _d = setup_inputs()
    print(jax.jit(kernel)(*tuple(_d.values())))

</pallas_src>

<mosaic_0001>
#map = affine_map<(d0, d1) -> (0)>
#map1 = affine_map<(d0, d1) -> (0, 0)>
module attributes {stable_mosaic.version = 14 : i64} {
  func.func @gk(%arg0: i32, %arg1: i32, %arg2: memref<51200xi32, #tpu.memory_space<hbm>>, %arg3: memref<500000x100xf32, #tpu.memory_space<hbm>>, %arg4: memref<51200x100xf32, #tpu.memory_space<hbm>>, %arg5: memref<800xi32, #tpu.memory_space<vmem>>, %arg6: memref<800x100xf32, #tpu.memory_space<vmem>>, %arg7: memref<!tpu.dma_semaphore, #tpu.memory_space<semaphore_mem>>, %arg8: memref<!tpu.dma_semaphore, #tpu.memory_space<semaphore_mem>>) attributes {dimension_semantics = [#tpu.dimension_semantics<core_parallel>, #tpu.dimension_semantics<subcore_parallel>], iteration_bounds = array<i64: 2, 16>, scalar_prefetch = 0 : i64, scratch_operands = 4 : i64, tpu.core_type = #tpu.core_type<sc_vector_subcore>, window_params = [{transform_indices = #map}, {transform_indices = #map1}, {transform_indices = #map1}]} {
    %mul3A = arith.constant 2 : i32
    %mul3A_0 = arith.muli %arg1, %mul3A : i32
    %add3A = arith.addi %mul3A_0, %arg0 : i32
    %mul3A_1 = arith.constant 1600 : i32
    %mul3A_2 = arith.muli %add3A, %mul3A_1 : i32
    %add3A_3 = arith.constant 0 : i32
    %add3A_4 = arith.addi %mul3A_2, %add3A_3 : i32
    "tpu.region"() ({
      %run_scoped3A = tpu.sem_alloc : memref<!tpu.dma_semaphore, #tpu.memory_space<semaphore_mem>>
      %dma_start3A_806 = tpu.memref_slice %arg2[%add3A_4] : memref<51200xi32, #tpu.memory_space<hbm>> -> memref<800xi32, #tpu.memory_space<hbm>>
      %dma_start3A_807 = tpu.memref_slice %arg2[%add3A_4] : memref<51200xi32, #tpu.memory_space<hbm>> -> memref<800xi32, #tpu.memory_space<hbm>>
      tpu.enqueue_dma source(%dma_start3A_807 : memref<800xi32, #tpu.memory_space<hbm>>) target(%arg5 : memref<800xi32, #tpu.memory_space<vmem>>) target_semaphore(%run_scoped3A : memref<!tpu.dma_semaphore, #tpu.memory_space<semaphore_mem>>)
      %dma_wait3A_808 = tpu.memref_slice %arg2[%add3A_4] : memref<51200xi32, #tpu.memory_space<hbm>> -> memref<800xi32, #tpu.memory_space<hbm>>
      %dma_wait3A_809 = tpu.memref_slice %arg2[%add3A_4] : memref<51200xi32, #tpu.memory_space<hbm>> -> memref<800xi32, #tpu.memory_space<hbm>>
      tpu.wait_dma2 semaphore(%run_scoped3A : memref<!tpu.dma_semaphore, #tpu.memory_space<semaphore_mem>>) src(%dma_wait3A_809 : memref<800xi32, #tpu.memory_space<hbm>>) dst(%arg5 : memref<800xi32, #tpu.memory_space<vmem>>)
      tpu.yield
    }) : () -> ()
    %scan3A = arith.constant 0 : i32
    %scan3A_5 = arith.constant 0 : i32
    %scan3A_6 = arith.constant 50 : i32
    %scan3A_7 = arith.addi %scan3A_5, %scan3A_6 : i32
    %scan3A_8 = arith.constant 1 : i32
    scf.for %scan3A_806 = %scan3A_5 to %scan3A_7 step %scan3A_8  : i32 {
      %mul3A_807 = arith.constant 16 : i32
      %mul3A_808 = arith.muli %scan3A_806, %mul3A_807 : i32
      %get3A = arith.index_cast %mul3A_808 : i32 to index
      %get3A_809 = tpu.vector_load %arg5[%get3A] {strides = array<i32>} : memref<800xi32, #tpu.memory_space<vmem>>, vector<16xi32>,
      %get3A_810 = vector.shape_cast %get3A_809 : vector<16xi32> to vector<16xi32>
      %slice3A = vector.extract_strided_slice %get3A_810 {offsets = [0], sizes = [1], strides = [1]} : vector<16xi32> to vector<1xi32>
      %squeeze3A = vector.extract %slice3A[0] : i32 from vector<1xi32>
      %mul3A_811 = arith.constant 16 : i32
      %mul3A_812 = arith.muli %scan3A_806, %mul3A_811 : i32
      %add3A_813 = arith.constant 0 : i32
      %add3A_814 = arith.addi %mul3A_812, %add3A_813 : i32
      %dma_start3A_815 = arith.constant 0 : i32
      %dma_start3A_816 = tpu.memref_slice %arg6[%add3A_814, %dma_start3A_815] : memref<800x100xf32, #tpu.memory_space<vmem>> -> memref<1x100xf32, #tpu.memory_space<vmem>>
      %dma_start3A_817 = arith.constant 0 : i32
      %dma_start3A_818 = tpu.memref_slice %arg3[%squeeze3A, %dma_start3A_817] : memref<500000x100xf32, #tpu.memory_space<hbm>> -> memref<1x100xf32, #tpu.memory_space<hbm>>
      %dma_start3A_819 = arith.constant 0 : i32
      %dma_start3A_820 = tpu.memref_slice %arg6[%add3A_814, %dma_start3A_819] : memref<800x100xf32, #tpu.memory_space<vmem>> -> memref<1x100xf32, #tpu.memory_space<vmem>>
      %dma_start3A_821 = arith.constant 0 : i32
      %dma_start3A_822 = tpu.memref_slice %arg3[%squeeze3A, %dma_start3A_821] : memref<500000x100xf32, #tpu.memory_space<hbm>> -> memref<1x100xf32, #tpu.memory_space<hbm>>
      tpu.enqueue_dma source(%dma_start3A_822 : memref<1x100xf32, #tpu.memory_space<hbm>>) target(%dma_start3A_820 : memref<1x100xf32, #tpu.memory_space<vmem>>) target_semaphore(%arg7 : memref<!tpu.dma_semaphore, #tpu.memory_space<semaphore_mem>>)
      %slice3A_823 = vector.extract_strided_slice %get3A_810 {offsets = [1], sizes = [1], strides = [1]} : vector<16xi32> to vector<1xi32>
      %squeeze3A_824 = vector.extract %slice3A_823[0] : i32 from vector<1xi32>
      %mul3A_825 = arith.constant 16 : i32
      %mul3A_826 = arith.muli %scan3A_806, %mul3A_825 : i32
      %add3A_827 = arith.constant 1 : i32
      %add3A_828 = arith.addi %mul3A_826, %add3A_827 : i32
      %dma_start3A_829 = arith.constant 0 : i32
      %dma_start3A_830 = tpu.memref_slice %arg6[%add3A_828, %dma_start3A_829] : memref<800x100xf32, #tpu.memory_space<vmem>> -> memref<1x100xf32, #tpu.memory_space<vmem>>
      %dma_start3A_831 = arith.constant 0 : i32
      %dma_start3A_832 = tpu.memref_slice %arg3[%squeeze3A_824, %dma_start3A_831] : memref<500000x100xf32, #tpu.memory_space<hbm>> -> memref<1x100xf32, #tpu.memory_space<hbm>>
      %dma_start3A_833 = arith.constant 0 : i32
      %dma_start3A_834 = tpu.memref_slice %arg6[%add3A_828, %dma_start3A_833] : memref<800x100xf32, #tpu.memory_space<vmem>> -> memref<1x100xf32, #tpu.memory_space<vmem>>
      %dma_start3A_835 = arith.constant 0 : i32
      %dma_start3A_836 = tpu.memref_slice %arg3[%squeeze3A_824, %dma_start3A_835] : memref<500000x100xf32, #tpu.memory_space<hbm>> -> memref<1x100xf32, #tpu.memory_space<hbm>>
      tpu.enqueue_dma source(%dma_start3A_836 : memref<1x100xf32, #tpu.memory_space<hbm>>) target(%dma_start3A_834 : memref<1x100xf32, #tpu.memory_space<vmem>>) target_semaphore(%arg7 : memref<!tpu.dma_semaphore, #tpu.memory_space<semaphore_mem>>)
      %slice3A_837 = vector.extract_strided_slice %get3A_810 {offsets = [2], sizes = [1], strides = [1]} : vector<16xi32> to vector<1xi32>
      %squeeze3A_838 = vector.extract %slice3A_837[0] : i32 from vector<1xi32>
      %mul3A_839 = arith.constant 16 : i32
      %mul3A_840 = arith.muli %scan3A_806, %mul3A_839 : i32
      %add3A_841 = arith.constant 2 : i32
      %add3A_842 = arith.addi %mul3A_840, %add3A_841 : i32
      %dma_start3A_843 = arith.constant 0 : i32
      %dma_start3A_844 = tpu.memref_slice %arg6[%add3A_842, %dma_start3A_843] : memref<800x100xf32, #tpu.memory_space<vmem>> -> memref<1x100xf32, #tpu.memory_space<vmem>>
      %dma_start3A_845 = arith.constant 0 : i32
      %dma_start3A_846 = tpu.memref_slice %arg3[%squeeze3A_838, %dma_start3A_845] : memref<500000x100xf32, #tpu.memory_space<hbm>> -> memref<1x100xf32, #tpu.memory_space<hbm>>
      %dma_start3A_847 = arith.constant 0 : i32
      %dma_start3A_848 = tpu.memref_slice %arg6[%add3A_842, %dma_start3A_847] : memref<800x100xf32, #tpu.memory_space<vmem>> -> memref<1x100xf32, #tpu.memory_space<vmem>>
      %dma_start3A_849 = arith.constant 0 : i32
      %dma_start3A_850 = tpu.memref_slice %arg3[%squeeze3A_838, %dma_start3A_849] : memref<500000x100xf32, #tpu.memory_space<hbm>> -> memref<1x100xf32, #tpu.memory_space<hbm>>
      tpu.enqueue_dma source(%dma_start3A_850 : memref<1x100xf32, #tpu.memory_space<hbm>>) target(%dma_start3A_848 : memref<1x100xf32, #tpu.memory_space<vmem>>) target_semaphore(%arg7 : memref<!tpu.dma_semaphore, #tpu.memory_space<semaphore_mem>>)
      %slice3A_851 = vector.extract_strided_slice %get3A_810 {offsets = [3], sizes = [1], strides = [1]} : vector<16xi32> to vector<1xi32>
      %squeeze3A_852 = vector.extract %slice3A_851[0] : i32 from vector<1xi32>
      %mul3A_853 = arith.constant 16 : i32
      %mul3A_854 = arith.muli %scan3A_806, %mul3A_853 : i32
      %add3A_855 = arith.constant 3 : i32
      %add3A_856 = arith.addi %mul3A_854, %add3A_855 : i32
      %dma_start3A_857 = arith.constant 0 : i32
      %dma_start3A_858 = tpu.memref_slice %arg6[%add3A_856, %dma_start3A_857] : memref<800x100xf32, #tpu.memory_space<vmem>> -> memref<1x100xf32, #tpu.memory_space<vmem>>
      %dma_start3A_859 = arith.constant 0 : i32
      %dma_start3A_860 = tpu.memref_slice %arg3[%squeeze3A_852, %dma_start3A_859] : memref<500000x100xf32, #tpu.memory_space<hbm>> -> memref<1x100xf32, #tpu.memory_space<hbm>>
      %dma_start3A_861 = arith.constant 0 : i32
      %dma_start3A_862 = tpu.memref_slice %arg6[%add3A_856, %dma_start3A_861] : memref<800x100xf32, #tpu.memory_space<vmem>> -> memref<1x100xf32, #tpu.memory_space<vmem>>
      %dma_start3A_863 = arith.constant 0 : i32
      %dma_start3A_864 = tpu.memref_slice %arg3[%squeeze3A_852, %dma_start3A_863] : memref<500000x100xf32, #tpu.memory_space<hbm>> -> memref<1x100xf32, #tpu.memory_space<hbm>>
      tpu.enqueue_dma source(%dma_start3A_864 : memref<1x100xf32, #tpu.memory_space<hbm>>) target(%dma_start3A_862 : memref<1x100xf32, #tpu.memory_space<vmem>>) target_semaphore(%arg7 : memref<!tpu.dma_semaphore, #tpu.memory_space<semaphore_mem>>)
      %slice3A_865 = vector.extract_strided_slice %get3A_810 {offsets = [4], sizes = [1], strides = [1]} : vector<16xi32> to vector<1xi32>
      %squeeze3A_866 = vector.extract %slice3A_865[0] : i32 from vector<1xi32>
      %mul3A_867 = arith.constant 16 : i32
      %mul3A_868 = arith.muli %scan3A_806, %mul3A_867 : i32
      %add3A_869 = arith.constant 4 : i32
      %add3A_870 = arith.addi %mul3A_868, %add3A_869 : i32
      %dma_start3A_871 = arith.constant 0 : i32
      %dma_start3A_872 = tpu.memref_slice %arg6[%add3A_870, %dma_start3A_871] : memref<800x100xf32, #tpu.memory_space<vmem>> -> memref<1x100xf32, #tpu.memory_space<vmem>>
      %dma_start3A_873 = arith.constant 0 : i32
      %dma_start3A_874 = tpu.memref_slice %arg3[%squeeze3A_866, %dma_start3A_873] : memref<500000x100xf32, #tpu.memory_space<hbm>> -> memref<1x100xf32, #tpu.memory_space<hbm>>
      %dma_start3A_875 = arith.constant 0 : i32
      %dma_start3A_876 = tpu.memref_slice %arg6[%add3A_870, %dma_start3A_875] : memref<800x100xf32, #tpu.memory_space<vmem>> -> memref<1x100xf32, #tpu.memory_space<vmem>>
      %dma_start3A_877 = arith.constant 0 : i32
      %dma_start3A_878 = tpu.memref_slice %arg3[%squeeze3A_866, %dma_start3A_877] : memref<500000x100xf32, #tpu.memory_space<hbm>> -> memref<1x100xf32, #tpu.memory_space<hbm>>
      tpu.enqueue_dma source(%dma_start3A_878 : memref<1x100xf32, #tpu.memory_space<hbm>>) target(%dma_start3A_876 : memref<1x100xf32, #tpu.memory_space<vmem>>) target_semaphore(%arg7 : memref<!tpu.dma_semaphore, #tpu.memory_space<semaphore_mem>>)
      %slice3A_879 = vector.extract_strided_slice %get3A_810 {offsets = [5], sizes = [1], strides = [1]} : vector<16xi32> to vector<1xi32>
      %squeeze3A_880 = vector.extract %slice3A_879[0] : i32 from vector<1xi32>
      %mul3A_881 = arith.constant 16 : i32
      %mul3A_882 = arith.muli %scan3A_806, %mul3A_881 : i32
      %add3A_883 = arith.constant 5 : i32
      %add3A_884 = arith.addi %mul3A_882, %add3A_883 : i32
      %dma_start3A_885 = arith.constant 0 : i32
      %dma_start3A_886 = tpu.memref_slice %arg6[%add3A_884, %dma_start3A_885] : memref<800x100xf32, #tpu.memory_space<vmem>> -> memref<1x100xf32, #tpu.memory_space<vmem>>
      %dma_start3A_887 = arith.constant 0 : i32
      %dma_start3A_888 = tpu.memref_slice %arg3[%squeeze3A_880, %dma_start3A_887] : memref<500000x100xf32, #tpu.memory_space<hbm>> -> memref<1x100xf32, #tpu.memory_space<hbm>>
      %dma_start3A_889 = arith.constant 0 : i32
      %dma_start3A_890 = tpu.memref_slice %arg6[%add3A_884, %dma_start3A_889] : memref<800x100xf32, #tpu.memory_space<vmem>> -> memref<1x100xf32, #tpu.memory_space<vmem>>
      %dma_start3A_891 = arith.constant 0 : i32
      %dma_start3A_892 = tpu.memref_slice %arg3[%squeeze3A_880, %dma_start3A_891] : memref<500000x100xf32, #tpu.memory_space<hbm>> -> memref<1x100xf32, #tpu.memory_space<hbm>>
      tpu.enqueue_dma source(%dma_start3A_892 : memref<1x100xf32, #tpu.memory_space<hbm>>) target(%dma_start3A_890 : memref<1x100xf32, #tpu.memory_space<vmem>>) target_semaphore(%arg7 : memref<!tpu.dma_semaphore, #tpu.memory_space<semaphore_mem>>)
      %slice3A_893 = vector.extract_strided_slice %get3A_810 {offsets = [6], sizes = [1], strides = [1]} : vector<16xi32> to vector<1xi32>
      %squeeze3A_894 = vector.extract %slice3A_893[0] : i32 from vector<1xi32>
      %mul3A_895 = arith.constant 16 : i32
      %mul3A_896 = arith.muli %scan3A_806, %mul3A_895 : i32
      %add3A_897 = arith.constant 6 : i32
      %add3A_898 = arith.addi %mul3A_896, %add3A_897 : i32
      %dma_start3A_899 = arith.constant 0 : i32
      %dma_start3A_900 = tpu.memref_slice %arg6[%add3A_898, %dma_start3A_899] : memref<800x100xf32, #tpu.memory_space<vmem>> -> memref<1x100xf32, #tpu.memory_space<vmem>>
      %dma_start3A_901 = arith.constant 0 : i32
      %dma_start3A_902 = tpu.memref_slice %arg3[%squeeze3A_894, %dma_start3A_901] : memref<500000x100xf32, #tpu.memory_space<hbm>> -> memref<1x100xf32, #tpu.memory_space<hbm>>
      %dma_start3A_903 = arith.constant 0 : i32
      %dma_start3A_904 = tpu.memref_slice %arg6[%add3A_898, %dma_start3A_903] : memref<800x100xf32, #tpu.memory_space<vmem>> -> memref<1x100xf32, #tpu.memory_space<vmem>>
      %dma_start3A_905 = arith.constant 0 : i32
      %dma_start3A_906 = tpu.memref_slice %arg3[%squeeze3A_894, %dma_start3A_905] : memref<500000x100xf32, #tpu.memory_space<hbm>> -> memref<1x100xf32, #tpu.memory_space<hbm>>
      tpu.enqueue_dma source(%dma_start3A_906 : memref<1x100xf32, #tpu.memory_space<hbm>>) target(%dma_start3A_904 : memref<1x100xf32, #tpu.memory_space<vmem>>) target_semaphore(%arg7 : memref<!tpu.dma_semaphore, #tpu.memory_space<semaphore_mem>>)
      %slice3A_907 = vector.extract_strided_slice %get3A_810 {offsets = [7], sizes = [1], strides = [1]} : vector<16xi32> to vector<1xi32>
      %squeeze3A_908 = vector.extract %slice3A_907[0] : i32 from vector<1xi32>
      %mul3A_909 = arith.constant 16 : i32
      %mul3A_910 = arith.muli %scan3A_806, %mul3A_909 : i32
      %add3A_911 = arith.constant 7 : i32
      %add3A_912 = arith.addi %mul3A_910, %add3A_911 : i32
      %dma_start3A_913 = arith.constant 0 : i32
      %dma_start3A_914 = tpu.memref_slice %arg6[%add3A_912, %dma_start3A_913] : memref<800x100xf32, #tpu.memory_space<vmem>> -> memref<1x100xf32, #tpu.memory_space<vmem>>
      %dma_start3A_915 = arith.constant 0 : i32
      %dma_start3A_916 = tpu.memref_slice %arg3[%squeeze3A_908, %dma_start3A_915] : memref<500000x100xf32, #tpu.memory_space<hbm>> -> memref<1x100xf32, #tpu.memory_space<hbm>>
      %dma_start3A_917 = arith.constant 0 : i32
      %dma_start3A_918 = tpu.memref_slice %arg6[%add3A_912, %dma_start3A_917] : memref<800x100xf32, #tpu.memory_space<vmem>> -> memref<1x100xf32, #tpu.memory_space<vmem>>
      %dma_start3A_919 = arith.constant 0 : i32
      %dma_start3A_920 = tpu.memref_slice %arg3[%squeeze3A_908, %dma_start3A_919] : memref<500000x100xf32, #tpu.memory_space<hbm>> -> memref<1x100xf32, #tpu.memory_space<hbm>>
      tpu.enqueue_dma source(%dma_start3A_920 : memref<1x100xf32, #tpu.memory_space<hbm>>) target(%dma_start3A_918 : memref<1x100xf32, #tpu.memory_space<vmem>>) target_semaphore(%arg7 : memref<!tpu.dma_semaphore, #tpu.memory_space<semaphore_mem>>)
      %slice3A_921 = vector.extract_strided_slice %get3A_810 {offsets = [8], sizes = [1], strides = [1]} : vector<16xi32> to vector<1xi32>
      %squeeze3A_922 = vector.extract %slice3A_921[0] : i32 from vector<1xi32>
      %mul3A_923 = arith.constant 16 : i32
      %mul3A_924 = arith.muli %scan3A_806, %mul3A_923 : i32
      %add3A_925 = arith.constant 8 : i32
      %add3A_926 = arith.addi %mul3A_924, %add3A_925 : i32
      %dma_start3A_927 = arith.constant 0 : i32
      %dma_start3A_928 = tpu.memref_slice %arg6[%add3A_926, %dma_start3A_927] : memref<800x100xf32, #tpu.memory_space<vmem>> -> memref<1x100xf32, #tpu.memory_space<vmem>>
      %dma_start3A_929 = arith.constant 0 : i32
      %dma_start3A_930 = tpu.memref_slice %arg3[%squeeze3A_922, %dma_start3A_929] : memref<500000x100xf32, #tpu.memory_space<hbm>> -> memref<1x100xf32, #tpu.memory_space<hbm>>
      %dma_start3A_931 = arith.constant 0 : i32
      %dma_start3A_932 = tpu.memref_slice %arg6[%add3A_926, %dma_start3A_931] : memref<800x100xf32, #tpu.memory_space<vmem>> -> memref<1x100xf32, #tpu.memory_space<vmem>>
      %dma_start3A_933 = arith.constant 0 : i32
      %dma_start3A_934 = tpu.memref_slice %arg3[%squeeze3A_922, %dma_start3A_933] : memref<500000x100xf32, #tpu.memory_space<hbm>> -> memref<1x100xf32, #tpu.memory_space<hbm>>
      tpu.enqueue_dma source(%dma_start3A_934 : memref<1x100xf32, #tpu.memory_space<hbm>>) target(%dma_start3A_932 : memref<1x100xf32, #tpu.memory_space<vmem>>) target_semaphore(%arg7 : memref<!tpu.dma_semaphore, #tpu.memory_space<semaphore_mem>>)
      %slice3A_935 = vector.extract_strided_slice %get3A_810 {offsets = [9], sizes = [1], strides = [1]} : vector<16xi32> to vector<1xi32>
      %squeeze3A_936 = vector.extract %slice3A_935[0] : i32 from vector<1xi32>
      %mul3A_937 = arith.constant 16 : i32
      %mul3A_938 = arith.muli %scan3A_806, %mul3A_937 : i32
      %add3A_939 = arith.constant 9 : i32
      %add3A_940 = arith.addi %mul3A_938, %add3A_939 : i32
      %dma_start3A_941 = arith.constant 0 : i32
      %dma_start3A_942 = tpu.memref_slice %arg6[%add3A_940, %dma_start3A_941] : memref<800x100xf32, #tpu.memory_space<vmem>> -> memref<1x100xf32, #tpu.memory_space<vmem>>
      %dma_start3A_943 = arith.constant 0 : i32
      %dma_start3A_944 = tpu.memref_slice %arg3[%squeeze3A_936, %dma_start3A_943] : memref<500000x100xf32, #tpu.memory_space<hbm>> -> memref<1x100xf32, #tpu.memory_space<hbm>>
      %dma_start3A_945 = arith.constant 0 : i32
      %dma_start3A_946 = tpu.memref_slice %arg6[%add3A_940, %dma_start3A_945] : memref<800x100xf32, #tpu.memory_space<vmem>> -> memref<1x100xf32, #tpu.memory_space<vmem>>
      %dma_start3A_947 = arith.constant 0 : i32
      %dma_start3A_948 = tpu.memref_slice %arg3[%squeeze3A_936, %dma_start3A_947] : memref<500000x100xf32, #tpu.memory_space<hbm>> -> memref<1x100xf32, #tpu.memory_space<hbm>>
      tpu.enqueue_dma source(%dma_start3A_948 : memref<1x100xf32, #tpu.memory_space<hbm>>) target(%dma_start3A_946 : memref<1x100xf32, #tpu.memory_space<vmem>>) target_semaphore(%arg7 : memref<!tpu.dma_semaphore, #tpu.memory_space<semaphore_mem>>)
      %slice3A_949 = vector.extract_strided_slice %get3A_810 {offsets = [10], sizes = [1], strides = [1]} : vector<16xi32> to vector<1xi32>
      %squeeze3A_950 = vector.extract %slice3A_949[0] : i32 from vector<1xi32>
      %mul3A_951 = arith.constant 16 : i32
      %mul3A_952 = arith.muli %scan3A_806, %mul3A_951 : i32
      %add3A_953 = arith.constant 10 : i32
      %add3A_954 = arith.addi %mul3A_952, %add3A_953 : i32
      %dma_start3A_955 = arith.constant 0 : i32
      %dma_start3A_956 = tpu.memref_slice %arg6[%add3A_954, %dma_start3A_955] : memref<800x100xf32, #tpu.memory_space<vmem>> -> memref<1x100xf32, #tpu.memory_space<vmem>>
      %dma_start3A_957 = arith.constant 0 : i32
      %dma_start3A_958 = tpu.memref_slice %arg3[%squeeze3A_950, %dma_start3A_957] : memref<500000x100xf32, #tpu.memory_space<hbm>> -> memref<1x100xf32, #tpu.memory_space<hbm>>
      %dma_start3A_959 = arith.constant 0 : i32
      %dma_start3A_960 = tpu.memref_slice %arg6[%add3A_954, %dma_start3A_959] : memref<800x100xf32, #tpu.memory_space<vmem>> -> memref<1x100xf32, #tpu.memory_space<vmem>>
      %dma_start3A_961 = arith.constant 0 : i32
      %dma_start3A_962 = tpu.memref_slice %arg3[%squeeze3A_950, %dma_start3A_961] : memref<500000x100xf32, #tpu.memory_space<hbm>> -> memref<1x100xf32, #tpu.memory_space<hbm>>
      tpu.enqueue_dma source(%dma_start3A_962 : memref<1x100xf32, #tpu.memory_space<hbm>>) target(%dma_start3A_960 : memref<1x100xf32, #tpu.memory_space<vmem>>) target_semaphore(%arg7 : memref<!tpu.dma_semaphore, #tpu.memory_space<semaphore_mem>>)
      %slice3A_963 = vector.extract_strided_slice %get3A_810 {offsets = [11], sizes = [1], strides = [1]} : vector<16xi32> to vector<1xi32>
      %squeeze3A_964 = vector.extract %slice3A_963[0] : i32 from vector<1xi32>
      %mul3A_965 = arith.constant 16 : i32
      %mul3A_966 = arith.muli %scan3A_806, %mul3A_965 : i32
      %add3A_967 = arith.constant 11 : i32
      %add3A_968 = arith.addi %mul3A_966, %add3A_967 : i32
      %dma_start3A_969 = arith.constant 0 : i32
      %dma_start3A_970 = tpu.memref_slice %arg6[%add3A_968, %dma_start3A_969] : memref<800x100xf32, #tpu.memory_space<vmem>> -> memref<1x100xf32, #tpu.memory_space<vmem>>
      %dma_start3A_971 = arith.constant 0 : i32
      %dma_start3A_972 = tpu.memref_slice %arg3[%squeeze3A_964, %dma_start3A_971] : memref<500000x100xf32, #tpu.memory_space<hbm>> -> memref<1x100xf32, #tpu.memory_space<hbm>>
      %dma_start3A_973 = arith.constant 0 : i32
      %dma_start3A_974 = tpu.memref_slice %arg6[%add3A_968, %dma_start3A_973] : memref<800x100xf32, #tpu.memory_space<vmem>> -> memref<1x100xf32, #tpu.memory_space<vmem>>
      %dma_start3A_975 = arith.constant 0 : i32
      %dma_start3A_976 = tpu.memref_slice %arg3[%squeeze3A_964, %dma_start3A_975] : memref<500000x100xf32, #tpu.memory_space<hbm>> -> memref<1x100xf32, #tpu.memory_space<hbm>>
      tpu.enqueue_dma source(%dma_start3A_976 : memref<1x100xf32, #tpu.memory_space<hbm>>) target(%dma_start3A_974 : memref<1x100xf32, #tpu.memory_space<vmem>>) target_semaphore(%arg7 : memref<!tpu.dma_semaphore, #tpu.memory_space<semaphore_mem>>)
      %slice3A_977 = vector.extract_strided_slice %get3A_810 {offsets = [12], sizes = [1], strides = [1]} : vector<16xi32> to vector<1xi32>
      %squeeze3A_978 = vector.extract %slice3A_977[0] : i32 from vector<1xi32>
      %mul3A_979 = arith.constant 16 : i32
      %mul3A_980 = arith.muli %scan3A_806, %mul3A_979 : i32
      %add3A_981 = arith.constant 12 : i32
      %add3A_982 = arith.addi %mul3A_980, %add3A_981 : i32
      %dma_start3A_983 = arith.constant 0 : i32
      %dma_start3A_984 = tpu.memref_slice %arg6[%add3A_982, %dma_start3A_983] : memref<800x100xf32, #tpu.memory_space<vmem>> -> memref<1x100xf32, #tpu.memory_space<vmem>>
      %dma_start3A_985 = arith.constant 0 : i32
      %dma_start3A_986 = tpu.memref_slice %arg3[%squeeze3A_978, %dma_start3A_985] : memref<500000x100xf32, #tpu.memory_space<hbm>> -> memref<1x100xf32, #tpu.memory_space<hbm>>
      %dma_start3A_987 = arith.constant 0 : i32
      %dma_start3A_988 = tpu.memref_slice %arg6[%add3A_982, %dma_start3A_987] : memref<800x100xf32, #tpu.memory_space<vmem>> -> memref<1x100xf32, #tpu.memory_space<vmem>>
      %dma_start3A_989 = arith.constant 0 : i32
      %dma_start3A_990 = tpu.memref_slice %arg3[%squeeze3A_978, %dma_start3A_989] : memref<500000x100xf32, #tpu.memory_space<hbm>> -> memref<1x100xf32, #tpu.memory_space<hbm>>
      tpu.enqueue_dma source(%dma_start3A_990 : memref<1x100xf32, #tpu.memory_space<hbm>>) target(%dma_start3A_988 : memref<1x100xf32, #tpu.memory_space<vmem>>) target_semaphore(%arg7 : memref<!tpu.dma_semaphore, #tpu.memory_space<semaphore_mem>>)
      %slice3A_991 = vector.extract_strided_slice %get3A_810 {offsets = [13], sizes = [1], strides = [1]} : vector<16xi32> to vector<1xi32>
      %squeeze3A_992 = vector.extract %slice3A_991[0] : i32 from vector<1xi32>
      %mul3A_993 = arith.constant 16 : i32
      %mul3A_994 = arith.muli %scan3A_806, %mul3A_993 : i32
      %add3A_995 = arith.constant 13 : i32
      %add3A_996 = arith.addi %mul3A_994, %add3A_995 : i32
      %dma_start3A_997 = arith.constant 0 : i32
      %dma_start3A_998 = tpu.memref_slice %arg6[%add3A_996, %dma_start3A_997] : memref<800x100xf32, #tpu.memory_space<vmem>> -> memref<1x100xf32, #tpu.memory_space<vmem>>
      %dma_start3A_999 = arith.constant 0 : i32
      %dma_start3A_1000 = tpu.memref_slice %arg3[%squeeze3A_992, %dma_start3A_999] : memref<500000x100xf32, #tpu.memory_space<hbm>> -> memref<1x100xf32, #tpu.memory_space<hbm>>
      %dma_start3A_1001 = arith.constant 0 : i32
      %dma_start3A_1002 = tpu.memref_slice %arg6[%add3A_996, %dma_start3A_1001] : memref<800x100xf32, #tpu.memory_space<vmem>> -> memref<1x100xf32, #tpu.memory_space<vmem>>
      %dma_start3A_1003 = arith.constant 0 : i32
      %dma_start3A_1004 = tpu.memref_slice %arg3[%squeeze3A_992, %dma_start3A_1003] : memref<500000x100xf32, #tpu.memory_space<hbm>> -> memref<1x100xf32, #tpu.memory_space<hbm>>
      tpu.enqueue_dma source(%dma_start3A_1004 : memref<1x100xf32, #tpu.memory_space<hbm>>) target(%dma_start3A_1002 : memref<1x100xf32, #tpu.memory_space<vmem>>) target_semaphore(%arg7 : memref<!tpu.dma_semaphore, #tpu.memory_space<semaphore_mem>>)
      %slice3A_1005 = vector.extract_strided_slice %get3A_810 {offsets = [14], sizes = [1], strides = [1]} : vector<16xi32> to vector<1xi32>
      %squeeze3A_1006 = vector.extract %slice3A_1005[0] : i32 from vector<1xi32>
      %mul3A_1007 = arith.constant 16 : i32
      %mul3A_1008 = arith.muli %scan3A_806, %mul3A_1007 : i32
      %add3A_1009 = arith.constant 14 : i32
      %add3A_1010 = arith.addi %mul3A_1008, %add3A_1009 : i32
      %dma_start3A_1011 = arith.constant 0 : i32
      %dma_start3A_1012 = tpu.memref_slice %arg6[%add3A_1010, %dma_start3A_1011] : memref<800x100xf32, #tpu.memory_space<vmem>> -> memref<1x100xf32, #tpu.memory_space<vmem>>
      %dma_start3A_1013 = arith.constant 0 : i32
      %dma_start3A_1014 = tpu.memref_slice %arg3[%squeeze3A_1006, %dma_start3A_1013] : memref<500000x100xf32, #tpu.memory_space<hbm>> -> memref<1x100xf32, #tpu.memory_space<hbm>>
      %dma_start3A_1015 = arith.constant 0 : i32
      %dma_start3A_1016 = tpu.memref_slice %arg6[%add3A_1010, %dma_start3A_1015] : memref<800x100xf32, #tpu.memory_space<vmem>> -> memref<1x100xf32, #tpu.memory_space<vmem>>
      %dma_start3A_1017 = arith.constant 0 : i32
      %dma_start3A_1018 = tpu.memref_slice %arg3[%squeeze3A_1006, %dma_start3A_1017] : memref<500000x100xf32, #tpu.memory_space<hbm>> -> memref<1x100xf32, #tpu.memory_space<hbm>>
      tpu.enqueue_dma source(%dma_start3A_1018 : memref<1x100xf32, #tpu.memory_space<hbm>>) target(%dma_start3A_1016 : memref<1x100xf32, #tpu.memory_space<vmem>>) target_semaphore(%arg7 : memref<!tpu.dma_semaphore, #tpu.memory_space<semaphore_mem>>)
      %slice3A_1019 = vector.extract_strided_slice %get3A_810 {offsets = [15], sizes = [1], strides = [1]} : vector<16xi32> to vector<1xi32>
      %squeeze3A_1020 = vector.extract %slice3A_1019[0] : i32 from vector<1xi32>
      %mul3A_1021 = arith.constant 16 : i32
      %mul3A_1022 = arith.muli %scan3A_806, %mul3A_1021 : i32
      %add3A_1023 = arith.constant 15 : i32
      %add3A_1024 = arith.addi %mul3A_1022, %add3A_1023 : i32
      %dma_start3A_1025 = arith.constant 0 : i32
      %dma_start3A_1026 = tpu.memref_slice %arg6[%add3A_1024, %dma_start3A_1025] : memref<800x100xf32, #tpu.memory_space<vmem>> -> memref<1x100xf32, #tpu.memory_space<vmem>>
      %dma_start3A_1027 = arith.constant 0 : i32
      %dma_start3A_1028 = tpu.memref_slice %arg3[%squeeze3A_1020, %dma_start3A_1027] : memref<500000x100xf32, #tpu.memory_space<hbm>> -> memref<1x100xf32, #tpu.memory_space<hbm>>
      %dma_start3A_1029 = arith.constant 0 : i32
      %dma_start3A_1030 = tpu.memref_slice %arg6[%add3A_1024, %dma_start3A_1029] : memref<800x100xf32, #tpu.memory_space<vmem>> -> memref<1x100xf32, #tpu.memory_space<vmem>>
      %dma_start3A_1031 = arith.constant 0 : i32
      %dma_start3A_1032 = tpu.memref_slice %arg3[%squeeze3A_1020, %dma_start3A_1031] : memref<500000x100xf32, #tpu.memory_space<hbm>> -> memref<1x100xf32, #tpu.memory_space<hbm>>
      tpu.enqueue_dma source(%dma_start3A_1032 : memref<1x100xf32, #tpu.memory_space<hbm>>) target(%dma_start3A_1030 : memref<1x100xf32, #tpu.memory_space<vmem>>) target_semaphore(%arg7 : memref<!tpu.dma_semaphore, #tpu.memory_space<semaphore_mem>>)
      %ge3A = arith.constant 2 : i32
      %ge3A_1033 = arith.cmpi sge, %scan3A_806, %ge3A : i32
      %convert_element_type3A = arith.extui %ge3A_1033 : i1 to i32
      %cond3A = arith.constant 0 : i32
      %cond3A_1034 = arith.cmpi ne, %convert_element_type3A, %cond3A : i32
      scf.if %cond3A_1034 {
        %dma_wait3A_1035 = arith.constant 0 : i32
        %dma_wait3A_1036 = arith.constant 0 : i32
        %dma_wait3A_1037 = tpu.memref_slice %arg6[%dma_wait3A_1035, %dma_wait3A_1036] : memref<800x100xf32, #tpu.memory_space<vmem>> -> memref<1x100xf32, #tpu.memory_space<vmem>>
        %dma_wait3A_1038 = arith.constant 0 : i32
        %dma_wait3A_1039 = arith.constant 0 : i32
        %dma_wait3A_1040 = tpu.memref_slice %arg3[%dma_wait3A_1038, %dma_wait3A_1039] : memref<500000x100xf32, #tpu.memory_space<hbm>> -> memref<1x100xf32, #tpu.memory_space<hbm>>
        %dma_wait3A_1041 = arith.constant 0 : i32
        %dma_wait3A_1042 = arith.constant 0 : i32
        %dma_wait3A_1043 = tpu.memref_slice %arg6[%dma_wait3A_1041, %dma_wait3A_1042] : memref<800x100xf32, #tpu.memory_space<vmem>> -> memref<1x100xf32, #tpu.memory_space<vmem>>
        %dma_wait3A_1044 = arith.constant 0 : i32
        %dma_wait3A_1045 = arith.constant 0 : i32
        %dma_wait3A_1046 = tpu.memref_slice %arg3[%dma_wait3A_1044, %dma_wait3A_1045] : memref<500000x100xf32, #tpu.memory_space<hbm>> -> memref<1x100xf32, #tpu.memory_space<hbm>>
        tpu.wait_dma2 semaphore(%arg7 : memref<!tpu.dma_semaphore, #tpu.memory_space<semaphore_mem>>) src(%dma_wait3A_1046 : memref<1x100xf32, #tpu.memory_space<hbm>>) dst(%dma_wait3A_1043 : memref<1x100xf32, #tpu.memory_space<vmem>>)
        %dma_wait3A_1047 = arith.constant 0 : i32
        %dma_wait3A_1048 = arith.constant 0 : i32
        %dma_wait3A_1049 = tpu.memref_slice %arg6[%dma_wait3A_1047, %dma_wait3A_1048] : memref<800x100xf32, #tpu.memory_space<vmem>> -> memref<1x100xf32, #tpu.memory_space<vmem>>
        %dma_wait3A_1050 = arith.constant 0 : i32
        %dma_wait3A_1051 = arith.constant 0 : i32
        %dma_wait3A_1052 = tpu.memref_slice %arg3[%dma_wait3A_1050, %dma_wait3A_1051] : memref<500000x100xf32, #tpu.memory_space<hbm>> -> memref<1x100xf32, #tpu.memory_space<hbm>>
        %dma_wait3A_1053 = arith.constant 0 : i32
        %dma_wait3A_1054 = arith.constant 0 : i32
        %dma_wait3A_1055 = tpu.memref_slice %arg6[%dma_wait3A_1053, %dma_wait3A_1054] : memref<800x100xf32, #tpu.memory_space<vmem>> -> memref<1x100xf32, #tpu.memory_space<vmem>>
        %dma_wait3A_1056 = arith.constant 0 : i32
        %dma_wait3A_1057 = arith.constant 0 : i32
        %dma_wait3A_1058 = tpu.memref_slice %arg3[%dma_wait3A_1056, %dma_wait3A_1057] : memref<500000x100xf32, #tpu.memory_space<hbm>> -> memref<1x100xf32, #tpu.memory_space<hbm>>
        tpu.wait_dma2 semaphore(%arg7 : memref<!tpu.dma_semaphore, #tpu.memory_space<semaphore_mem>>) src(%dma_wait3A_1058 : memref<1x100xf32, #tpu.memory_space<hbm>>) dst(%dma_wait3A_1055 : memref<1x100xf32, #tpu.memory_space<vmem>>)
        %dma_wait3A_1059 = arith.constant 0 : i32
        %dma_wait3A_1060 = arith.constant 0 : i32
        %dma_wait3A_1061 = tpu.memref_slice %arg6[%dma_wait3A_1059, %dma_wait3A_1060] : memref<800x100xf32, #tpu.memory_space<vmem>> -> memref<1x100xf32, #tpu.memory_space<vmem>>
        %dma_wait3A_1062 = arith.constant 0 : i32
        %dma_wait3A_1063 = arith.constant 0 : i32
        %dma_wait3A_1064 = tpu.memref_slice %arg3[%dma_wait3A_1062, %dma_wait3A_1063] : memref<500000x100xf32, #tpu.memory_space<hbm>> -> memref<1x100xf32, #tpu.memory_space<hbm>>
        %dma_wait3A_1065 = arith.constant 0 : i32
        %dma_wait3A_1066 = arith.constant 0 : i32
        %dma_wait3A_1067 = tpu.memref_slice %arg6[%dma_wait3A_1065, %dma_wait3A_1066] : memref<800x100xf32, #tpu.memory_space<vmem>> -> memref<1x100xf32, #tpu.memory_space<vmem>>
        %dma_wait3A_1068 = arith.constant 0 : i32
        %dma_wait3A_1069 = arith.constant 0 : i32
        %dma_wait3A_1070 = tpu.memref_slice %arg3[%dma_wait3A_1068, %dma_wait3A_1069] : memref<500000x100xf32, #tpu.memory_space<hbm>> -> memref<1x100xf32, #tpu.memory_space<hbm>>
        tpu.wait_dma2 semaphore(%arg7 : memref<!tpu.dma_semaphore, #tpu.memory_space<semaphore_mem>>) src(%dma_wait3A_1070 : memref<1x100xf32, #tpu.memory_space<hbm>>) dst(%dma_wait3A_1067 : memref<1x100xf32, #tpu.memory_space<vmem>>)
        %dma_wait3A_1071 = arith.constant 0 : i32
        %dma_wait3A_1072 = arith.constant 0 : i32
        %dma_wait3A_1073 = tpu.memref_slice %arg6[%dma_wait3A_1071, %dma_wait3A_1072] : memref<800x100xf32, #tpu.memory_space<vmem>> -> memref<1x100xf32, #tpu.memory_space<vmem>>
        %dma_wait3A_1074 = arith.constant 0 : i32
        %dma_wait3A_1075 = arith.constant 0 : i32
        %dma_wait3A_1076 = tpu.memref_slice %arg3[%dma_wait3A_1074, %dma_wait3A_1075] : memref<500000x100xf32, #tpu.memory_space<hbm>> -> memref<1x100xf32, #tpu.memory_space<hbm>>
        %dma_wait3A_1077 = arith.constant 0 : i32
        %dma_wait3A_1078 = arith.constant 0 : i32
        %dma_wait3A_1079 = tpu.memref_slice %arg6[%dma_wait3A_1077, %dma_wait3A_1078] : memref<800x100xf32, #tpu.memory_space<vmem>> -> memref<1x100xf32, #tpu.memory_space<vmem>>
        %dma_wait3A_1080 = arith.constant 0 : i32
        %dma_wait3A_1081 = arith.constant 0 : i32
        %dma_wait3A_1082 = tpu.memref_slice %arg3[%dma_wait3A_1080, %dma_wait3A_1081] : memref<500000x100xf32, #tpu.memory_space<hbm>> -> memref<1x100xf32, #tpu.memory_space<hbm>>
        tpu.wait_dma2 semaphore(%arg7 : memref<!tpu.dma_semaphore, #tpu.memory_space<semaphore_mem>>) src(%dma_wait3A_1082 : memref<1x100xf32, #tpu.memory_space<hbm>>) dst(%dma_wait3A_1079 : memref<1x100xf32, #tpu.memory_space<vmem>>)
        %dma_wait3A_1083 = arith.constant 0 : i32
        %dma_wait3A_1084 = arith.constant 0 : i32
        %dma_wait3A_1085 = tpu.memref_slice %arg6[%dma_wait3A_1083, %dma_wait3A_1084] : memref<800x100xf32, #tpu.memory_space<vmem>> -> memref<1x100xf32, #tpu.memory_space<vmem>>
        %dma_wait3A_1086 = arith.constant 0 : i32
        %dma_wait3A_1087 = arith.constant 0 : i32
        %dma_wait3A_1088 = tpu.memref_slice %arg3[%dma_wait3A_1086, %dma_wait3A_1087] : memref<500000x100xf32, #tpu.memory_space<hbm>> -> memref<1x100xf32, #tpu.memory_space<hbm>>
        %dma_wait3A_1089 = arith.constant 0 : i32
        %dma_wait3A_1090 = arith.constant 0 : i32
        %dma_wait3A_1091 = tpu.memref_slice %arg6[%dma_wait3A_1089, %dma_wait3A_1090] : memref<800x100xf32, #tpu.memory_space<vmem>> -> memref<1x100xf32, #tpu.memory_space<vmem>>
        %dma_wait3A_1092 = arith.constant 0 : i32
        %dma_wait3A_1093 = arith.constant 0 : i32
        %dma_wait3A_1094 = tpu.memref_slice %arg3[%dma_wait3A_1092, %dma_wait3A_1093] : memref<500000x100xf32, #tpu.memory_space<hbm>> -> memref<1x100xf32, #tpu.memory_space<hbm>>
        tpu.wait_dma2 semaphore(%arg7 : memref<!tpu.dma_semaphore, #tpu.memory_space<semaphore_mem>>) src(%dma_wait3A_1094 : memref<1x100xf32, #tpu.memory_space<hbm>>) dst(%dma_wait3A_1091 : memref<1x100xf32, #tpu.memory_space<vmem>>)
        %dma_wait3A_1095 = arith.constant 0 : i32
        %dma_wait3A_1096 = arith.constant 0 : i32
        %dma_wait3A_1097 = tpu.memref_slice %arg6[%dma_wait3A_1095, %dma_wait3A_1096] : memref<800x100xf32, #tpu.memory_space<vmem>> -> memref<1x100xf32, #tpu.memory_space<vmem>>
        %dma_wait3A_1098 = arith.constant 0 : i32
        %dma_wait3A_1099 = arith.constant 0 : i32
        %dma_wait3A_1100 = tpu.memref_slice %arg3[%dma_wait3A_1098, %dma_wait3A_1099] : memref<500000x100xf32, #tpu.memory_space<hbm>> -> memref<1x100xf32, #tpu.memory_space<hbm>>
        %dma_wait3A_1101 = arith.constant 0 : i32
        %dma_wait3A_1102 = arith.constant 0 : i32
        %dma_wait3A_1103 = tpu.memref_slice %arg6[%dma_wait3A_1101, %dma_wait3A_1102] : memref<800x100xf32, #tpu.memory_space<vmem>> -> memref<1x100xf32, #tpu.memory_space<vmem>>
        %dma_wait3A_1104 = arith.constant 0 : i32
        %dma_wait3A_1105 = arith.constant 0 : i32
        %dma_wait3A_1106 = tpu.memref_slice %arg3[%dma_wait3A_1104, %dma_wait3A_1105] : memref<500000x100xf32, #tpu.memory_space<hbm>> -> memref<1x100xf32, #tpu.memory_space<hbm>>
        tpu.wait_dma2 semaphore(%arg7 : memref<!tpu.dma_semaphore, #tpu.memory_space<semaphore_mem>>) src(%dma_wait3A_1106 : memref<1x100xf32, #tpu.memory_space<hbm>>) dst(%dma_wait3A_1103 : memref<1x100xf32, #tpu.memory_space<vmem>>)
        %dma_wait3A_1107 = arith.constant 0 : i32
        %dma_wait3A_1108 = arith.constant 0 : i32
        %dma_wait3A_1109 = tpu.memref_slice %arg6[%dma_wait3A_1107, %dma_wait3A_1108] : memref<800x100xf32, #tpu.memory_space<vmem>> -> memref<1x100xf32, #tpu.memory_space<vmem>>
        %dma_wait3A_1110 = arith.constant 0 : i32
        %dma_wait3A_1111 = arith.constant 0 : i32
        %dma_wait3A_1112 = tpu.memref_slice %arg3[%dma_wait3A_1110, %dma_wait3A_1111] : memref<500000x100xf32, #tpu.memory_space<hbm>> -> memref<1x100xf32, #tpu.memory_space<hbm>>
        %dma_wait3A_1113 = arith.constant 0 : i32
        %dma_wait3A_1114 = arith.constant 0 : i32
        %dma_wait3A_1115 = tpu.memref_slice %arg6[%dma_wait3A_1113, %dma_wait3A_1114] : memref<800x100xf32, #tpu.memory_space<vmem>> -> memref<1x100xf32, #tpu.memory_space<vmem>>
        %dma_wait3A_1116 = arith.constant 0 : i32
        %dma_wait3A_1117 = arith.constant 0 : i32
        %dma_wait3A_1118 = tpu.memref_slice %arg3[%dma_wait3A_1116, %dma_wait3A_1117] : memref<500000x100xf32, #tpu.memory_space<hbm>> -> memref<1x100xf32, #tpu.memory_space<hbm>>
        tpu.wait_dma2 semaphore(%arg7 : memref<!tpu.dma_semaphore, #tpu.memory_space<semaphore_mem>>) src(%dma_wait3A_1118 : memref<1x100xf32, #tpu.memory_space<hbm>>) dst(%dma_wait3A_1115 : memref<1x100xf32, #tpu.memory_space<vmem>>)
        %dma_wait3A_1119 = arith.constant 0 : i32
        %dma_wait3A_1120 = arith.constant 0 : i32
        %dma_wait3A_1121 = tpu.memref_slice %arg6[%dma_wait3A_1119, %dma_wait3A_1120] : memref<800x100xf32, #tpu.memory_space<vmem>> -> memref<1x100xf32, #tpu.memory_space<vmem>>
        %dma_wait3A_1122 = arith.constant 0 : i32
        %dma_wait3A_1123 = arith.constant 0 : i32
        %dma_wait3A_1124 = tpu.memref_slice %arg3[%dma_wait3A_1122, %dma_wait3A_1123] : memref<500000x100xf32, #tpu.memory_space<hbm>> -> memref<1x100xf32, #tpu.memory_space<hbm>>
        %dma_wait3A_1125 = arith.constant 0 : i32
        %dma_wait3A_1126 = arith.constant 0 : i32
        %dma_wait3A_1127 = tpu.memref_slice %arg6[%dma_wait3A_1125, %dma_wait3A_1126] : memref<800x100xf32, #tpu.memory_space<vmem>> -> memref<1x100xf32, #tpu.memory_space<vmem>>
        %dma_wait3A_1128 = arith.constant 0 : i32
        %dma_wait3A_1129 = arith.constant 0 : i32
        %dma_wait3A_1130 = tpu.memref_slice %arg3[%dma_wait3A_1128, %dma_wait3A_1129] : memref<500000x100xf32, #tpu.memory_space<hbm>> -> memref<1x100xf32, #tpu.memory_space<hbm>>
        tpu.wait_dma2 semaphore(%arg7 : memref<!tpu.dma_semaphore, #tpu.memory_space<semaphore_mem>>) src(%dma_wait3A_1130 : memref<1x100xf32, #tpu.memory_space<hbm>>) dst(%dma_wait3A_1127 : memref<1x100xf32, #tpu.memory_space<vmem>>)
        %dma_wait3A_1131 = arith.constant 0 : i32
        %dma_wait3A_1132 = arith.constant 0 : i32
        %dma_wait3A_1133 = tpu.memref_slice %arg6[%dma_wait3A_1131, %dma_wait3A_1132] : memref<800x100xf32, #tpu.memory_space<vmem>> -> memref<1x100xf32, #tpu.memory_space<vmem>>
        %dma_wait3A_1134 = arith.constant 0 : i32
        %dma_wait3A_1135 = arith.constant 0 : i32
        %dma_wait3A_1136 = tpu.memref_slice %arg3[%dma_wait3A_1134, %dma_wait3A_1135] : memref<500000x100xf32, #tpu.memory_space<hbm>> -> memref<1x100xf32, #tpu.memory_space<hbm>>
        %dma_wait3A_1137 = arith.constant 0 : i32
        %dma_wait3A_1138 = arith.constant 0 : i32
        %dma_wait3A_1139 = tpu.memref_slice %arg6[%dma_wait3A_1137, %dma_wait3A_1138] : memref<800x100xf32, #tpu.memory_space<vmem>> -> memref<1x100xf32, #tpu.memory_space<vmem>>
        %dma_wait3A_1140 = arith.constant 0 : i32
        %dma_wait3A_1141 = arith.constant 0 : i32
        %dma_wait3A_1142 = tpu.memref_slice %arg3[%dma_wait3A_1140, %dma_wait3A_1141] : memref<500000x100xf32, #tpu.memory_space<hbm>> -> memref<1x100xf32, #tpu.memory_space<hbm>>
        tpu.wait_dma2 semaphore(%arg7 : memref<!tpu.dma_semaphore, #tpu.memory_space<semaphore_mem>>) src(%dma_wait3A_1142 : memref<1x100xf32, #tpu.memory_space<hbm>>) dst(%dma_wait3A_1139 : memref<1x100xf32, #tpu.memory_space<vmem>>)
        %dma_wait3A_1143 = arith.constant 0 : i32
        %dma_wait3A_1144 = arith.constant 0 : i32
        %dma_wait3A_1145 = tpu.memref_slice %arg6[%dma_wait3A_1143, %dma_wait3A_1144] : memref<800x100xf32, #tpu.memory_space<vmem>> -> memref<1x100xf32, #tpu.memory_space<vmem>>
        %dma_wait3A_1146 = arith.constant 0 : i32
        %dma_wait3A_1147 = arith.constant 0 : i32
        %dma_wait3A_1148 = tpu.memref_slice %arg3[%dma_wait3A_1146, %dma_wait3A_1147] : memref<500000x100xf32, #tpu.memory_space<hbm>> -> memref<1x100xf32, #tpu.memory_space<hbm>>
        %dma_wait3A_1149 = arith.constant 0 : i32
        %dma_wait3A_1150 = arith.constant 0 : i32
        %dma_wait3A_1151 = tpu.memref_slice %arg6[%dma_wait3A_1149, %dma_wait3A_1150] : memref<800x100xf32, #tpu.memory_space<vmem>> -> memref<1x100xf32, #tpu.memory_space<vmem>>
        %dma_wait3A_1152 = arith.constant 0 : i32
        %dma_wait3A_1153 = arith.constant 0 : i32
        %dma_wait3A_1154 = tpu.memref_slice %arg3[%dma_wait3A_1152, %dma_wait3A_1153] : memref<500000x100xf32, #tpu.memory_space<hbm>> -> memref<1x100xf32, #tpu.memory_space<hbm>>
        tpu.wait_dma2 semaphore(%arg7 : memref<!tpu.dma_semaphore, #tpu.memory_space<semaphore_mem>>) src(%dma_wait3A_1154 : memref<1x100xf32, #tpu.memory_space<hbm>>) dst(%dma_wait3A_1151 : memref<1x100xf32, #tpu.memory_space<vmem>>)
        %dma_wait3A_1155 = arith.constant 0 : i32
        %dma_wait3A_1156 = arith.constant 0 : i32
        %dma_wait3A_1157 = tpu.memref_slice %arg6[%dma_wait3A_1155, %dma_wait3A_1156] : memref<800x100xf32, #tpu.memory_space<vmem>> -> memref<1x100xf32, #tpu.memory_space<vmem>>
        %dma_wait3A_1158 = arith.constant 0 : i32
        %dma_wait3A_1159 = arith.constant 0 : i32
        %dma_wait3A_1160 = tpu.memref_slice %arg3[%dma_wait3A_1158, %dma_wait3A_1159] : memref<500000x100xf32, #tpu.memory_space<hbm>> -> memref<1x100xf32, #tpu.memory_space<hbm>>
        %dma_wait3A_1161 = arith.constant 0 : i32
        %dma_wait3A_1162 = arith.constant 0 : i32
        %dma_wait3A_1163 = tpu.memref_slice %arg6[%dma_wait3A_1161, %dma_wait3A_1162] : memref<800x100xf32, #tpu.memory_space<vmem>> -> memref<1x100xf32, #tpu.memory_space<vmem>>
        %dma_wait3A_1164 = arith.constant 0 : i32
        %dma_wait3A_1165 = arith.constant 0 : i32
        %dma_wait3A_1166 = tpu.memref_slice %arg3[%dma_wait3A_1164, %dma_wait3A_1165] : memref<500000x100xf32, #tpu.memory_space<hbm>> -> memref<1x100xf32, #tpu.memory_space<hbm>>
        tpu.wait_dma2 semaphore(%arg7 : memref<!tpu.dma_semaphore, #tpu.memory_space<semaphore_mem>>) src(%dma_wait3A_1166 : memref<1x100xf32, #tpu.memory_space<hbm>>) dst(%dma_wait3A_1163 : memref<1x100xf32, #tpu.memory_space<vmem>>)
        %dma_wait3A_1167 = arith.constant 0 : i32
        %dma_wait3A_1168 = arith.constant 0 : i32
        %dma_wait3A_1169 = tpu.memref_slice %arg6[%dma_wait3A_1167, %dma_wait3A_1168] : memref<800x100xf32, #tpu.memory_space<vmem>> -> memref<1x100xf32, #tpu.memory_space<vmem>>
        %dma_wait3A_1170 = arith.constant 0 : i32
        %dma_wait3A_1171 = arith.constant 0 : i32
        %dma_wait3A_1172 = tpu.memref_slice %arg3[%dma_wait3A_1170, %dma_wait3A_1171] : memref<500000x100xf32, #tpu.memory_space<hbm>> -> memref<1x100xf32, #tpu.memory_space<hbm>>
        %dma_wait3A_1173 = arith.constant 0 : i32
        %dma_wait3A_1174 = arith.constant 0 : i32
        %dma_wait3A_1175 = tpu.memref_slice %arg6[%dma_wait3A_1173, %dma_wait3A_1174] : memref<800x100xf32, #tpu.memory_space<vmem>> -> memref<1x100xf32, #tpu.memory_space<vmem>>
        %dma_wait3A_1176 = arith.constant 0 : i32
        %dma_wait3A_1177 = arith.constant 0 : i32
        %dma_wait3A_1178 = tpu.memref_slice %arg3[%dma_wait3A_1176, %dma_wait3A_1177] : memref<500000x100xf32, #tpu.memory_space<hbm>> -> memref<1x100xf32, #tpu.memory_space<hbm>>
        tpu.wait_dma2 semaphore(%arg7 : memref<!tpu.dma_semaphore, #tpu.memory_space<semaphore_mem>>) src(%dma_wait3A_1178 : memref<1x100xf32, #tpu.memory_space<hbm>>) dst(%dma_wait3A_1175 : memref<1x100xf32, #tpu.memory_space<vmem>>)
        %dma_wait3A_1179 = arith.constant 0 : i32
        %dma_wait3A_1180 = arith.constant 0 : i32
        %dma_wait3A_1181 = tpu.memref_slice %arg6[%dma_wait3A_1179, %dma_wait3A_1180] : memref<800x100xf32, #tpu.memory_space<vmem>> -> memref<1x100xf32, #tpu.memory_space<vmem>>
        %dma_wait3A_1182 = arith.constant 0 : i32
        %dma_wait3A_1183 = arith.constant 0 : i32
        %dma_wait3A_1184 = tpu.memref_slice %arg3[%dma_wait3A_1182, %dma_wait3A_1183] : memref<500000x100xf32, #tpu.memory_space<hbm>> -> memref<1x100xf32, #tpu.memory_space<hbm>>
        %dma_wait3A_1185 = arith.constant 0 : i32
        %dma_wait3A_1186 = arith.constant 0 : i32
        %dma_wait3A_1187 = tpu.memref_slice %arg6[%dma_wait3A_1185, %dma_wait3A_1186] : memref<800x100xf32, #tpu.memory_space<vmem>> -> memref<1x100xf32, #tpu.memory_space<vmem>>
        %dma_wait3A_1188 = arith.constant 0 : i32
        %dma_wait3A_1189 = arith.constant 0 : i32
        %dma_wait3A_1190 = tpu.memref_slice %arg3[%dma_wait3A_1188, %dma_wait3A_1189] : memref<500000x100xf32, #tpu.memory_space<hbm>> -> memref<1x100xf32, #tpu.memory_space<hbm>>
        tpu.wait_dma2 semaphore(%arg7 : memref<!tpu.dma_semaphore, #tpu.memory_space<semaphore_mem>>) src(%dma_wait3A_1190 : memref<1x100xf32, #tpu.memory_space<hbm>>) dst(%dma_wait3A_1187 : memref<1x100xf32, #tpu.memory_space<vmem>>)
        %dma_wait3A_1191 = arith.constant 0 : i32
        %dma_wait3A_1192 = arith.constant 0 : i32
        %dma_wait3A_1193 = tpu.memref_slice %arg6[%dma_wait3A_1191, %dma_wait3A_1192] : memref<800x100xf32, #tpu.memory_space<vmem>> -> memref<1x100xf32, #tpu.memory_space<vmem>>
        %dma_wait3A_1194 = arith.constant 0 : i32
        %dma_wait3A_1195 = arith.constant 0 : i32
        %dma_wait3A_1196 = tpu.memref_slice %arg3[%dma_wait3A_1194, %dma_wait3A_1195] : memref<500000x100xf32, #tpu.memory_space<hbm>> -> memref<1x100xf32, #tpu.memory_space<hbm>>
        %dma_wait3A_1197 = arith.constant 0 : i32
        %dma_wait3A_1198 = arith.constant 0 : i32
        %dma_wait3A_1199 = tpu.memref_slice %arg6[%dma_wait3A_1197, %dma_wait3A_1198] : memref<800x100xf32, #tpu.memory_space<vmem>> -> memref<1x100xf32, #tpu.memory_space<vmem>>
        %dma_wait3A_1200 = arith.constant 0 : i32
        %dma_wait3A_1201 = arith.constant 0 : i32
        %dma_wait3A_1202 = tpu.memref_slice %arg3[%dma_wait3A_1200, %dma_wait3A_1201] : memref<500000x100xf32, #tpu.memory_space<hbm>> -> memref<1x100xf32, #tpu.memory_space<hbm>>
        tpu.wait_dma2 semaphore(%arg7 : memref<!tpu.dma_semaphore, #tpu.memory_space<semaphore_mem>>) src(%dma_wait3A_1202 : memref<1x100xf32, #tpu.memory_space<hbm>>) dst(%dma_wait3A_1199 : memref<1x100xf32, #tpu.memory_space<vmem>>)
        %dma_wait3A_1203 = arith.constant 0 : i32
        %dma_wait3A_1204 = arith.constant 0 : i32
        %dma_wait3A_1205 = tpu.memref_slice %arg6[%dma_wait3A_1203, %dma_wait3A_1204] : memref<800x100xf32, #tpu.memory_space<vmem>> -> memref<1x100xf32, #tpu.memory_space<vmem>>
        %dma_wait3A_1206 = arith.constant 0 : i32
        %dma_wait3A_1207 = arith.constant 0 : i32
        %dma_wait3A_1208 = tpu.memref_slice %arg3[%dma_wait3A_1206, %dma_wait3A_1207] : memref<500000x100xf32, #tpu.memory_space<hbm>> -> memref<1x100xf32, #tpu.memory_space<hbm>>
        %dma_wait3A_1209 = arith.constant 0 : i32
        %dma_wait3A_1210 = arith.constant 0 : i32
        %dma_wait3A_1211 = tpu.memref_slice %arg6[%dma_wait3A_1209, %dma_wait3A_1210] : memref<800x100xf32, #tpu.memory_space<vmem>> -> memref<1x100xf32, #tpu.memory_space<vmem>>
        %dma_wait3A_1212 = arith.constant 0 : i32
        %dma_wait3A_1213 = arith.constant 0 : i32
        %dma_wait3A_1214 = tpu.memref_slice %arg3[%dma_wait3A_1212, %dma_wait3A_1213] : memref<500000x100xf32, #tpu.memory_space<hbm>> -> memref<1x100xf32, #tpu.memory_space<hbm>>
        tpu.wait_dma2 semaphore(%arg7 : memref<!tpu.dma_semaphore, #tpu.memory_space<semaphore_mem>>) src(%dma_wait3A_1214 : memref<1x100xf32, #tpu.memory_space<hbm>>) dst(%dma_wait3A_1211 : memref<1x100xf32, #tpu.memory_space<vmem>>)
        %dma_wait3A_1215 = arith.constant 0 : i32
        %dma_wait3A_1216 = arith.constant 0 : i32
        %dma_wait3A_1217 = tpu.memref_slice %arg6[%dma_wait3A_1215, %dma_wait3A_1216] : memref<800x100xf32, #tpu.memory_space<vmem>> -> memref<1x100xf32, #tpu.memory_space<vmem>>
        %dma_wait3A_1218 = arith.constant 0 : i32
        %dma_wait3A_1219 = arith.constant 0 : i32
        %dma_wait3A_1220 = tpu.memref_slice %arg3[%dma_wait3A_1218, %dma_wait3A_1219] : memref<500000x100xf32, #tpu.memory_space<hbm>> -> memref<1x100xf32, #tpu.memory_space<hbm>>
        %dma_wait3A_1221 = arith.constant 0 : i32
        %dma_wait3A_1222 = arith.constant 0 : i32
        %dma_wait3A_1223 = tpu.memref_slice %arg6[%dma_wait3A_1221, %dma_wait3A_1222] : memref<800x100xf32, #tpu.memory_space<vmem>> -> memref<1x100xf32, #tpu.memory_space<vmem>>
        %dma_wait3A_1224 = arith.constant 0 : i32
        %dma_wait3A_1225 = arith.constant 0 : i32
        %dma_wait3A_1226 = tpu.memref_slice %arg3[%dma_wait3A_1224, %dma_wait3A_1225] : memref<500000x100xf32, #tpu.memory_space<hbm>> -> memref<1x100xf32, #tpu.memory_space<hbm>>
        tpu.wait_dma2 semaphore(%arg7 : memref<!tpu.dma_semaphore, #tpu.memory_space<semaphore_mem>>) src(%dma_wait3A_1226 : memref<1x100xf32, #tpu.memory_space<hbm>>) dst(%dma_wait3A_1223 : memref<1x100xf32, #tpu.memory_space<vmem>>)
      } else {
      }
    }
    %scan3A_9 = arith.constant 50 : i32
    %dma_wait3A = arith.constant 0 : i32
    %dma_wait3A_10 = arith.constant 0 : i32
    %dma_wait3A_11 = tpu.memref_slice %arg6[%dma_wait3A, %dma_wait3A_10] : memref<800x100xf32, #tpu.memory_space<vmem>> -> memref<1x100xf32, #tpu.memory_space<vmem>>
    %dma_wait3A_12 = arith.constant 0 : i32
    %dma_wait3A_13 = arith.constant 0 : i32
    %dma_wait3A_14 = tpu.memref_slice %arg3[%dma_wait3A_12, %dma_wait3A_13] : memref<500000x100xf32, #tpu.memory_space<hbm>> -> memref<1x100xf32, #tpu.memory_space<hbm>>
    %dma_wait3A_15 = arith.constant 0 : i32
    %dma_wait3A_16 = arith.constant 0 : i32
    %dma_wait3A_17 = tpu.memref_slice %arg6[%dma_wait3A_15, %dma_wait3A_16] : memref<800x100xf32, #tpu.memory_space<vmem>> -> memref<1x100xf32, #tpu.memory_space<vmem>>
    %dma_wait3A_18 = arith.constant 0 : i32
    %dma_wait3A_19 = arith.constant 0 : i32
    %dma_wait3A_20 = tpu.memref_slice %arg3[%dma_wait3A_18, %dma_wait3A_19] : memref<500000x100xf32, #tpu.memory_space<hbm>> -> memref<1x100xf32, #tpu.memory_space<hbm>>
    tpu.wait_dma2 semaphore(%arg7 : memref<!tpu.dma_semaphore, #tpu.memory_space<semaphore_mem>>) src(%dma_wait3A_20 : memref<1x100xf32, #tpu.memory_space<hbm>>) dst(%dma_wait3A_17 : memref<1x100xf32, #tpu.memory_space<vmem>>)
    %dma_wait3A_21 = arith.constant 0 : i32
    %dma_wait3A_22 = arith.constant 0 : i32
    %dma_wait3A_23 = tpu.memref_slice %arg6[%dma_wait3A_21, %dma_wait3A_22] : memref<800x100xf32, #tpu.memory_space<vmem>> -> memref<1x100xf32, #tpu.memory_space<vmem>>
    %dma_wait3A_24 = arith.constant 0 : i32
    %dma_wait3A_25 = arith.constant 0 : i32
    %dma_wait3A_26 = tpu.memref_slice %arg3[%dma_wait3A_24, %dma_wait3A_25] : memref<500000x100xf32, #tpu.memory_space<hbm>> -> memref<1x100xf32, #tpu.memory_space<hbm>>
    %dma_wait3A_27 = arith.constant 0 : i32
    %dma_wait3A_28 = arith.constant 0 : i32
    %dma_wait3A_29 = tpu.memref_slice %arg6[%dma_wait3A_27, %dma_wait3A_28] : memref<800x100xf32, #tpu.memory_space<vmem>> -> memref<1x100xf32, #tpu.memory_space<vmem>>
    %dma_wait3A_30 = arith.constant 0 : i32
    %dma_wait3A_31 = arith.constant 0 : i32
    %dma_wait3A_32 = tpu.memref_slice %arg3[%dma_wait3A_30, %dma_wait3A_31] : memref<500000x100xf32, #tpu.memory_space<hbm>> -> memref<1x100xf32, #tpu.memory_space<hbm>>
    tpu.wait_dma2 semaphore(%arg7 : memref<!tpu.dma_semaphore, #tpu.memory_space<semaphore_mem>>) src(%dma_wait3A_32 : memref<1x100xf32, #tpu.memory_space<hbm>>) dst(%dma_wait3A_29 : memref<1x100xf32, #tpu.memory_space<vmem>>)
    %dma_wait3A_33 = arith.constant 0 : i32
    %dma_wait3A_34 = arith.constant 0 : i32
    %dma_wait3A_35 = tpu.memref_slice %arg6[%dma_wait3A_33, %dma_wait3A_34] : memref<800x100xf32, #tpu.memory_space<vmem>> -> memref<1x100xf32, #tpu.memory_space<vmem>>
    %dma_wait3A_36 = arith.constant 0 : i32
    %dma_wait3A_37 = arith.constant 0 : i32
    %dma_wait3A_38 = tpu.memref_slice %arg3[%dma_wait3A_36, %dma_wait3A_37] : memref<500000x100xf32, #tpu.memory_space<hbm>> -> memref<1x100xf32, #tpu.memory_space<hbm>>
    %dma_wait3A_39 = arith.constant 0 : i32
    %dma_wait3A_40 = arith.constant 0 : i32
    %dma_wait3A_41 = tpu.memref_slice %arg6[%dma_wait3A_39, %dma_wait3A_40] : memref<800x100xf32, #tpu.memory_space<vmem>> -> memref<1x100xf32, #tpu.memory_space<vmem>>
    %dma_wait3A_42 = arith.constant 0 : i32
    %dma_wait3A_43 = arith.constant 0 : i32
    %dma_wait3A_44 = tpu.memref_slice %arg3[%dma_wait3A_42, %dma_wait3A_43] : memref<500000x100xf32, #tpu.memory_space<hbm>> -> memref<1x100xf32, #tpu.memory_space<hbm>>
    tpu.wait_dma2 semaphore(%arg7 : memref<!tpu.dma_semaphore, #tpu.memory_space<semaphore_mem>>) src(%dma_wait3A_44 : memref<1x100xf32, #tpu.memory_space<hbm>>) dst(%dma_wait3A_41 : memref<1x100xf32, #tpu.memory_space<vmem>>)
    %dma_wait3A_45 = arith.constant 0 : i32
    %dma_wait3A_46 = arith.constant 0 : i32
    %dma_wait3A_47 = tpu.memref_slice %arg6[%dma_wait3A_45, %dma_wait3A_46] : memref<800x100xf32, #tpu.memory_space<vmem>> -> memref<1x100xf32, #tpu.memory_space<vmem>>
    %dma_wait3A_48 = arith.constant 0 : i32
    %dma_wait3A_49 = arith.constant 0 : i32
    %dma_wait3A_50 = tpu.memref_slice %arg3[%dma_wait3A_48, %dma_wait3A_49] : memref<500000x100xf32, #tpu.memory_space<hbm>> -> memref<1x100xf32, #tpu.memory_space<hbm>>
    %dma_wait3A_51 = arith.constant 0 : i32
    %dma_wait3A_52 = arith.constant 0 : i32
    %dma_wait3A_53 = tpu.memref_slice %arg6[%dma_wait3A_51, %dma_wait3A_52] : memref<800x100xf32, #tpu.memory_space<vmem>> -> memref<1x100xf32, #tpu.memory_space<vmem>>
    %dma_wait3A_54 = arith.constant 0 : i32
    %dma_wait3A_55 = arith.constant 0 : i32
    %dma_wait3A_56 = tpu.memref_slice %arg3[%dma_wait3A_54, %dma_wait3A_55] : memref<500000x100xf32, #tpu.memory_space<hbm>> -> memref<1x100xf32, #tpu.memory_space<hbm>>
    tpu.wait_dma2 semaphore(%arg7 : memref<!tpu.dma_semaphore, #tpu.memory_space<semaphore_mem>>) src(%dma_wait3A_56 : memref<1x100xf32, #tpu.memory_space<hbm>>) dst(%dma_wait3A_53 : memref<1x100xf32, #tpu.memory_space<vmem>>)
    %dma_wait3A_57 = arith.constant 0 : i32
    %dma_wait3A_58 = arith.constant 0 : i32
    %dma_wait3A_59 = tpu.memref_slice %arg6[%dma_wait3A_57, %dma_wait3A_58] : memref<800x100xf32, #tpu.memory_space<vmem>> -> memref<1x100xf32, #tpu.memory_space<vmem>>
    %dma_wait3A_60 = arith.constant 0 : i32
    %dma_wait3A_61 = arith.constant 0 : i32
    %dma_wait3A_62 = tpu.memref_slice %arg3[%dma_wait3A_60, %dma_wait3A_61] : memref<500000x100xf32, #tpu.memory_space<hbm>> -> memref<1x100xf32, #tpu.memory_space<hbm>>
    %dma_wait3A_63 = arith.constant 0 : i32
    %dma_wait3A_64 = arith.constant 0 : i32
    %dma_wait3A_65 = tpu.memref_slice %arg6[%dma_wait3A_63, %dma_wait3A_64] : memref<800x100xf32, #tpu.memory_space<vmem>> -> memref<1x100xf32, #tpu.memory_space<vmem>>
    %dma_wait3A_66 = arith.constant 0 : i32
    %dma_wait3A_67 = arith.constant 0 : i32
    %dma_wait3A_68 = tpu.memref_slice %arg3[%dma_wait3A_66, %dma_wait3A_67] : memref<500000x100xf32, #tpu.memory_space<hbm>> -> memref<1x100xf32, #tpu.memory_space<hbm>>
    tpu.wait_dma2 semaphore(%arg7 : memref<!tpu.dma_semaphore, #tpu.memory_space<semaphore_mem>>) src(%dma_wait3A_68 : memref<1x100xf32, #tpu.memory_space<hbm>>) dst(%dma_wait3A_65 : memref<1x100xf32, #tpu.memory_space<vmem>>)
    %dma_wait3A_69 = arith.constant 0 : i32
    %dma_wait3A_70 = arith.constant 0 : i32
    %dma_wait3A_71 = tpu.memref_slice %arg6[%dma_wait3A_69, %dma_wait3A_70] : memref<800x100xf32, #tpu.memory_space<vmem>> -> memref<1x100xf32, #tpu.memory_space<vmem>>
    %dma_wait3A_72 = arith.constant 0 : i32
    %dma_wait3A_73 = arith.constant 0 : i32
    %dma_wait3A_74 = tpu.memref_slice %arg3[%dma_wait3A_72, %dma_wait3A_73] : memref<500000x100xf32, #tpu.memory_space<hbm>> -> memref<1x100xf32, #tpu.memory_space<hbm>>
    %dma_wait3A_75 = arith.constant 0 : i32
    %dma_wait3A_76 = arith.constant 0 : i32
    %dma_wait3A_77 = tpu.memref_slice %arg6[%dma_wait3A_75, %dma_wait3A_76] : memref<800x100xf32, #tpu.memory_space<vmem>> -> memref<1x100xf32, #tpu.memory_space<vmem>>
    %dma_wait3A_78 = arith.constant 0 : i32
    %dma_wait3A_79 = arith.constant 0 : i32
    %dma_wait3A_80 = tpu.memref_slice %arg3[%dma_wait3A_78, %dma_wait3A_79] : memref<500000x100xf32, #tpu.memory_space<hbm>> -> memref<1x100xf32, #tpu.memory_space<hbm>>
    tpu.wait_dma2 semaphore(%arg7 : memref<!tpu.dma_semaphore, #tpu.memory_space<semaphore_mem>>) src(%dma_wait3A_80 : memref<1x100xf32, #tpu.memory_space<hbm>>) dst(%dma_wait3A_77 : memref<1x100xf32, #tpu.memory_space<vmem>>)
    %dma_wait3A_81 = arith.constant 0 : i32
    %dma_wait3A_82 = arith.constant 0 : i32
    %dma_wait3A_83 = tpu.memref_slice %arg6[%dma_wait3A_81, %dma_wait3A_82] : memref<800x100xf32, #tpu.memory_space<vmem>> -> memref<1x100xf32, #tpu.memory_space<vmem>>
    %dma_wait3A_84 = arith.constant 0 : i32
    %dma_wait3A_85 = arith.constant 0 : i32
    %dma_wait3A_86 = tpu.memref_slice %arg3[%dma_wait3A_84, %dma_wait3A_85] : memref<500000x100xf32, #tpu.memory_space<hbm>> -> memref<1x100xf32, #tpu.memory_space<hbm>>
    %dma_wait3A_87 = arith.constant 0 : i32
    %dma_wait3A_88 = arith.constant 0 : i32
    %dma_wait3A_89 = tpu.memref_slice %arg6[%dma_wait3A_87, %dma_wait3A_88] : memref<800x100xf32, #tpu.memory_space<vmem>> -> memref<1x100xf32, #tpu.memory_space<vmem>>
    %dma_wait3A_90 = arith.constant 0 : i32
    %dma_wait3A_91 = arith.constant 0 : i32
    %dma_wait3A_92 = tpu.memref_slice %arg3[%dma_wait3A_90, %dma_wait3A_91] : memref<500000x100xf32, #tpu.memory_space<hbm>> -> memref<1x100xf32, #tpu.memory_space<hbm>>
    tpu.wait_dma2 semaphore(%arg7 : memref<!tpu.dma_semaphore, #tpu.memory_space<semaphore_mem>>) src(%dma_wait3A_92 : memref<1x100xf32, #tpu.memory_space<hbm>>) dst(%dma_wait3A_89 : memref<1x100xf32, #tpu.memory_space<vmem>>)
    %dma_wait3A_93 = arith.constant 0 : i32
    %dma_wait3A_94 = arith.constant 0 : i32
    %dma_wait3A_95 = tpu.memref_slice %arg6[%dma_wait3A_93, %dma_wait3A_94] : memref<800x100xf32, #tpu.memory_space<vmem>> -> memref<1x100xf32, #tpu.memory_space<vmem>>
    %dma_wait3A_96 = arith.constant 0 : i32
    %dma_wait3A_97 = arith.constant 0 : i32
    %dma_wait3A_98 = tpu.memref_slice %arg3[%dma_wait3A_96, %dma_wait3A_97] : memref<500000x100xf32, #tpu.memory_space<hbm>> -> memref<1x100xf32, #tpu.memory_space<hbm>>
    %dma_wait3A_99 = arith.constant 0 : i32
    %dma_wait3A_100 = arith.constant 0 : i32
    %dma_wait3A_101 = tpu.memref_slice %arg6[%dma_wait3A_99, %dma_wait3A_100] : memref<800x100xf32, #tpu.memory_space<vmem>> -> memref<1x100xf32, #tpu.memory_space<vmem>>
    %dma_wait3A_102 = arith.constant 0 : i32
    %dma_wait3A_103 = arith.constant 0 : i32
    %dma_wait3A_104 = tpu.memref_slice %arg3[%dma_wait3A_102, %dma_wait3A_103] : memref<500000x100xf32, #tpu.memory_space<hbm>> -> memref<1x100xf32, #tpu.memory_space<hbm>>
    tpu.wait_dma2 semaphore(%arg7 : memref<!tpu.dma_semaphore, #tpu.memory_space<semaphore_mem>>) src(%dma_wait3A_104 : memref<1x100xf32, #tpu.memory_space<hbm>>) dst(%dma_wait3A_101 : memref<1x100xf32, #tpu.memory_space<vmem>>)
    %dma_wait3A_105 = arith.constant 0 : i32
    %dma_wait3A_106 = arith.constant 0 : i32
    %dma_wait3A_107 = tpu.memref_slice %arg6[%dma_wait3A_105, %dma_wait3A_106] : memref<800x100xf32, #tpu.memory_space<vmem>> -> memref<1x100xf32, #tpu.memory_space<vmem>>
    %dma_wait3A_108 = arith.constant 0 : i32
    %dma_wait3A_109 = arith.constant 0 : i32
    %dma_wait3A_110 = tpu.memref_slice %arg3[%dma_wait3A_108, %dma_wait3A_109] : memref<500000x100xf32, #tpu.memory_space<hbm>> -> memref<1x100xf32, #tpu.memory_space<hbm>>
    %dma_wait3A_111 = arith.constant 0 : i32
    %dma_wait3A_112 = arith.constant 0 : i32
    %dma_wait3A_113 = tpu.memref_slice %arg6[%dma_wait3A_111, %dma_wait3A_112] : memref<800x100xf32, #tpu.memory_space<vmem>> -> memref<1x100xf32, #tpu.memory_space<vmem>>
    %dma_wait3A_114 = arith.constant 0 : i32
    %dma_wait3A_115 = arith.constant 0 : i32
    %dma_wait3A_116 = tpu.memref_slice %arg3[%dma_wait3A_114, %dma_wait3A_115] : memref<500000x100xf32, #tpu.memory_space<hbm>> -> memref<1x100xf32, #tpu.memory_space<hbm>>
    tpu.wait_dma2 semaphore(%arg7 : memref<!tpu.dma_semaphore, #tpu.memory_space<semaphore_mem>>) src(%dma_wait3A_116 : memref<1x100xf32, #tpu.memory_space<hbm>>) dst(%dma_wait3A_113 : memref<1x100xf32, #tpu.memory_space<vmem>>)
    %dma_wait3A_117 = arith.constant 0 : i32
    %dma_wait3A_118 = arith.constant 0 : i32
    %dma_wait3A_119 = tpu.memref_slice %arg6[%dma_wait3A_117, %dma_wait3A_118] : memref<800x100xf32, #tpu.memory_space<vmem>> -> memref<1x100xf32, #tpu.memory_space<vmem>>
    %dma_wait3A_120 = arith.constant 0 : i32
    %dma_wait3A_121 = arith.constant 0 : i32
    %dma_wait3A_122 = tpu.memref_slice %arg3[%dma_wait3A_120, %dma_wait3A_121] : memref<500000x100xf32, #tpu.memory_space<hbm>> -> memref<1x100xf32, #tpu.memory_space<hbm>>
    %dma_wait3A_123 = arith.constant 0 : i32
    %dma_wait3A_124 = arith.constant 0 : i32
    %dma_wait3A_125 = tpu.memref_slice %arg6[%dma_wait3A_123, %dma_wait3A_124] : memref<800x100xf32, #tpu.memory_space<vmem>> -> memref<1x100xf32, #tpu.memory_space<vmem>>
    %dma_wait3A_126 = arith.constant 0 : i32
    %dma_wait3A_127 = arith.constant 0 : i32
    %dma_wait3A_128 = tpu.memref_slice %arg3[%dma_wait3A_126, %dma_wait3A_127] : memref<500000x100xf32, #tpu.memory_space<hbm>> -> memref<1x100xf32, #tpu.memory_space<hbm>>
    tpu.wait_dma2 semaphore(%arg7 : memref<!tpu.dma_semaphore, #tpu.memory_space<semaphore_mem>>) src(%dma_wait3A_128 : memref<1x100xf32, #tpu.memory_space<hbm>>) dst(%dma_wait3A_125 : memref<1x100xf32, #tpu.memory_space<vmem>>)
    %dma_wait3A_129 = arith.constant 0 : i32
    %dma_wait3A_130 = arith.constant 0 : i32
    %dma_wait3A_131 = tpu.memref_slice %arg6[%dma_wait3A_129, %dma_wait3A_130] : memref<800x100xf32, #tpu.memory_space<vmem>> -> memref<1x100xf32, #tpu.memory_space<vmem>>
    %dma_wait3A_132 = arith.constant 0 : i32
    %dma_wait3A_133 = arith.constant 0 : i32
    %dma_wait3A_134 = tpu.memref_slice %arg3[%dma_wait3A_132, %dma_wait3A_133] : memref<500000x100xf32, #tpu.memory_space<hbm>> -> memref<1x100xf32, #tpu.memory_space<hbm>>
    %dma_wait3A_135 = arith.constant 0 : i32
    %dma_wait3A_136 = arith.constant 0 : i32
    %dma_wait3A_137 = tpu.memref_slice %arg6[%dma_wait3A_135, %dma_wait3A_136] : memref<800x100xf32, #tpu.memory_space<vmem>> -> memref<1x100xf32, #tpu.memory_space<vmem>>
    %dma_wait3A_138 = arith.constant 0 : i32
    %dma_wait3A_139 = arith.constant 0 : i32
    %dma_wait3A_140 = tpu.memref_slice %arg3[%dma_wait3A_138, %dma_wait3A_139] : memref<500000x100xf32, #tpu.memory_space<hbm>> -> memref<1x100xf32, #tpu.memory_space<hbm>>
    tpu.wait_dma2 semaphore(%arg7 : memref<!tpu.dma_semaphore, #tpu.memory_space<semaphore_mem>>) src(%dma_wait3A_140 : memref<1x100xf32, #tpu.memory_space<hbm>>) dst(%dma_wait3A_137 : memref<1x100xf32, #tpu.memory_space<vmem>>)
    %dma_wait3A_141 = arith.constant 0 : i32
    %dma_wait3A_142 = arith.constant 0 : i32
    %dma_wait3A_143 = tpu.memref_slice %arg6[%dma_wait3A_141, %dma_wait3A_142] : memref<800x100xf32, #tpu.memory_space<vmem>> -> memref<1x100xf32, #tpu.memory_space<vmem>>
    %dma_wait3A_144 = arith.constant 0 : i32
    %dma_wait3A_145 = arith.constant 0 : i32
    %dma_wait3A_146 = tpu.memref_slice %arg3[%dma_wait3A_144, %dma_wait3A_145] : memref<500000x100xf32, #tpu.memory_space<hbm>> -> memref<1x100xf32, #tpu.memory_space<hbm>>
    %dma_wait3A_147 = arith.constant 0 : i32
    %dma_wait3A_148 = arith.constant 0 : i32
    %dma_wait3A_149 = tpu.memref_slice %arg6[%dma_wait3A_147, %dma_wait3A_148] : memref<800x100xf32, #tpu.memory_space<vmem>> -> memref<1x100xf32, #tpu.memory_space<vmem>>
    %dma_wait3A_150 = arith.constant 0 : i32
    %dma_wait3A_151 = arith.constant 0 : i32
    %dma_wait3A_152 = tpu.memref_slice %arg3[%dma_wait3A_150, %dma_wait3A_151] : memref<500000x100xf32, #tpu.memory_space<hbm>> -> memref<1x100xf32, #tpu.memory_space<hbm>>
    tpu.wait_dma2 semaphore(%arg7 : memref<!tpu.dma_semaphore, #tpu.memory_space<semaphore_mem>>) src(%dma_wait3A_152 : memref<1x100xf32, #tpu.memory_space<hbm>>) dst(%dma_wait3A_149 : memref<1x100xf32, #tpu.memory_space<vmem>>)
    %dma_wait3A_153 = arith.constant 0 : i32
    %dma_wait3A_154 = arith.constant 0 : i32
    %dma_wait3A_155 = tpu.memref_slice %arg6[%dma_wait3A_153, %dma_wait3A_154] : memref<800x100xf32, #tpu.memory_space<vmem>> -> memref<1x100xf32, #tpu.memory_space<vmem>>
    %dma_wait3A_156 = arith.constant 0 : i32
    %dma_wait3A_157 = arith.constant 0 : i32
    %dma_wait3A_158 = tpu.memref_slice %arg3[%dma_wait3A_156, %dma_wait3A_157] : memref<500000x100xf32, #tpu.memory_space<hbm>> -> memref<1x100xf32, #tpu.memory_space<hbm>>
    %dma_wait3A_159 = arith.constant 0 : i32
    %dma_wait3A_160 = arith.constant 0 : i32
    %dma_wait3A_161 = tpu.memref_slice %arg6[%dma_wait3A_159, %dma_wait3A_160] : memref<800x100xf32, #tpu.memory_space<vmem>> -> memref<1x100xf32, #tpu.memory_space<vmem>>
    %dma_wait3A_162 = arith.constant 0 : i32
    %dma_wait3A_163 = arith.constant 0 : i32
    %dma_wait3A_164 = tpu.memref_slice %arg3[%dma_wait3A_162, %dma_wait3A_163] : memref<500000x100xf32, #tpu.memory_space<hbm>> -> memref<1x100xf32, #tpu.memory_space<hbm>>
    tpu.wait_dma2 semaphore(%arg7 : memref<!tpu.dma_semaphore, #tpu.memory_space<semaphore_mem>>) src(%dma_wait3A_164 : memref<1x100xf32, #tpu.memory_space<hbm>>) dst(%dma_wait3A_161 : memref<1x100xf32, #tpu.memory_space<vmem>>)
    %dma_wait3A_165 = arith.constant 0 : i32
    %dma_wait3A_166 = arith.constant 0 : i32
    %dma_wait3A_167 = tpu.memref_slice %arg6[%dma_wait3A_165, %dma_wait3A_166] : memref<800x100xf32, #tpu.memory_space<vmem>> -> memref<1x100xf32, #tpu.memory_space<vmem>>
    %dma_wait3A_168 = arith.constant 0 : i32
    %dma_wait3A_169 = arith.constant 0 : i32
    %dma_wait3A_170 = tpu.memref_slice %arg3[%dma_wait3A_168, %dma_wait3A_169] : memref<500000x100xf32, #tpu.memory_space<hbm>> -> memref<1x100xf32, #tpu.memory_space<hbm>>
    %dma_wait3A_171 = arith.constant 0 : i32
    %dma_wait3A_172 = arith.constant 0 : i32
    %dma_wait3A_173 = tpu.memref_slice %arg6[%dma_wait3A_171, %dma_wait3A_172] : memref<800x100xf32, #tpu.memory_space<vmem>> -> memref<1x100xf32, #tpu.memory_space<vmem>>
    %dma_wait3A_174 = arith.constant 0 : i32
    %dma_wait3A_175 = arith.constant 0 : i32
    %dma_wait3A_176 = tpu.memref_slice %arg3[%dma_wait3A_174, %dma_wait3A_175] : memref<500000x100xf32, #tpu.memory_space<hbm>> -> memref<1x100xf32, #tpu.memory_space<hbm>>
    tpu.wait_dma2 semaphore(%arg7 : memref<!tpu.dma_semaphore, #tpu.memory_space<semaphore_mem>>) src(%dma_wait3A_176 : memref<1x100xf32, #tpu.memory_space<hbm>>) dst(%dma_wait3A_173 : memref<1x100xf32, #tpu.memory_space<vmem>>)
    %dma_wait3A_177 = arith.constant 0 : i32
    %dma_wait3A_178 = arith.constant 0 : i32
    %dma_wait3A_179 = tpu.memref_slice %arg6[%dma_wait3A_177, %dma_wait3A_178] : memref<800x100xf32, #tpu.memory_space<vmem>> -> memref<1x100xf32, #tpu.memory_space<vmem>>
    %dma_wait3A_180 = arith.constant 0 : i32
    %dma_wait3A_181 = arith.constant 0 : i32
    %dma_wait3A_182 = tpu.memref_slice %arg3[%dma_wait3A_180, %dma_wait3A_181] : memref<500000x100xf32, #tpu.memory_space<hbm>> -> memref<1x100xf32, #tpu.memory_space<hbm>>
    %dma_wait3A_183 = arith.constant 0 : i32
    %dma_wait3A_184 = arith.constant 0 : i32
    %dma_wait3A_185 = tpu.memref_slice %arg6[%dma_wait3A_183, %dma_wait3A_184] : memref<800x100xf32, #tpu.memory_space<vmem>> -> memref<1x100xf32, #tpu.memory_space<vmem>>
    %dma_wait3A_186 = arith.constant 0 : i32
    %dma_wait3A_187 = arith.constant 0 : i32
    %dma_wait3A_188 = tpu.memref_slice %arg3[%dma_wait3A_186, %dma_wait3A_187] : memref<500000x100xf32, #tpu.memory_space<hbm>> -> memref<1x100xf32, #tpu.memory_space<hbm>>
    tpu.wait_dma2 semaphore(%arg7 : memref<!tpu.dma_semaphore, #tpu.memory_space<semaphore_mem>>) src(%dma_wait3A_188 : memref<1x100xf32, #tpu.memory_space<hbm>>) dst(%dma_wait3A_185 : memref<1x100xf32, #tpu.memory_space<vmem>>)
    %dma_wait3A_189 = arith.constant 0 : i32
    %dma_wait3A_190 = arith.constant 0 : i32
    %dma_wait3A_191 = tpu.memref_slice %arg6[%dma_wait3A_189, %dma_wait3A_190] : memref<800x100xf32, #tpu.memory_space<vmem>> -> memref<1x100xf32, #tpu.memory_space<vmem>>
    %dma_wait3A_192 = arith.constant 0 : i32
    %dma_wait3A_193 = arith.constant 0 : i32
    %dma_wait3A_194 = tpu.memref_slice %arg3[%dma_wait3A_192, %dma_wait3A_193] : memref<500000x100xf32, #tpu.memory_space<hbm>> -> memref<1x100xf32, #tpu.memory_space<hbm>>
    %dma_wait3A_195 = arith.constant 0 : i32
    %dma_wait3A_196 = arith.constant 0 : i32
    %dma_wait3A_197 = tpu.memref_slice %arg6[%dma_wait3A_195, %dma_wait3A_196] : memref<800x100xf32, #tpu.memory_space<vmem>> -> memref<1x100xf32, #tpu.memory_space<vmem>>
    %dma_wait3A_198 = arith.constant 0 : i32
    %dma_wait3A_199 = arith.constant 0 : i32
    %dma_wait3A_200 = tpu.memref_slice %arg3[%dma_wait3A_198, %dma_wait3A_199] : memref<500000x100xf32, #tpu.memory_space<hbm>> -> memref<1x100xf32, #tpu.memory_space<hbm>>
    tpu.wait_dma2 semaphore(%arg7 : memref<!tpu.dma_semaphore, #tpu.memory_space<semaphore_mem>>) src(%dma_wait3A_200 : memref<1x100xf32, #tpu.memory_space<hbm>>) dst(%dma_wait3A_197 : memref<1x100xf32, #tpu.memory_space<vmem>>)
    %dma_wait3A_201 = arith.constant 0 : i32
    %dma_wait3A_202 = arith.constant 0 : i32
    %dma_wait3A_203 = tpu.memref_slice %arg6[%dma_wait3A_201, %dma_wait3A_202] : memref<800x100xf32, #tpu.memory_space<vmem>> -> memref<1x100xf32, #tpu.memory_space<vmem>>
    %dma_wait3A_204 = arith.constant 0 : i32
    %dma_wait3A_205 = arith.constant 0 : i32
    %dma_wait3A_206 = tpu.memref_slice %arg3[%dma_wait3A_204, %dma_wait3A_205] : memref<500000x100xf32, #tpu.memory_space<hbm>> -> memref<1x100xf32, #tpu.memory_space<hbm>>
    %dma_wait3A_207 = arith.constant 0 : i32
    %dma_wait3A_208 = arith.constant 0 : i32
    %dma_wait3A_209 = tpu.memref_slice %arg6[%dma_wait3A_207, %dma_wait3A_208] : memref<800x100xf32, #tpu.memory_space<vmem>> -> memref<1x100xf32, #tpu.memory_space<vmem>>
    %dma_wait3A_210 = arith.constant 0 : i32
    %dma_wait3A_211 = arith.constant 0 : i32
    %dma_wait3A_212 = tpu.memref_slice %arg3[%dma_wait3A_210, %dma_wait3A_211] : memref<500000x100xf32, #tpu.memory_space<hbm>> -> memref<1x100xf32, #tpu.memory_space<hbm>>
    tpu.wait_dma2 semaphore(%arg7 : memref<!tpu.dma_semaphore, #tpu.memory_space<semaphore_mem>>) src(%dma_wait3A_212 : memref<1x100xf32, #tpu.memory_space<hbm>>) dst(%dma_wait3A_209 : memref<1x100xf32, #tpu.memory_space<vmem>>)
    %dma_wait3A_213 = arith.constant 0 : i32
    %dma_wait3A_214 = arith.constant 0 : i32
    %dma_wait3A_215 = tpu.memref_slice %arg6[%dma_wait3A_213, %dma_wait3A_214] : memref<800x100xf32, #tpu.memory_space<vmem>> -> memref<1x100xf32, #tpu.memory_space<vmem>>
    %dma_wait3A_216 = arith.constant 0 : i32
    %dma_wait3A_217 = arith.constant 0 : i32
    %dma_wait3A_218 = tpu.memref_slice %arg3[%dma_wait3A_216, %dma_wait3A_217] : memref<500000x100xf32, #tpu.memory_space<hbm>> -> memref<1x100xf32, #tpu.memory_space<hbm>>
    %dma_wait3A_219 = arith.constant 0 : i32
    %dma_wait3A_220 = arith.constant 0 : i32
    %dma_wait3A_221 = tpu.memref_slice %arg6[%dma_wait3A_219, %dma_wait3A_220] : memref<800x100xf32, #tpu.memory_space<vmem>> -> memref<1x100xf32, #tpu.memory_space<vmem>>
    %dma_wait3A_222 = arith.constant 0 : i32
    %dma_wait3A_223 = arith.constant 0 : i32
    %dma_wait3A_224 = tpu.memref_slice %arg3[%dma_wait3A_222, %dma_wait3A_223] : memref<500000x100xf32, #tpu.memory_space<hbm>> -> memref<1x100xf32, #tpu.memory_space<hbm>>
    tpu.wait_dma2 semaphore(%arg7 : memref<!tpu.dma_semaphore, #tpu.memory_space<semaphore_mem>>) src(%dma_wait3A_224 : memref<1x100xf32, #tpu.memory_space<hbm>>) dst(%dma_wait3A_221 : memref<1x100xf32, #tpu.memory_space<vmem>>)
    %dma_wait3A_225 = arith.constant 0 : i32
    %dma_wait3A_226 = arith.constant 0 : i32
    %dma_wait3A_227 = tpu.memref_slice %arg6[%dma_wait3A_225, %dma_wait3A_226] : memref<800x100xf32, #tpu.memory_space<vmem>> -> memref<1x100xf32, #tpu.memory_space<vmem>>
    %dma_wait3A_228 = arith.constant 0 : i32
    %dma_wait3A_229 = arith.constant 0 : i32
    %dma_wait3A_230 = tpu.memref_slice %arg3[%dma_wait3A_228, %dma_wait3A_229] : memref<500000x100xf32, #tpu.memory_space<hbm>> -> memref<1x100xf32, #tpu.memory_space<hbm>>
    %dma_wait3A_231 = arith.constant 0 : i32
    %dma_wait3A_232 = arith.constant 0 : i32
    %dma_wait3A_233 = tpu.memref_slice %arg6[%dma_wait3A_231, %dma_wait3A_232] : memref<800x100xf32, #tpu.memory_space<vmem>> -> memref<1x100xf32, #tpu.memory_space<vmem>>
    %dma_wait3A_234 = arith.constant 0 : i32
    %dma_wait3A_235 = arith.constant 0 : i32
    %dma_wait3A_236 = tpu.memref_slice %arg3[%dma_wait3A_234, %dma_wait3A_235] : memref<500000x100xf32, #tpu.memory_space<hbm>> -> memref<1x100xf32, #tpu.memory_space<hbm>>
    tpu.wait_dma2 semaphore(%arg7 : memref<!tpu.dma_semaphore, #tpu.memory_space<semaphore_mem>>) src(%dma_wait3A_236 : memref<1x100xf32, #tpu.memory_space<hbm>>) dst(%dma_wait3A_233 : memref<1x100xf32, #tpu.memory_space<vmem>>)
    %dma_wait3A_237 = arith.constant 0 : i32
    %dma_wait3A_238 = arith.constant 0 : i32
    %dma_wait3A_239 = tpu.memref_slice %arg6[%dma_wait3A_237, %dma_wait3A_238] : memref<800x100xf32, #tpu.memory_space<vmem>> -> memref<1x100xf32, #tpu.memory_space<vmem>>
    %dma_wait3A_240 = arith.constant 0 : i32
    %dma_wait3A_241 = arith.constant 0 : i32
    %dma_wait3A_242 = tpu.memref_slice %arg3[%dma_wait3A_240, %dma_wait3A_241] : memref<500000x100xf32, #tpu.memory_space<hbm>> -> memref<1x100xf32, #tpu.memory_space<hbm>>
    %dma_wait3A_243 = arith.constant 0 : i32
    %dma_wait3A_244 = arith.constant 0 : i32
    %dma_wait3A_245 = tpu.memref_slice %arg6[%dma_wait3A_243, %dma_wait3A_244] : memref<800x100xf32, #tpu.memory_space<vmem>> -> memref<1x100xf32, #tpu.memory_space<vmem>>
    %dma_wait3A_246 = arith.constant 0 : i32
    %dma_wait3A_247 = arith.constant 0 : i32
    %dma_wait3A_248 = tpu.memref_slice %arg3[%dma_wait3A_246, %dma_wait3A_247] : memref<500000x100xf32, #tpu.memory_space<hbm>> -> memref<1x100xf32, #tpu.memory_space<hbm>>
    tpu.wait_dma2 semaphore(%arg7 : memref<!tpu.dma_semaphore, #tpu.memory_space<semaphore_mem>>) src(%dma_wait3A_248 : memref<1x100xf32, #tpu.memory_space<hbm>>) dst(%dma_wait3A_245 : memref<1x100xf32, #tpu.memory_space<vmem>>)
    %dma_wait3A_249 = arith.constant 0 : i32
    %dma_wait3A_250 = arith.constant 0 : i32
    %dma_wait3A_251 = tpu.memref_slice %arg6[%dma_wait3A_249, %dma_wait3A_250] : memref<800x100xf32, #tpu.memory_space<vmem>> -> memref<1x100xf32, #tpu.memory_space<vmem>>
    %dma_wait3A_252 = arith.constant 0 : i32
    %dma_wait3A_253 = arith.constant 0 : i32
    %dma_wait3A_254 = tpu.memref_slice %arg3[%dma_wait3A_252, %dma_wait3A_253] : memref<500000x100xf32, #tpu.memory_space<hbm>> -> memref<1x100xf32, #tpu.memory_space<hbm>>
    %dma_wait3A_255 = arith.constant 0 : i32
    %dma_wait3A_256 = arith.constant 0 : i32
    %dma_wait3A_257 = tpu.memref_slice %arg6[%dma_wait3A_255, %dma_wait3A_256] : memref<800x100xf32, #tpu.memory_space<vmem>> -> memref<1x100xf32, #tpu.memory_space<vmem>>
    %dma_wait3A_258 = arith.constant 0 : i32
    %dma_wait3A_259 = arith.constant 0 : i32
    %dma_wait3A_260 = tpu.memref_slice %arg3[%dma_wait3A_258, %dma_wait3A_259] : memref<500000x100xf32, #tpu.memory_space<hbm>> -> memref<1x100xf32, #tpu.memory_space<hbm>>
    tpu.wait_dma2 semaphore(%arg7 : memref<!tpu.dma_semaphore, #tpu.memory_space<semaphore_mem>>) src(%dma_wait3A_260 : memref<1x100xf32, #tpu.memory_space<hbm>>) dst(%dma_wait3A_257 : memref<1x100xf32, #tpu.memory_space<vmem>>)
    %dma_wait3A_261 = arith.constant 0 : i32
    %dma_wait3A_262 = arith.constant 0 : i32
    %dma_wait3A_263 = tpu.memref_slice %arg6[%dma_wait3A_261, %dma_wait3A_262] : memref<800x100xf32, #tpu.memory_space<vmem>> -> memref<1x100xf32, #tpu.memory_space<vmem>>
    %dma_wait3A_264 = arith.constant 0 : i32
    %dma_wait3A_265 = arith.constant 0 : i32
    %dma_wait3A_266 = tpu.memref_slice %arg3[%dma_wait3A_264, %dma_wait3A_265] : memref<500000x100xf32, #tpu.memory_space<hbm>> -> memref<1x100xf32, #tpu.memory_space<hbm>>
    %dma_wait3A_267 = arith.constant 0 : i32
    %dma_wait3A_268 = arith.constant 0 : i32
    %dma_wait3A_269 = tpu.memref_slice %arg6[%dma_wait3A_267, %dma_wait3A_268] : memref<800x100xf32, #tpu.memory_space<vmem>> -> memref<1x100xf32, #tpu.memory_space<vmem>>
    %dma_wait3A_270 = arith.constant 0 : i32
    %dma_wait3A_271 = arith.constant 0 : i32
    %dma_wait3A_272 = tpu.memref_slice %arg3[%dma_wait3A_270, %dma_wait3A_271] : memref<500000x100xf32, #tpu.memory_space<hbm>> -> memref<1x100xf32, #tpu.memory_space<hbm>>
    tpu.wait_dma2 semaphore(%arg7 : memref<!tpu.dma_semaphore, #tpu.memory_space<semaphore_mem>>) src(%dma_wait3A_272 : memref<1x100xf32, #tpu.memory_space<hbm>>) dst(%dma_wait3A_269 : memref<1x100xf32, #tpu.memory_space<vmem>>)
    %dma_wait3A_273 = arith.constant 0 : i32
    %dma_wait3A_274 = arith.constant 0 : i32
    %dma_wait3A_275 = tpu.memref_slice %arg6[%dma_wait3A_273, %dma_wait3A_274] : memref<800x100xf32, #tpu.memory_space<vmem>> -> memref<1x100xf32, #tpu.memory_space<vmem>>
    %dma_wait3A_276 = arith.constant 0 : i32
    %dma_wait3A_277 = arith.constant 0 : i32
    %dma_wait3A_278 = tpu.memref_slice %arg3[%dma_wait3A_276, %dma_wait3A_277] : memref<500000x100xf32, #tpu.memory_space<hbm>> -> memref<1x100xf32, #tpu.memory_space<hbm>>
    %dma_wait3A_279 = arith.constant 0 : i32
    %dma_wait3A_280 = arith.constant 0 : i32
    %dma_wait3A_281 = tpu.memref_slice %arg6[%dma_wait3A_279, %dma_wait3A_280] : memref<800x100xf32, #tpu.memory_space<vmem>> -> memref<1x100xf32, #tpu.memory_space<vmem>>
    %dma_wait3A_282 = arith.constant 0 : i32
    %dma_wait3A_283 = arith.constant 0 : i32
    %dma_wait3A_284 = tpu.memref_slice %arg3[%dma_wait3A_282, %dma_wait3A_283] : memref<500000x100xf32, #tpu.memory_space<hbm>> -> memref<1x100xf32, #tpu.memory_space<hbm>>
    tpu.wait_dma2 semaphore(%arg7 : memref<!tpu.dma_semaphore, #tpu.memory_space<semaphore_mem>>) src(%dma_wait3A_284 : memref<1x100xf32, #tpu.memory_space<hbm>>) dst(%dma_wait3A_281 : memref<1x100xf32, #tpu.memory_space<vmem>>)
    %dma_wait3A_285 = arith.constant 0 : i32
    %dma_wait3A_286 = arith.constant 0 : i32
    %dma_wait3A_287 = tpu.memref_slice %arg6[%dma_wait3A_285, %dma_wait3A_286] : memref<800x100xf32, #tpu.memory_space<vmem>> -> memref<1x100xf32, #tpu.memory_space<vmem>>
    %dma_wait3A_288 = arith.constant 0 : i32
    %dma_wait3A_289 = arith.constant 0 : i32
    %dma_wait3A_290 = tpu.memref_slice %arg3[%dma_wait3A_288, %dma_wait3A_289] : memref<500000x100xf32, #tpu.memory_space<hbm>> -> memref<1x100xf32, #tpu.memory_space<hbm>>
    %dma_wait3A_291 = arith.constant 0 : i32
    %dma_wait3A_292 = arith.constant 0 : i32
    %dma_wait3A_293 = tpu.memref_slice %arg6[%dma_wait3A_291, %dma_wait3A_292] : memref<800x100xf32, #tpu.memory_space<vmem>> -> memref<1x100xf32, #tpu.memory_space<vmem>>
    %dma_wait3A_294 = arith.constant 0 : i32
    %dma_wait3A_295 = arith.constant 0 : i32
    %dma_wait3A_296 = tpu.memref_slice %arg3[%dma_wait3A_294, %dma_wait3A_295] : memref<500000x100xf32, #tpu.memory_space<hbm>> -> memref<1x100xf32, #tpu.memory_space<hbm>>
    tpu.wait_dma2 semaphore(%arg7 : memref<!tpu.dma_semaphore, #tpu.memory_space<semaphore_mem>>) src(%dma_wait3A_296 : memref<1x100xf32, #tpu.memory_space<hbm>>) dst(%dma_wait3A_293 : memref<1x100xf32, #tpu.memory_space<vmem>>)
    %dma_wait3A_297 = arith.constant 0 : i32
    %dma_wait3A_298 = arith.constant 0 : i32
    %dma_wait3A_299 = tpu.memref_slice %arg6[%dma_wait3A_297, %dma_wait3A_298] : memref<800x100xf32, #tpu.memory_space<vmem>> -> memref<1x100xf32, #tpu.memory_space<vmem>>
    %dma_wait3A_300 = arith.constant 0 : i32
    %dma_wait3A_301 = arith.constant 0 : i32
    %dma_wait3A_302 = tpu.memref_slice %arg3[%dma_wait3A_300, %dma_wait3A_301] : memref<500000x100xf32, #tpu.memory_space<hbm>> -> memref<1x100xf32, #tpu.memory_space<hbm>>
    %dma_wait3A_303 = arith.constant 0 : i32
    %dma_wait3A_304 = arith.constant 0 : i32
    %dma_wait3A_305 = tpu.memref_slice %arg6[%dma_wait3A_303, %dma_wait3A_304] : memref<800x100xf32, #tpu.memory_space<vmem>> -> memref<1x100xf32, #tpu.memory_space<vmem>>
    %dma_wait3A_306 = arith.constant 0 : i32
    %dma_wait3A_307 = arith.constant 0 : i32
    %dma_wait3A_308 = tpu.memref_slice %arg3[%dma_wait3A_306, %dma_wait3A_307] : memref<500000x100xf32, #tpu.memory_space<hbm>> -> memref<1x100xf32, #tpu.memory_space<hbm>>
    tpu.wait_dma2 semaphore(%arg7 : memref<!tpu.dma_semaphore, #tpu.memory_space<semaphore_mem>>) src(%dma_wait3A_308 : memref<1x100xf32, #tpu.memory_space<hbm>>) dst(%dma_wait3A_305 : memref<1x100xf32, #tpu.memory_space<vmem>>)
    %dma_wait3A_309 = arith.constant 0 : i32
    %dma_wait3A_310 = arith.constant 0 : i32
    %dma_wait3A_311 = tpu.memref_slice %arg6[%dma_wait3A_309, %dma_wait3A_310] : memref<800x100xf32, #tpu.memory_space<vmem>> -> memref<1x100xf32, #tpu.memory_space<vmem>>
    %dma_wait3A_312 = arith.constant 0 : i32
    %dma_wait3A_313 = arith.constant 0 : i32
    %dma_wait3A_314 = tpu.memref_slice %arg3[%dma_wait3A_312, %dma_wait3A_313] : memref<500000x100xf32, #tpu.memory_space<hbm>> -> memref<1x100xf32, #tpu.memory_space<hbm>>
    %dma_wait3A_315 = arith.constant 0 : i32
    %dma_wait3A_316 = arith.constant 0 : i32
    %dma_wait3A_317 = tpu.memref_slice %arg6[%dma_wait3A_315, %dma_wait3A_316] : memref<800x100xf32, #tpu.memory_space<vmem>> -> memref<1x100xf32, #tpu.memory_space<vmem>>
    %dma_wait3A_318 = arith.constant 0 : i32
    %dma_wait3A_319 = arith.constant 0 : i32
    %dma_wait3A_320 = tpu.memref_slice %arg3[%dma_wait3A_318, %dma_wait3A_319] : memref<500000x100xf32, #tpu.memory_space<hbm>> -> memref<1x100xf32, #tpu.memory_space<hbm>>
    tpu.wait_dma2 semaphore(%arg7 : memref<!tpu.dma_semaphore, #tpu.memory_space<semaphore_mem>>) src(%dma_wait3A_320 : memref<1x100xf32, #tpu.memory_space<hbm>>) dst(%dma_wait3A_317 : memref<1x100xf32, #tpu.memory_space<vmem>>)
    %dma_wait3A_321 = arith.constant 0 : i32
    %dma_wait3A_322 = arith.constant 0 : i32
    %dma_wait3A_323 = tpu.memref_slice %arg6[%dma_wait3A_321, %dma_wait3A_322] : memref<800x100xf32, #tpu.memory_space<vmem>> -> memref<1x100xf32, #tpu.memory_space<vmem>>
    %dma_wait3A_324 = arith.constant 0 : i32
    %dma_wait3A_325 = arith.constant 0 : i32
    %dma_wait3A_326 = tpu.memref_slice %arg3[%dma_wait3A_324, %dma_wait3A_325] : memref<500000x100xf32, #tpu.memory_space<hbm>> -> memref<1x100xf32, #tpu.memory_space<hbm>>
    %dma_wait3A_327 = arith.constant 0 : i32
    %dma_wait3A_328 = arith.constant 0 : i32
    %dma_wait3A_329 = tpu.memref_slice %arg6[%dma_wait3A_327, %dma_wait3A_328] : memref<800x100xf32, #tpu.memory_space<vmem>> -> memref<1x100xf32, #tpu.memory_space<vmem>>
    %dma_wait3A_330 = arith.constant 0 : i32
    %dma_wait3A_331 = arith.constant 0 : i32
    %dma_wait3A_332 = tpu.memref_slice %arg3[%dma_wait3A_330, %dma_wait3A_331] : memref<500000x100xf32, #tpu.memory_space<hbm>> -> memref<1x100xf32, #tpu.memory_space<hbm>>
    tpu.wait_dma2 semaphore(%arg7 : memref<!tpu.dma_semaphore, #tpu.memory_space<semaphore_mem>>) src(%dma_wait3A_332 : memref<1x100xf32, #tpu.memory_space<hbm>>) dst(%dma_wait3A_329 : memref<1x100xf32, #tpu.memory_space<vmem>>)
    %dma_wait3A_333 = arith.constant 0 : i32
    %dma_wait3A_334 = arith.constant 0 : i32
    %dma_wait3A_335 = tpu.memref_slice %arg6[%dma_wait3A_333, %dma_wait3A_334] : memref<800x100xf32, #tpu.memory_space<vmem>> -> memref<1x100xf32, #tpu.memory_space<vmem>>
    %dma_wait3A_336 = arith.constant 0 : i32
    %dma_wait3A_337 = arith.constant 0 : i32
    %dma_wait3A_338 = tpu.memref_slice %arg3[%dma_wait3A_336, %dma_wait3A_337] : memref<500000x100xf32, #tpu.memory_space<hbm>> -> memref<1x100xf32, #tpu.memory_space<hbm>>
    %dma_wait3A_339 = arith.constant 0 : i32
    %dma_wait3A_340 = arith.constant 0 : i32
    %dma_wait3A_341 = tpu.memref_slice %arg6[%dma_wait3A_339, %dma_wait3A_340] : memref<800x100xf32, #tpu.memory_space<vmem>> -> memref<1x100xf32, #tpu.memory_space<vmem>>
    %dma_wait3A_342 = arith.constant 0 : i32
    %dma_wait3A_343 = arith.constant 0 : i32
    %dma_wait3A_344 = tpu.memref_slice %arg3[%dma_wait3A_342, %dma_wait3A_343] : memref<500000x100xf32, #tpu.memory_space<hbm>> -> memref<1x100xf32, #tpu.memory_space<hbm>>
    tpu.wait_dma2 semaphore(%arg7 : memref<!tpu.dma_semaphore, #tpu.memory_space<semaphore_mem>>) src(%dma_wait3A_344 : memref<1x100xf32, #tpu.memory_space<hbm>>) dst(%dma_wait3A_341 : memref<1x100xf32, #tpu.memory_space<vmem>>)
    %dma_wait3A_345 = arith.constant 0 : i32
    %dma_wait3A_346 = arith.constant 0 : i32
    %dma_wait3A_347 = tpu.memref_slice %arg6[%dma_wait3A_345, %dma_wait3A_346] : memref<800x100xf32, #tpu.memory_space<vmem>> -> memref<1x100xf32, #tpu.memory_space<vmem>>
    %dma_wait3A_348 = arith.constant 0 : i32
    %dma_wait3A_349 = arith.constant 0 : i32
    %dma_wait3A_350 = tpu.memref_slice %arg3[%dma_wait3A_348, %dma_wait3A_349] : memref<500000x100xf32, #tpu.memory_space<hbm>> -> memref<1x100xf32, #tpu.memory_space<hbm>>
    %dma_wait3A_351 = arith.constant 0 : i32
    %dma_wait3A_352 = arith.constant 0 : i32
    %dma_wait3A_353 = tpu.memref_slice %arg6[%dma_wait3A_351, %dma_wait3A_352] : memref<800x100xf32, #tpu.memory_space<vmem>> -> memref<1x100xf32, #tpu.memory_space<vmem>>
    %dma_wait3A_354 = arith.constant 0 : i32
    %dma_wait3A_355 = arith.constant 0 : i32
    %dma_wait3A_356 = tpu.memref_slice %arg3[%dma_wait3A_354, %dma_wait3A_355] : memref<500000x100xf32, #tpu.memory_space<hbm>> -> memref<1x100xf32, #tpu.memory_space<hbm>>
    tpu.wait_dma2 semaphore(%arg7 : memref<!tpu.dma_semaphore, #tpu.memory_space<semaphore_mem>>) src(%dma_wait3A_356 : memref<1x100xf32, #tpu.memory_space<hbm>>) dst(%dma_wait3A_353 : memref<1x100xf32, #tpu.memory_space<vmem>>)
    %dma_wait3A_357 = arith.constant 0 : i32
    %dma_wait3A_358 = arith.constant 0 : i32
    %dma_wait3A_359 = tpu.memref_slice %arg6[%dma_wait3A_357, %dma_wait3A_358] : memref<800x100xf32, #tpu.memory_space<vmem>> -> memref<1x100xf32, #tpu.memory_space<vmem>>
    %dma_wait3A_360 = arith.constant 0 : i32
    %dma_wait3A_361 = arith.constant 0 : i32
    %dma_wait3A_362 = tpu.memref_slice %arg3[%dma_wait3A_360, %dma_wait3A_361] : memref<500000x100xf32, #tpu.memory_space<hbm>> -> memref<1x100xf32, #tpu.memory_space<hbm>>
    %dma_wait3A_363 = arith.constant 0 : i32
    %dma_wait3A_364 = arith.constant 0 : i32
    %dma_wait3A_365 = tpu.memref_slice %arg6[%dma_wait3A_363, %dma_wait3A_364] : memref<800x100xf32, #tpu.memory_space<vmem>> -> memref<1x100xf32, #tpu.memory_space<vmem>>
    %dma_wait3A_366 = arith.constant 0 : i32
    %dma_wait3A_367 = arith.constant 0 : i32
    %dma_wait3A_368 = tpu.memref_slice %arg3[%dma_wait3A_366, %dma_wait3A_367] : memref<500000x100xf32, #tpu.memory_space<hbm>> -> memref<1x100xf32, #tpu.memory_space<hbm>>
    tpu.wait_dma2 semaphore(%arg7 : memref<!tpu.dma_semaphore, #tpu.memory_space<semaphore_mem>>) src(%dma_wait3A_368 : memref<1x100xf32, #tpu.memory_space<hbm>>) dst(%dma_wait3A_365 : memref<1x100xf32, #tpu.memory_space<vmem>>)
    %dma_wait3A_369 = arith.constant 0 : i32
    %dma_wait3A_370 = arith.constant 0 : i32
    %dma_wait3A_371 = tpu.memref_slice %arg6[%dma_wait3A_369, %dma_wait3A_370] : memref<800x100xf32, #tpu.memory_space<vmem>> -> memref<1x100xf32, #tpu.memory_space<vmem>>
    %dma_wait3A_372 = arith.constant 0 : i32
    %dma_wait3A_373 = arith.constant 0 : i32
    %dma_wait3A_374 = tpu.memref_slice %arg3[%dma_wait3A_372, %dma_wait3A_373] : memref<500000x100xf32, #tpu.memory_space<hbm>> -> memref<1x100xf32, #tpu.memory_space<hbm>>
    %dma_wait3A_375 = arith.constant 0 : i32
    %dma_wait3A_376 = arith.constant 0 : i32
    %dma_wait3A_377 = tpu.memref_slice %arg6[%dma_wait3A_375, %dma_wait3A_376] : memref<800x100xf32, #tpu.memory_space<vmem>> -> memref<1x100xf32, #tpu.memory_space<vmem>>
    %dma_wait3A_378 = arith.constant 0 : i32
    %dma_wait3A_379 = arith.constant 0 : i32
    %dma_wait3A_380 = tpu.memref_slice %arg3[%dma_wait3A_378, %dma_wait3A_379] : memref<500000x100xf32, #tpu.memory_space<hbm>> -> memref<1x100xf32, #tpu.memory_space<hbm>>
    tpu.wait_dma2 semaphore(%arg7 : memref<!tpu.dma_semaphore, #tpu.memory_space<semaphore_mem>>) src(%dma_wait3A_380 : memref<1x100xf32, #tpu.memory_space<hbm>>) dst(%dma_wait3A_377 : memref<1x100xf32, #tpu.memory_space<vmem>>)
    %dma_wait3A_381 = arith.constant 0 : i32
    %dma_wait3A_382 = arith.constant 0 : i32
    %dma_wait3A_383 = tpu.memref_slice %arg6[%dma_wait3A_381, %dma_wait3A_382] : memref<800x100xf32, #tpu.memory_space<vmem>> -> memref<1x100xf32, #tpu.memory_space<vmem>>
    %dma_wait3A_384 = arith.constant 0 : i32
    %dma_wait3A_385 = arith.constant 0 : i32
    %dma_wait3A_386 = tpu.memref_slice %arg3[%dma_wait3A_384, %dma_wait3A_385] : memref<500000x100xf32, #tpu.memory_space<hbm>> -> memref<1x100xf32, #tpu.memory_space<hbm>>
    %dma_wait3A_387 = arith.constant 0 : i32
    %dma_wait3A_388 = arith.constant 0 : i32
    %dma_wait3A_389 = tpu.memref_slice %arg6[%dma_wait3A_387, %dma_wait3A_388] : memref<800x100xf32, #tpu.memory_space<vmem>> -> memref<1x100xf32, #tpu.memory_space<vmem>>
    %dma_wait3A_390 = arith.constant 0 : i32
    %dma_wait3A_391 = arith.constant 0 : i32
    %dma_wait3A_392 = tpu.memref_slice %arg3[%dma_wait3A_390, %dma_wait3A_391] : memref<500000x100xf32, #tpu.memory_space<hbm>> -> memref<1x100xf32, #tpu.memory_space<hbm>>
    tpu.wait_dma2 semaphore(%arg7 : memref<!tpu.dma_semaphore, #tpu.memory_space<semaphore_mem>>) src(%dma_wait3A_392 : memref<1x100xf32, #tpu.memory_space<hbm>>) dst(%dma_wait3A_389 : memref<1x100xf32, #tpu.memory_space<vmem>>)
    %dma_start3A = arith.constant 0 : i32
    %dma_start3A_393 = tpu.memref_slice %arg4[%add3A_4, %dma_start3A] : memref<51200x100xf32, #tpu.memory_space<hbm>> -> memref<800x100xf32, #tpu.memory_space<hbm>>
    %dma_start3A_394 = arith.constant 0 : i32
    %dma_start3A_395 = tpu.memref_slice %arg4[%add3A_4, %dma_start3A_394] : memref<51200x100xf32, #tpu.memory_space<hbm>> -> memref<800x100xf32, #tpu.memory_space<hbm>>
    tpu.enqueue_dma source(%arg6 : memref<800x100xf32, #tpu.memory_space<vmem>>) target(%dma_start3A_395 : memref<800x100xf32, #tpu.memory_space<hbm>>) target_semaphore(%arg8 : memref<!tpu.dma_semaphore, #tpu.memory_space<semaphore_mem>>)
    %mul3A_396 = arith.constant 1600 : i32
    %mul3A_397 = arith.muli %add3A, %mul3A_396 : i32
    %add3A_398 = arith.constant 800 : i32
    %add3A_399 = arith.addi %mul3A_397, %add3A_398 : i32
    %dma_wait3A_400 = arith.constant 0 : i32
    %dma_wait3A_401 = arith.constant 0 : i32
    %dma_wait3A_402 = tpu.memref_slice %arg4[%dma_wait3A_400, %dma_wait3A_401] : memref<51200x100xf32, #tpu.memory_space<hbm>> -> memref<800x100xf32, #tpu.memory_space<hbm>>
    %dma_wait3A_403 = arith.constant 0 : i32
    %dma_wait3A_404 = arith.constant 0 : i32
    %dma_wait3A_405 = tpu.memref_slice %arg4[%dma_wait3A_403, %dma_wait3A_404] : memref<51200x100xf32, #tpu.memory_space<hbm>> -> memref<800x100xf32, #tpu.memory_space<hbm>>
    tpu.wait_dma2 semaphore(%arg8 : memref<!tpu.dma_semaphore, #tpu.memory_space<semaphore_mem>>) src(%arg6 : memref<800x100xf32, #tpu.memory_space<vmem>>) dst(%dma_wait3A_405 : memref<800x100xf32, #tpu.memory_space<hbm>>)
    "tpu.region"() ({
      %run_scoped3A = tpu.sem_alloc : memref<!tpu.dma_semaphore, #tpu.memory_space<semaphore_mem>>
      %dma_start3A_806 = tpu.memref_slice %arg2[%add3A_399] : memref<51200xi32, #tpu.memory_space<hbm>> -> memref<800xi32, #tpu.memory_space<hbm>>
      %dma_start3A_807 = tpu.memref_slice %arg2[%add3A_399] : memref<51200xi32, #tpu.memory_space<hbm>> -> memref<800xi32, #tpu.memory_space<hbm>>
      tpu.enqueue_dma source(%dma_start3A_807 : memref<800xi32, #tpu.memory_space<hbm>>) target(%arg5 : memref<800xi32, #tpu.memory_space<vmem>>) target_semaphore(%run_scoped3A : memref<!tpu.dma_semaphore, #tpu.memory_space<semaphore_mem>>)
      %dma_wait3A_808 = tpu.memref_slice %arg2[%add3A_399] : memref<51200xi32, #tpu.memory_space<hbm>> -> memref<800xi32, #tpu.memory_space<hbm>>
      %dma_wait3A_809 = tpu.memref_slice %arg2[%add3A_399] : memref<51200xi32, #tpu.memory_space<hbm>> -> memref<800xi32, #tpu.memory_space<hbm>>
      tpu.wait_dma2 semaphore(%run_scoped3A : memref<!tpu.dma_semaphore, #tpu.memory_space<semaphore_mem>>) src(%dma_wait3A_809 : memref<800xi32, #tpu.memory_space<hbm>>) dst(%arg5 : memref<800xi32, #tpu.memory_space<vmem>>)
      tpu.yield
    }) : () -> ()
    %scan3A_406 = arith.constant 0 : i32
    %scan3A_407 = arith.constant 0 : i32
    %scan3A_408 = arith.constant 50 : i32
    %scan3A_409 = arith.addi %scan3A_407, %scan3A_408 : i32
    %scan3A_410 = arith.constant 1 : i32
    scf.for %scan3A_806 = %scan3A_407 to %scan3A_409 step %scan3A_410  : i32 {
      %mul3A_807 = arith.constant 16 : i32
      %mul3A_808 = arith.muli %scan3A_806, %mul3A_807 : i32
      %get3A = arith.index_cast %mul3A_808 : i32 to index
      %get3A_809 = tpu.vector_load %arg5[%get3A] {strides = array<i32>} : memref<800xi32, #tpu.memory_space<vmem>>, vector<16xi32>,
      %get3A_810 = vector.shape_cast %get3A_809 : vector<16xi32> to vector<16xi32>
      %slice3A = vector.extract_strided_slice %get3A_810 {offsets = [0], sizes = [1], strides = [1]} : vector<16xi32> to vector<1xi32>
      %squeeze3A = vector.extract %slice3A[0] : i32 from vector<1xi32>
      %mul3A_811 = arith.constant 16 : i32
      %mul3A_812 = arith.muli %scan3A_806, %mul3A_811 : i32
      %add3A_813 = arith.constant 0 : i32
      %add3A_814 = arith.addi %mul3A_812, %add3A_813 : i32
      %dma_start3A_815 = arith.constant 0 : i32
      %dma_start3A_816 = tpu.memref_slice %arg6[%add3A_814, %dma_start3A_815] : memref<800x100xf32, #tpu.memory_space<vmem>> -> memref<1x100xf32, #tpu.memory_space<vmem>>
      %dma_start3A_817 = arith.constant 0 : i32
      %dma_start3A_818 = tpu.memref_slice %arg3[%squeeze3A, %dma_start3A_817] : memref<500000x100xf32, #tpu.memory_space<hbm>> -> memref<1x100xf32, #tpu.memory_space<hbm>>
      %dma_start3A_819 = arith.constant 0 : i32
      %dma_start3A_820 = tpu.memref_slice %arg6[%add3A_814, %dma_start3A_819] : memref<800x100xf32, #tpu.memory_space<vmem>> -> memref<1x100xf32, #tpu.memory_space<vmem>>
      %dma_start3A_821 = arith.constant 0 : i32
      %dma_start3A_822 = tpu.memref_slice %arg3[%squeeze3A, %dma_start3A_821] : memref<500000x100xf32, #tpu.memory_space<hbm>> -> memref<1x100xf32, #tpu.memory_space<hbm>>
      tpu.enqueue_dma source(%dma_start3A_822 : memref<1x100xf32, #tpu.memory_space<hbm>>) target(%dma_start3A_820 : memref<1x100xf32, #tpu.memory_space<vmem>>) target_semaphore(%arg7 : memref<!tpu.dma_semaphore, #tpu.memory_space<semaphore_mem>>)
      %slice3A_823 = vector.extract_strided_slice %get3A_810 {offsets = [1], sizes = [1], strides = [1]} : vector<16xi32> to vector<1xi32>
      %squeeze3A_824 = vector.extract %slice3A_823[0] : i32 from vector<1xi32>
      %mul3A_825 = arith.constant 16 : i32
      %mul3A_826 = arith.muli %scan3A_806, %mul3A_825 : i32
      %add3A_827 = arith.constant 1 : i32
      %add3A_828 = arith.addi %mul3A_826, %add3A_827 : i32
      %dma_start3A_829 = arith.constant 0 : i32
      %dma_start3A_830 = tpu.memref_slice %arg6[%add3A_828, %dma_start3A_829] : memref<800x100xf32, #tpu.memory_space<vmem>> -> memref<1x100xf32, #tpu.memory_space<vmem>>
      %dma_start3A_831 = arith.constant 0 : i32
      %dma_start3A_832 = tpu.memref_slice %arg3[%squeeze3A_824, %dma_start3A_831] : memref<500000x100xf32, #tpu.memory_space<hbm>> -> memref<1x100xf32, #tpu.memory_space<hbm>>
      %dma_start3A_833 = arith.constant 0 : i32
      %dma_start3A_834 = tpu.memref_slice %arg6[%add3A_828, %dma_start3A_833] : memref<800x100xf32, #tpu.memory_space<vmem>> -> memref<1x100xf32, #tpu.memory_space<vmem>>
      %dma_start3A_835 = arith.constant 0 : i32
      %dma_start3A_836 = tpu.memref_slice %arg3[%squeeze3A_824, %dma_start3A_835] : memref<500000x100xf32, #tpu.memory_space<hbm>> -> memref<1x100xf32, #tpu.memory_space<hbm>>
      tpu.enqueue_dma source(%dma_start3A_836 : memref<1x100xf32, #tpu.memory_space<hbm>>) target(%dma_start3A_834 : memref<1x100xf32, #tpu.memory_space<vmem>>) target_semaphore(%arg7 : memref<!tpu.dma_semaphore, #tpu.memory_space<semaphore_mem>>)
      %slice3A_837 = vector.extract_strided_slice %get3A_810 {offsets = [2], sizes = [1], strides = [1]} : vector<16xi32> to vector<1xi32>
      %squeeze3A_838 = vector.extract %slice3A_837[0] : i32 from vector<1xi32>
      %mul3A_839 = arith.constant 16 : i32
      %mul3A_840 = arith.muli %scan3A_806, %mul3A_839 : i32
      %add3A_841 = arith.constant 2 : i32
      %add3A_842 = arith.addi %mul3A_840, %add3A_841 : i32
      %dma_start3A_843 = arith.constant 0 : i32
      %dma_start3A_844 = tpu.memref_slice %arg6[%add3A_842, %dma_start3A_843] : memref<800x100xf32, #tpu.memory_space<vmem>> -> memref<1x100xf32, #tpu.memory_space<vmem>>
      %dma_start3A_845 = arith.constant 0 : i32
      %dma_start3A_846 = tpu.memref_slice %arg3[%squeeze3A_838, %dma_start3A_845] : memref<500000x100xf32, #tpu.memory_space<hbm>> -> memref<1x100xf32, #tpu.memory_space<hbm>>
      %dma_start3A_847 = arith.constant 0 : i32
      %dma_start3A_848 = tpu.memref_slice %arg6[%add3A_842, %dma_start3A_847] : memref<800x100xf32, #tpu.memory_space<vmem>> -> memref<1x100xf32, #tpu.memory_space<vmem>>
      %dma_start3A_849 = arith.constant 0 : i32
      %dma_start3A_850 = tpu.memref_slice %arg3[%squeeze3A_838, %dma_start3A_849] : memref<500000x100xf32, #tpu.memory_space<hbm>> -> memref<1x100xf32, #tpu.memory_space<hbm>>
      tpu.enqueue_dma source(%dma_start3A_850 : memref<1x100xf32, #tpu.memory_space<hbm>>) target(%dma_start3A_848 : memref<1x100xf32, #tpu.memory_space<vmem>>) target_semaphore(%arg7 : memref<!tpu.dma_semaphore, #tpu.memory_space<semaphore_mem>>)
      %slice3A_851 = vector.extract_strided_slice %get3A_810 {offsets = [3], sizes = [1], strides = [1]} : vector<16xi32> to vector<1xi32>
      %squeeze3A_852 = vector.extract %slice3A_851[0] : i32 from vector<1xi32>
      %mul3A_853 = arith.constant 16 : i32
      %mul3A_854 = arith.muli %scan3A_806, %mul3A_853 : i32
      %add3A_855 = arith.constant 3 : i32
      %add3A_856 = arith.addi %mul3A_854, %add3A_855 : i32
      %dma_start3A_857 = arith.constant 0 : i32
      %dma_start3A_858 = tpu.memref_slice %arg6[%add3A_856, %dma_start3A_857] : memref<800x100xf32, #tpu.memory_space<vmem>> -> memref<1x100xf32, #tpu.memory_space<vmem>>
      %dma_start3A_859 = arith.constant 0 : i32
      %dma_start3A_860 = tpu.memref_slice %arg3[%squeeze3A_852, %dma_start3A_859] : memref<500000x100xf32, #tpu.memory_space<hbm>> -> memref<1x100xf32, #tpu.memory_space<hbm>>
      %dma_start3A_861 = arith.constant 0 : i32
      %dma_start3A_862 = tpu.memref_slice %arg6[%add3A_856, %dma_start3A_861] : memref<800x100xf32, #tpu.memory_space<vmem>> -> memref<1x100xf32, #tpu.memory_space<vmem>>
      %dma_start3A_863 = arith.constant 0 : i32
      %dma_start3A_864 = tpu.memref_slice %arg3[%squeeze3A_852, %dma_start3A_863] : memref<500000x100xf32, #tpu.memory_space<hbm>> -> memref<1x100xf32, #tpu.memory_space<hbm>>
      tpu.enqueue_dma source(%dma_start3A_864 : memref<1x100xf32, #tpu.memory_space<hbm>>) target(%dma_start3A_862 : memref<1x100xf32, #tpu.memory_space<vmem>>) target_semaphore(%arg7 : memref<!tpu.dma_semaphore, #tpu.memory_space<semaphore_mem>>)
      %slice3A_865 = vector.extract_strided_slice %get3A_810 {offsets = [4], sizes = [1], strides = [1]} : vector<16xi32> to vector<1xi32>
      %squeeze3A_866 = vector.extract %slice3A_865[0] : i32 from vector<1xi32>
      %mul3A_867 = arith.constant 16 : i32
      %mul3A_868 = arith.muli %scan3A_806, %mul3A_867 : i32
      %add3A_869 = arith.constant 4 : i32
      %add3A_870 = arith.addi %mul3A_868, %add3A_869 : i32
      %dma_start3A_871 = arith.constant 0 : i32
      %dma_start3A_872 = tpu.memref_slice %arg6[%add3A_870, %dma_start3A_871] : memref<800x100xf32, #tpu.memory_space<vmem>> -> memref<1x100xf32, #tpu.memory_space<vmem>>
      %dma_start3A_873 = arith.constant 0 : i32
      %dma_start3A_874 = tpu.memref_slice %arg3[%squeeze3A_866, %dma_start3A_873] : memref<500000x100xf32, #tpu.memory_space<hbm>> -> memref<1x100xf32, #tpu.memory_space<hbm>>
      %dma_start3A_875 = arith.constant 0 : i32
      %dma_start3A_876 = tpu.memref_slice %arg6[%add3A_870, %dma_start3A_875] : memref<800x100xf32, #tpu.memory_space<vmem>> -> memref<1x100xf32, #tpu.memory_space<vmem>>
      %dma_start3A_877 = arith.constant 0 : i32
      %dma_start3A_878 = tpu.memref_slice %arg3[%squeeze3A_866, %dma_start3A_877] : memref<500000x100xf32, #tpu.memory_space<hbm>> -> memref<1x100xf32, #tpu.memory_space<hbm>>
      tpu.enqueue_dma source(%dma_start3A_878 : memref<1x100xf32, #tpu.memory_space<hbm>>) target(%dma_start3A_876 : memref<1x100xf32, #tpu.memory_space<vmem>>) target_semaphore(%arg7 : memref<!tpu.dma_semaphore, #tpu.memory_space<semaphore_mem>>)
      %slice3A_879 = vector.extract_strided_slice %get3A_810 {offsets = [5], sizes = [1], strides = [1]} : vector<16xi32> to vector<1xi32>
      %squeeze3A_880 = vector.extract %slice3A_879[0] : i32 from vector<1xi32>
      %mul3A_881 = arith.constant 16 : i32
      %mul3A_882 = arith.muli %scan3A_806, %mul3A_881 : i32
      %add3A_883 = arith.constant 5 : i32
      %add3A_884 = arith.addi %mul3A_882, %add3A_883 : i32
      %dma_start3A_885 = arith.constant 0 : i32
      %dma_start3A_886 = tpu.memref_slice %arg6[%add3A_884, %dma_start3A_885] : memref<800x100xf32, #tpu.memory_space<vmem>> -> memref<1x100xf32, #tpu.memory_space<vmem>>
      %dma_start3A_887 = arith.constant 0 : i32
      %dma_start3A_888 = tpu.memref_slice %arg3[%squeeze3A_880, %dma_start3A_887] : memref<500000x100xf32, #tpu.memory_space<hbm>> -> memref<1x100xf32, #tpu.memory_space<hbm>>
      %dma_start3A_889 = arith.constant 0 : i32
      %dma_start3A_890 = tpu.memref_slice %arg6[%add3A_884, %dma_start3A_889] : memref<800x100xf32, #tpu.memory_space<vmem>> -> memref<1x100xf32, #tpu.memory_space<vmem>>
      %dma_start3A_891 = arith.constant 0 : i32
      %dma_start3A_892 = tpu.memref_slice %arg3[%squeeze3A_880, %dma_start3A_891] : memref<500000x100xf32, #tpu.memory_space<hbm>> -> memref<1x100xf32, #tpu.memory_space<hbm>>
      tpu.enqueue_dma source(%dma_start3A_892 : memref<1x100xf32, #tpu.memory_space<hbm>>) target(%dma_start3A_890 : memref<1x100xf32, #tpu.memory_space<vmem>>) target_semaphore(%arg7 : memref<!tpu.dma_semaphore, #tpu.memory_space<semaphore_mem>>)
      %slice3A_893 = vector.extract_strided_slice %get3A_810 {offsets = [6], sizes = [1], strides = [1]} : vector<16xi32> to vector<1xi32>
      %squeeze3A_894 = vector.extract %slice3A_893[0] : i32 from vector<1xi32>
      %mul3A_895 = arith.constant 16 : i32
      %mul3A_896 = arith.muli %scan3A_806, %mul3A_895 : i32
      %add3A_897 = arith.constant 6 : i32
      %add3A_898 = arith.addi %mul3A_896, %add3A_897 : i32
      %dma_start3A_899 = arith.constant 0 : i32
      %dma_start3A_900 = tpu.memref_slice %arg6[%add3A_898, %dma_start3A_899] : memref<800x100xf32, #tpu.memory_space<vmem>> -> memref<1x100xf32, #tpu.memory_space<vmem>>
      %dma_start3A_901 = arith.constant 0 : i32
      %dma_start3A_902 = tpu.memref_slice %arg3[%squeeze3A_894, %dma_start3A_901] : memref<500000x100xf32, #tpu.memory_space<hbm>> -> memref<1x100xf32, #tpu.memory_space<hbm>>
      %dma_start3A_903 = arith.constant 0 : i32
      %dma_start3A_904 = tpu.memref_slice %arg6[%add3A_898, %dma_start3A_903] : memref<800x100xf32, #tpu.memory_space<vmem>> -> memref<1x100xf32, #tpu.memory_space<vmem>>
      %dma_start3A_905 = arith.constant 0 : i32
      %dma_start3A_906 = tpu.memref_slice %arg3[%squeeze3A_894, %dma_start3A_905] : memref<500000x100xf32, #tpu.memory_space<hbm>> -> memref<1x100xf32, #tpu.memory_space<hbm>>
      tpu.enqueue_dma source(%dma_start3A_906 : memref<1x100xf32, #tpu.memory_space<hbm>>) target(%dma_start3A_904 : memref<1x100xf32, #tpu.memory_space<vmem>>) target_semaphore(%arg7 : memref<!tpu.dma_semaphore, #tpu.memory_space<semaphore_mem>>)
      %slice3A_907 = vector.extract_strided_slice %get3A_810 {offsets = [7], sizes = [1], strides = [1]} : vector<16xi32> to vector<1xi32>
      %squeeze3A_908 = vector.extract %slice3A_907[0] : i32 from vector<1xi32>
      %mul3A_909 = arith.constant 16 : i32
      %mul3A_910 = arith.muli %scan3A_806, %mul3A_909 : i32
      %add3A_911 = arith.constant 7 : i32
      %add3A_912 = arith.addi %mul3A_910, %add3A_911 : i32
      %dma_start3A_913 = arith.constant 0 : i32
      %dma_start3A_914 = tpu.memref_slice %arg6[%add3A_912, %dma_start3A_913] : memref<800x100xf32, #tpu.memory_space<vmem>> -> memref<1x100xf32, #tpu.memory_space<vmem>>
      %dma_start3A_915 = arith.constant 0 : i32
      %dma_start3A_916 = tpu.memref_slice %arg3[%squeeze3A_908, %dma_start3A_915] : memref<500000x100xf32, #tpu.memory_space<hbm>> -> memref<1x100xf32, #tpu.memory_space<hbm>>
      %dma_start3A_917 = arith.constant 0 : i32
      %dma_start3A_918 = tpu.memref_slice %arg6[%add3A_912, %dma_start3A_917] : memref<800x100xf32, #tpu.memory_space<vmem>> -> memref<1x100xf32, #tpu.memory_space<vmem>>
      %dma_start3A_919 = arith.constant 0 : i32
      %dma_start3A_920 = tpu.memref_slice %arg3[%squeeze3A_908, %dma_start3A_919] : memref<500000x100xf32, #tpu.memory_space<hbm>> -> memref<1x100xf32, #tpu.memory_space<hbm>>
      tpu.enqueue_dma source(%dma_start3A_920 : memref<1x100xf32, #tpu.memory_space<hbm>>) target(%dma_start3A_918 : memref<1x100xf32, #tpu.memory_space<vmem>>) target_semaphore(%arg7 : memref<!tpu.dma_semaphore, #tpu.memory_space<semaphore_mem>>)
      %slice3A_921 = vector.extract_strided_slice %get3A_810 {offsets = [8], sizes = [1], strides = [1]} : vector<16xi32> to vector<1xi32>
      %squeeze3A_922 = vector.extract %slice3A_921[0] : i32 from vector<1xi32>
      %mul3A_923 = arith.constant 16 : i32
      %mul3A_924 = arith.muli %scan3A_806, %mul3A_923 : i32
      %add3A_925 = arith.constant 8 : i32
      %add3A_926 = arith.addi %mul3A_924, %add3A_925 : i32
      %dma_start3A_927 = arith.constant 0 : i32
      %dma_start3A_928 = tpu.memref_slice %arg6[%add3A_926, %dma_start3A_927] : memref<800x100xf32, #tpu.memory_space<vmem>> -> memref<1x100xf32, #tpu.memory_space<vmem>>
      %dma_start3A_929 = arith.constant 0 : i32
      %dma_start3A_930 = tpu.memref_slice %arg3[%squeeze3A_922, %dma_start3A_929] : memref<500000x100xf32, #tpu.memory_space<hbm>> -> memref<1x100xf32, #tpu.memory_space<hbm>>
      %dma_start3A_931 = arith.constant 0 : i32
      %dma_start3A_932 = tpu.memref_slice %arg6[%add3A_926, %dma_start3A_931] : memref<800x100xf32, #tpu.memory_space<vmem>> -> memref<1x100xf32, #tpu.memory_space<vmem>>
      %dma_start3A_933 = arith.constant 0 : i32
      %dma_start3A_934 = tpu.memref_slice %arg3[%squeeze3A_922, %dma_start3A_933] : memref<500000x100xf32, #tpu.memory_space<hbm>> -> memref<1x100xf32, #tpu.memory_space<hbm>>
      tpu.enqueue_dma source(%dma_start3A_934 : memref<1x100xf32, #tpu.memory_space<hbm>>) target(%dma_start3A_932 : memref<1x100xf32, #tpu.memory_space<vmem>>) target_semaphore(%arg7 : memref<!tpu.dma_semaphore, #tpu.memory_space<semaphore_mem>>)
      %slice3A_935 = vector.extract_strided_slice %get3A_810 {offsets = [9], sizes = [1], strides = [1]} : vector<16xi32> to vector<1xi32>
      %squeeze3A_936 = vector.extract %slice3A_935[0] : i32 from vector<1xi32>
      %mul3A_937 = arith.constant 16 : i32
      %mul3A_938 = arith.muli %scan3A_806, %mul3A_937 : i32
      %add3A_939 = arith.constant 9 : i32
      %add3A_940 = arith.addi %mul3A_938, %add3A_939 : i32
      %dma_start3A_941 = arith.constant 0 : i32
      %dma_start3A_942 = tpu.memref_slice %arg6[%add3A_940, %dma_start3A_941] : memref<800x100xf32, #tpu.memory_space<vmem>> -> memref<1x100xf32, #tpu.memory_space<vmem>>
      %dma_start3A_943 = arith.constant 0 : i32
      %dma_start3A_944 = tpu.memref_slice %arg3[%squeeze3A_936, %dma_start3A_943] : memref<500000x100xf32, #tpu.memory_space<hbm>> -> memref<1x100xf32, #tpu.memory_space<hbm>>
      %dma_start3A_945 = arith.constant 0 : i32
      %dma_start3A_946 = tpu.memref_slice %arg6[%add3A_940, %dma_start3A_945] : memref<800x100xf32, #tpu.memory_space<vmem>> -> memref<1x100xf32, #tpu.memory_space<vmem>>
      %dma_start3A_947 = arith.constant 0 : i32
      %dma_start3A_948 = tpu.memref_slice %arg3[%squeeze3A_936, %dma_start3A_947] : memref<500000x100xf32, #tpu.memory_space<hbm>> -> memref<1x100xf32, #tpu.memory_space<hbm>>
      tpu.enqueue_dma source(%dma_start3A_948 : memref<1x100xf32, #tpu.memory_space<hbm>>) target(%dma_start3A_946 : memref<1x100xf32, #tpu.memory_space<vmem>>) target_semaphore(%arg7 : memref<!tpu.dma_semaphore, #tpu.memory_space<semaphore_mem>>)
      %slice3A_949 = vector.extract_strided_slice %get3A_810 {offsets = [10], sizes = [1], strides = [1]} : vector<16xi32> to vector<1xi32>
      %squeeze3A_950 = vector.extract %slice3A_949[0] : i32 from vector<1xi32>
      %mul3A_951 = arith.constant 16 : i32
      %mul3A_952 = arith.muli %scan3A_806, %mul3A_951 : i32
      %add3A_953 = arith.constant 10 : i32
      %add3A_954 = arith.addi %mul3A_952, %add3A_953 : i32
      %dma_start3A_955 = arith.constant 0 : i32
      %dma_start3A_956 = tpu.memref_slice %arg6[%add3A_954, %dma_start3A_955] : memref<800x100xf32, #tpu.memory_space<vmem>> -> memref<1x100xf32, #tpu.memory_space<vmem>>
      %dma_start3A_957 = arith.constant 0 : i32
      %dma_start3A_958 = tpu.memref_slice %arg3[%squeeze3A_950, %dma_start3A_957] : memref<500000x100xf32, #tpu.memory_space<hbm>> -> memref<1x100xf32, #tpu.memory_space<hbm>>
      %dma_start3A_959 = arith.constant 0 : i32
      %dma_start3A_960 = tpu.memref_slice %arg6[%add3A_954, %dma_start3A_959] : memref<800x100xf32, #tpu.memory_space<vmem>> -> memref<1x100xf32, #tpu.memory_space<vmem>>
      %dma_start3A_961 = arith.constant 0 : i32
      %dma_start3A_962 = tpu.memref_slice %arg3[%squeeze3A_950, %dma_start3A_961] : memref<500000x100xf32, #tpu.memory_space<hbm>> -> memref<1x100xf32, #tpu.memory_space<hbm>>
      tpu.enqueue_dma source(%dma_start3A_962 : memref<1x100xf32, #tpu.memory_space<hbm>>) target(%dma_start3A_960 : memref<1x100xf32, #tpu.memory_space<vmem>>) target_semaphore(%arg7 : memref<!tpu.dma_semaphore, #tpu.memory_space<semaphore_mem>>)
      %slice3A_963 = vector.extract_strided_slice %get3A_810 {offsets = [11], sizes = [1], strides = [1]} : vector<16xi32> to vector<1xi32>
      %squeeze3A_964 = vector.extract %slice3A_963[0] : i32 from vector<1xi32>
      %mul3A_965 = arith.constant 16 : i32
      %mul3A_966 = arith.muli %scan3A_806, %mul3A_965 : i32
      %add3A_967 = arith.constant 11 : i32
      %add3A_968 = arith.addi %mul3A_966, %add3A_967 : i32
      %dma_start3A_969 = arith.constant 0 : i32
      %dma_start3A_970 = tpu.memref_slice %arg6[%add3A_968, %dma_start3A_969] : memref<800x100xf32, #tpu.memory_space<vmem>> -> memref<1x100xf32, #tpu.memory_space<vmem>>
      %dma_start3A_971 = arith.constant 0 : i32
      %dma_start3A_972 = tpu.memref_slice %arg3[%squeeze3A_964, %dma_start3A_971] : memref<500000x100xf32, #tpu.memory_space<hbm>> -> memref<1x100xf32, #tpu.memory_space<hbm>>
      %dma_start3A_973 = arith.constant 0 : i32
      %dma_start3A_974 = tpu.memref_slice %arg6[%add3A_968, %dma_start3A_973] : memref<800x100xf32, #tpu.memory_space<vmem>> -> memref<1x100xf32, #tpu.memory_space<vmem>>
      %dma_start3A_975 = arith.constant 0 : i32
      %dma_start3A_976 = tpu.memref_slice %arg3[%squeeze3A_964, %dma_start3A_975] : memref<500000x100xf32, #tpu.memory_space<hbm>> -> memref<1x100xf32, #tpu.memory_space<hbm>>
      tpu.enqueue_dma source(%dma_start3A_976 : memref<1x100xf32, #tpu.memory_space<hbm>>) target(%dma_start3A_974 : memref<1x100xf32, #tpu.memory_space<vmem>>) target_semaphore(%arg7 : memref<!tpu.dma_semaphore, #tpu.memory_space<semaphore_mem>>)
      %slice3A_977 = vector.extract_strided_slice %get3A_810 {offsets = [12], sizes = [1], strides = [1]} : vector<16xi32> to vector<1xi32>
      %squeeze3A_978 = vector.extract %slice3A_977[0] : i32 from vector<1xi32>
      %mul3A_979 = arith.constant 16 : i32
      %mul3A_980 = arith.muli %scan3A_806, %mul3A_979 : i32
      %add3A_981 = arith.constant 12 : i32
      %add3A_982 = arith.addi %mul3A_980, %add3A_981 : i32
      %dma_start3A_983 = arith.constant 0 : i32
      %dma_start3A_984 = tpu.memref_slice %arg6[%add3A_982, %dma_start3A_983] : memref<800x100xf32, #tpu.memory_space<vmem>> -> memref<1x100xf32, #tpu.memory_space<vmem>>
      %dma_start3A_985 = arith.constant 0 : i32
      %dma_start3A_986 = tpu.memref_slice %arg3[%squeeze3A_978, %dma_start3A_985] : memref<500000x100xf32, #tpu.memory_space<hbm>> -> memref<1x100xf32, #tpu.memory_space<hbm>>
      %dma_start3A_987 = arith.constant 0 : i32
      %dma_start3A_988 = tpu.memref_slice %arg6[%add3A_982, %dma_start3A_987] : memref<800x100xf32, #tpu.memory_space<vmem>> -> memref<1x100xf32, #tpu.memory_space<vmem>>
      %dma_start3A_989 = arith.constant 0 : i32
      %dma_start3A_990 = tpu.memref_slice %arg3[%squeeze3A_978, %dma_start3A_989] : memref<500000x100xf32, #tpu.memory_space<hbm>> -> memref<1x100xf32, #tpu.memory_space<hbm>>
      tpu.enqueue_dma source(%dma_start3A_990 : memref<1x100xf32, #tpu.memory_space<hbm>>) target(%dma_start3A_988 : memref<1x100xf32, #tpu.memory_space<vmem>>) target_semaphore(%arg7 : memref<!tpu.dma_semaphore, #tpu.memory_space<semaphore_mem>>)
      %slice3A_991 = vector.extract_strided_slice %get3A_810 {offsets = [13], sizes = [1], strides = [1]} : vector<16xi32> to vector<1xi32>
      %squeeze3A_992 = vector.extract %slice3A_991[0] : i32 from vector<1xi32>
      %mul3A_993 = arith.constant 16 : i32
      %mul3A_994 = arith.muli %scan3A_806, %mul3A_993 : i32
      %add3A_995 = arith.constant 13 : i32
      %add3A_996 = arith.addi %mul3A_994, %add3A_995 : i32
      %dma_start3A_997 = arith.constant 0 : i32
      %dma_start3A_998 = tpu.memref_slice %arg6[%add3A_996, %dma_start3A_997] : memref<800x100xf32, #tpu.memory_space<vmem>> -> memref<1x100xf32, #tpu.memory_space<vmem>>
      %dma_start3A_999 = arith.constant 0 : i32
      %dma_start3A_1000 = tpu.memref_slice %arg3[%squeeze3A_992, %dma_start3A_999] : memref<500000x100xf32, #tpu.memory_space<hbm>> -> memref<1x100xf32, #tpu.memory_space<hbm>>
      %dma_start3A_1001 = arith.constant 0 : i32
      %dma_start3A_1002 = tpu.memref_slice %arg6[%add3A_996, %dma_start3A_1001] : memref<800x100xf32, #tpu.memory_space<vmem>> -> memref<1x100xf32, #tpu.memory_space<vmem>>
      %dma_start3A_1003 = arith.constant 0 : i32
      %dma_start3A_1004 = tpu.memref_slice %arg3[%squeeze3A_992, %dma_start3A_1003] : memref<500000x100xf32, #tpu.memory_space<hbm>> -> memref<1x100xf32, #tpu.memory_space<hbm>>
      tpu.enqueue_dma source(%dma_start3A_1004 : memref<1x100xf32, #tpu.memory_space<hbm>>) target(%dma_start3A_1002 : memref<1x100xf32, #tpu.memory_space<vmem>>) target_semaphore(%arg7 : memref<!tpu.dma_semaphore, #tpu.memory_space<semaphore_mem>>)
      %slice3A_1005 = vector.extract_strided_slice %get3A_810 {offsets = [14], sizes = [1], strides = [1]} : vector<16xi32> to vector<1xi32>
      %squeeze3A_1006 = vector.extract %slice3A_1005[0] : i32 from vector<1xi32>
      %mul3A_1007 = arith.constant 16 : i32
      %mul3A_1008 = arith.muli %scan3A_806, %mul3A_1007 : i32
      %add3A_1009 = arith.constant 14 : i32
      %add3A_1010 = arith.addi %mul3A_1008, %add3A_1009 : i32
      %dma_start3A_1011 = arith.constant 0 : i32
      %dma_start3A_1012 = tpu.memref_slice %arg6[%add3A_1010, %dma_start3A_1011] : memref<800x100xf32, #tpu.memory_space<vmem>> -> memref<1x100xf32, #tpu.memory_space<vmem>>
      %dma_start3A_1013 = arith.constant 0 : i32
      %dma_start3A_1014 = tpu.memref_slice %arg3[%squeeze3A_1006, %dma_start3A_1013] : memref<500000x100xf32, #tpu.memory_space<hbm>> -> memref<1x100xf32, #tpu.memory_space<hbm>>
      %dma_start3A_1015 = arith.constant 0 : i32
      %dma_start3A_1016 = tpu.memref_slice %arg6[%add3A_1010, %dma_start3A_1015] : memref<800x100xf32, #tpu.memory_space<vmem>> -> memref<1x100xf32, #tpu.memory_space<vmem>>
      %dma_start3A_1017 = arith.constant 0 : i32
      %dma_start3A_1018 = tpu.memref_slice %arg3[%squeeze3A_1006, %dma_start3A_1017] : memref<500000x100xf32, #tpu.memory_space<hbm>> -> memref<1x100xf32, #tpu.memory_space<hbm>>
      tpu.enqueue_dma source(%dma_start3A_1018 : memref<1x100xf32, #tpu.memory_space<hbm>>) target(%dma_start3A_1016 : memref<1x100xf32, #tpu.memory_space<vmem>>) target_semaphore(%arg7 : memref<!tpu.dma_semaphore, #tpu.memory_space<semaphore_mem>>)
      %slice3A_1019 = vector.extract_strided_slice %get3A_810 {offsets = [15], sizes = [1], strides = [1]} : vector<16xi32> to vector<1xi32>
      %squeeze3A_1020 = vector.extract %slice3A_1019[0] : i32 from vector<1xi32>
      %mul3A_1021 = arith.constant 16 : i32
      %mul3A_1022 = arith.muli %scan3A_806, %mul3A_1021 : i32
      %add3A_1023 = arith.constant 15 : i32
      %add3A_1024 = arith.addi %mul3A_1022, %add3A_1023 : i32
      %dma_start3A_1025 = arith.constant 0 : i32
      %dma_start3A_1026 = tpu.memref_slice %arg6[%add3A_1024, %dma_start3A_1025] : memref<800x100xf32, #tpu.memory_space<vmem>> -> memref<1x100xf32, #tpu.memory_space<vmem>>
      %dma_start3A_1027 = arith.constant 0 : i32
      %dma_start3A_1028 = tpu.memref_slice %arg3[%squeeze3A_1020, %dma_start3A_1027] : memref<500000x100xf32, #tpu.memory_space<hbm>> -> memref<1x100xf32, #tpu.memory_space<hbm>>
      %dma_start3A_1029 = arith.constant 0 : i32
      %dma_start3A_1030 = tpu.memref_slice %arg6[%add3A_1024, %dma_start3A_1029] : memref<800x100xf32, #tpu.memory_space<vmem>> -> memref<1x100xf32, #tpu.memory_space<vmem>>
      %dma_start3A_1031 = arith.constant 0 : i32
      %dma_start3A_1032 = tpu.memref_slice %arg3[%squeeze3A_1020, %dma_start3A_1031] : memref<500000x100xf32, #tpu.memory_space<hbm>> -> memref<1x100xf32, #tpu.memory_space<hbm>>
      tpu.enqueue_dma source(%dma_start3A_1032 : memref<1x100xf32, #tpu.memory_space<hbm>>) target(%dma_start3A_1030 : memref<1x100xf32, #tpu.memory_space<vmem>>) target_semaphore(%arg7 : memref<!tpu.dma_semaphore, #tpu.memory_space<semaphore_mem>>)
      %ge3A = arith.constant 2 : i32
      %ge3A_1033 = arith.cmpi sge, %scan3A_806, %ge3A : i32
      %convert_element_type3A = arith.extui %ge3A_1033 : i1 to i32
      %cond3A = arith.constant 0 : i32
      %cond3A_1034 = arith.cmpi ne, %convert_element_type3A, %cond3A : i32
      scf.if %cond3A_1034 {
        %dma_wait3A_1035 = arith.constant 0 : i32
        %dma_wait3A_1036 = arith.constant 0 : i32
        %dma_wait3A_1037 = tpu.memref_slice %arg6[%dma_wait3A_1035, %dma_wait3A_1036] : memref<800x100xf32, #tpu.memory_space<vmem>> -> memref<1x100xf32, #tpu.memory_space<vmem>>
        %dma_wait3A_1038 = arith.constant 0 : i32
        %dma_wait3A_1039 = arith.constant 0 : i32
        %dma_wait3A_1040 = tpu.memref_slice %arg3[%dma_wait3A_1038, %dma_wait3A_1039] : memref<500000x100xf32, #tpu.memory_space<hbm>> -> memref<1x100xf32, #tpu.memory_space<hbm>>
        %dma_wait3A_1041 = arith.constant 0 : i32
        %dma_wait3A_1042 = arith.constant 0 : i32
        %dma_wait3A_1043 = tpu.memref_slice %arg6[%dma_wait3A_1041, %dma_wait3A_1042] : memref<800x100xf32, #tpu.memory_space<vmem>> -> memref<1x100xf32, #tpu.memory_space<vmem>>
        %dma_wait3A_1044 = arith.constant 0 : i32
        %dma_wait3A_1045 = arith.constant 0 : i32
        %dma_wait3A_1046 = tpu.memref_slice %arg3[%dma_wait3A_1044, %dma_wait3A_1045] : memref<500000x100xf32, #tpu.memory_space<hbm>> -> memref<1x100xf32, #tpu.memory_space<hbm>>
        tpu.wait_dma2 semaphore(%arg7 : memref<!tpu.dma_semaphore, #tpu.memory_space<semaphore_mem>>) src(%dma_wait3A_1046 : memref<1x100xf32, #tpu.memory_space<hbm>>) dst(%dma_wait3A_1043 : memref<1x100xf32, #tpu.memory_space<vmem>>)
        %dma_wait3A_1047 = arith.constant 0 : i32
        %dma_wait3A_1048 = arith.constant 0 : i32
        %dma_wait3A_1049 = tpu.memref_slice %arg6[%dma_wait3A_1047, %dma_wait3A_1048] : memref<800x100xf32, #tpu.memory_space<vmem>> -> memref<1x100xf32, #tpu.memory_space<vmem>>
        %dma_wait3A_1050 = arith.constant 0 : i32
        %dma_wait3A_1051 = arith.constant 0 : i32
        %dma_wait3A_1052 = tpu.memref_slice %arg3[%dma_wait3A_1050, %dma_wait3A_1051] : memref<500000x100xf32, #tpu.memory_space<hbm>> -> memref<1x100xf32, #tpu.memory_space<hbm>>
        %dma_wait3A_1053 = arith.constant 0 : i32
        %dma_wait3A_1054 = arith.constant 0 : i32
        %dma_wait3A_1055 = tpu.memref_slice %arg6[%dma_wait3A_1053, %dma_wait3A_1054] : memref<800x100xf32, #tpu.memory_space<vmem>> -> memref<1x100xf32, #tpu.memory_space<vmem>>
        %dma_wait3A_1056 = arith.constant 0 : i32
        %dma_wait3A_1057 = arith.constant 0 : i32
        %dma_wait3A_1058 = tpu.memref_slice %arg3[%dma_wait3A_1056, %dma_wait3A_1057] : memref<500000x100xf32, #tpu.memory_space<hbm>> -> memref<1x100xf32, #tpu.memory_space<hbm>>
        tpu.wait_dma2 semaphore(%arg7 : memref<!tpu.dma_semaphore, #tpu.memory_space<semaphore_mem>>) src(%dma_wait3A_1058 : memref<1x100xf32, #tpu.memory_space<hbm>>) dst(%dma_wait3A_1055 : memref<1x100xf32, #tpu.memory_space<vmem>>)
        %dma_wait3A_1059 = arith.constant 0 : i32
        %dma_wait3A_1060 = arith.constant 0 : i32
        %dma_wait3A_1061 = tpu.memref_slice %arg6[%dma_wait3A_1059, %dma_wait3A_1060] : memref<800x100xf32, #tpu.memory_space<vmem>> -> memref<1x100xf32, #tpu.memory_space<vmem>>
        %dma_wait3A_1062 = arith.constant 0 : i32
        %dma_wait3A_1063 = arith.constant 0 : i32
        %dma_wait3A_1064 = tpu.memref_slice %arg3[%dma_wait3A_1062, %dma_wait3A_1063] : memref<500000x100xf32, #tpu.memory_space<hbm>> -> memref<1x100xf32, #tpu.memory_space<hbm>>
        %dma_wait3A_1065 = arith.constant 0 : i32
        %dma_wait3A_1066 = arith.constant 0 : i32
        %dma_wait3A_1067 = tpu.memref_slice %arg6[%dma_wait3A_1065, %dma_wait3A_1066] : memref<800x100xf32, #tpu.memory_space<vmem>> -> memref<1x100xf32, #tpu.memory_space<vmem>>
        %dma_wait3A_1068 = arith.constant 0 : i32
        %dma_wait3A_1069 = arith.constant 0 : i32
        %dma_wait3A_1070 = tpu.memref_slice %arg3[%dma_wait3A_1068, %dma_wait3A_1069] : memref<500000x100xf32, #tpu.memory_space<hbm>> -> memref<1x100xf32, #tpu.memory_space<hbm>>
        tpu.wait_dma2 semaphore(%arg7 : memref<!tpu.dma_semaphore, #tpu.memory_space<semaphore_mem>>) src(%dma_wait3A_1070 : memref<1x100xf32, #tpu.memory_space<hbm>>) dst(%dma_wait3A_1067 : memref<1x100xf32, #tpu.memory_space<vmem>>)
        %dma_wait3A_1071 = arith.constant 0 : i32
        %dma_wait3A_1072 = arith.constant 0 : i32
        %dma_wait3A_1073 = tpu.memref_slice %arg6[%dma_wait3A_1071, %dma_wait3A_1072] : memref<800x100xf32, #tpu.memory_space<vmem>> -> memref<1x100xf32, #tpu.memory_space<vmem>>
        %dma_wait3A_1074 = arith.constant 0 : i32
        %dma_wait3A_1075 = arith.constant 0 : i32
        %dma_wait3A_1076 = tpu.memref_slice %arg3[%dma_wait3A_1074, %dma_wait3A_1075] : memref<500000x100xf32, #tpu.memory_space<hbm>> -> memref<1x100xf32, #tpu.memory_space<hbm>>
        %dma_wait3A_1077 = arith.constant 0 : i32
        %dma_wait3A_1078 = arith.constant 0 : i32
        %dma_wait3A_1079 = tpu.memref_slice %arg6[%dma_wait3A_1077, %dma_wait3A_1078] : memref<800x100xf32, #tpu.memory_space<vmem>> -> memref<1x100xf32, #tpu.memory_space<vmem>>
        %dma_wait3A_1080 = arith.constant 0 : i32
        %dma_wait3A_1081 = arith.constant 0 : i32
        %dma_wait3A_1082 = tpu.memref_slice %arg3[%dma_wait3A_1080, %dma_wait3A_1081] : memref<500000x100xf32, #tpu.memory_space<hbm>> -> memref<1x100xf32, #tpu.memory_space<hbm>>
        tpu.wait_dma2 semaphore(%arg7 : memref<!tpu.dma_semaphore, #tpu.memory_space<semaphore_mem>>) src(%dma_wait3A_1082 : memref<1x100xf32, #tpu.memory_space<hbm>>) dst(%dma_wait3A_1079 : memref<1x100xf32, #tpu.memory_space<vmem>>)
        %dma_wait3A_1083 = arith.constant 0 : i32
        %dma_wait3A_1084 = arith.constant 0 : i32
        %dma_wait3A_1085 = tpu.memref_slice %arg6[%dma_wait3A_1083, %dma_wait3A_1084] : memref<800x100xf32, #tpu.memory_space<vmem>> -> memref<1x100xf32, #tpu.memory_space<vmem>>
        %dma_wait3A_1086 = arith.constant 0 : i32
        %dma_wait3A_1087 = arith.constant 0 : i32
        %dma_wait3A_1088 = tpu.memref_slice %arg3[%dma_wait3A_1086, %dma_wait3A_1087] : memref<500000x100xf32, #tpu.memory_space<hbm>> -> memref<1x100xf32, #tpu.memory_space<hbm>>
        %dma_wait3A_1089 = arith.constant 0 : i32
        %dma_wait3A_1090 = arith.constant 0 : i32
        %dma_wait3A_1091 = tpu.memref_slice %arg6[%dma_wait3A_1089, %dma_wait3A_1090] : memref<800x100xf32, #tpu.memory_space<vmem>> -> memref<1x100xf32, #tpu.memory_space<vmem>>
        %dma_wait3A_1092 = arith.constant 0 : i32
        %dma_wait3A_1093 = arith.constant 0 : i32
        %dma_wait3A_1094 = tpu.memref_slice %arg3[%dma_wait3A_1092, %dma_wait3A_1093] : memref<500000x100xf32, #tpu.memory_space<hbm>> -> memref<1x100xf32, #tpu.memory_space<hbm>>
        tpu.wait_dma2 semaphore(%arg7 : memref<!tpu.dma_semaphore, #tpu.memory_space<semaphore_mem>>) src(%dma_wait3A_1094 : memref<1x100xf32, #tpu.memory_space<hbm>>) dst(%dma_wait3A_1091 : memref<1x100xf32, #tpu.memory_space<vmem>>)
        %dma_wait3A_1095 = arith.constant 0 : i32
        %dma_wait3A_1096 = arith.constant 0 : i32
        %dma_wait3A_1097 = tpu.memref_slice %arg6[%dma_wait3A_1095, %dma_wait3A_1096] : memref<800x100xf32, #tpu.memory_space<vmem>> -> memref<1x100xf32, #tpu.memory_space<vmem>>
        %dma_wait3A_1098 = arith.constant 0 : i32
        %dma_wait3A_1099 = arith.constant 0 : i32
        %dma_wait3A_1100 = tpu.memref_slice %arg3[%dma_wait3A_1098, %dma_wait3A_1099] : memref<500000x100xf32, #tpu.memory_space<hbm>> -> memref<1x100xf32, #tpu.memory_space<hbm>>
        %dma_wait3A_1101 = arith.constant 0 : i32
        %dma_wait3A_1102 = arith.constant 0 : i32
        %dma_wait3A_1103 = tpu.memref_slice %arg6[%dma_wait3A_1101, %dma_wait3A_1102] : memref<800x100xf32, #tpu.memory_space<vmem>> -> memref<1x100xf32, #tpu.memory_space<vmem>>
        %dma_wait3A_1104 = arith.constant 0 : i32
        %dma_wait3A_1105 = arith.constant 0 : i32
        %dma_wait3A_1106 = tpu.memref_slice %arg3[%dma_wait3A_1104, %dma_wait3A_1105] : memref<500000x100xf32, #tpu.memory_space<hbm>> -> memref<1x100xf32, #tpu.memory_space<hbm>>
        tpu.wait_dma2 semaphore(%arg7 : memref<!tpu.dma_semaphore, #tpu.memory_space<semaphore_mem>>) src(%dma_wait3A_1106 : memref<1x100xf32, #tpu.memory_space<hbm>>) dst(%dma_wait3A_1103 : memref<1x100xf32, #tpu.memory_space<vmem>>)
        %dma_wait3A_1107 = arith.constant 0 : i32
        %dma_wait3A_1108 = arith.constant 0 : i32
        %dma_wait3A_1109 = tpu.memref_slice %arg6[%dma_wait3A_1107, %dma_wait3A_1108] : memref<800x100xf32, #tpu.memory_space<vmem>> -> memref<1x100xf32, #tpu.memory_space<vmem>>
        %dma_wait3A_1110 = arith.constant 0 : i32
        %dma_wait3A_1111 = arith.constant 0 : i32
        %dma_wait3A_1112 = tpu.memref_slice %arg3[%dma_wait3A_1110, %dma_wait3A_1111] : memref<500000x100xf32, #tpu.memory_space<hbm>> -> memref<1x100xf32, #tpu.memory_space<hbm>>
        %dma_wait3A_1113 = arith.constant 0 : i32
        %dma_wait3A_1114 = arith.constant 0 : i32
        %dma_wait3A_1115 = tpu.memref_slice %arg6[%dma_wait3A_1113, %dma_wait3A_1114] : memref<800x100xf32, #tpu.memory_space<vmem>> -> memref<1x100xf32, #tpu.memory_space<vmem>>
        %dma_wait3A_1116 = arith.constant 0 : i32
        %dma_wait3A_1117 = arith.constant 0 : i32
        %dma_wait3A_1118 = tpu.memref_slice %arg3[%dma_wait3A_1116, %dma_wait3A_1117] : memref<500000x100xf32, #tpu.memory_space<hbm>> -> memref<1x100xf32, #tpu.memory_space<hbm>>
        tpu.wait_dma2 semaphore(%arg7 : memref<!tpu.dma_semaphore, #tpu.memory_space<semaphore_mem>>) src(%dma_wait3A_1118 : memref<1x100xf32, #tpu.memory_space<hbm>>) dst(%dma_wait3A_1115 : memref<1x100xf32, #tpu.memory_space<vmem>>)
        %dma_wait3A_1119 = arith.constant 0 : i32
        %dma_wait3A_1120 = arith.constant 0 : i32
        %dma_wait3A_1121 = tpu.memref_slice %arg6[%dma_wait3A_1119, %dma_wait3A_1120] : memref<800x100xf32, #tpu.memory_space<vmem>> -> memref<1x100xf32, #tpu.memory_space<vmem>>
        %dma_wait3A_1122 = arith.constant 0 : i32
        %dma_wait3A_1123 = arith.constant 0 : i32
        %dma_wait3A_1124 = tpu.memref_slice %arg3[%dma_wait3A_1122, %dma_wait3A_1123] : memref<500000x100xf32, #tpu.memory_space<hbm>> -> memref<1x100xf32, #tpu.memory_space<hbm>>
        %dma_wait3A_1125 = arith.constant 0 : i32
        %dma_wait3A_1126 = arith.constant 0 : i32
        %dma_wait3A_1127 = tpu.memref_slice %arg6[%dma_wait3A_1125, %dma_wait3A_1126] : memref<800x100xf32, #tpu.memory_space<vmem>> -> memref<1x100xf32, #tpu.memory_space<vmem>>
        %dma_wait3A_1128 = arith.constant 0 : i32
        %dma_wait3A_1129 = arith.constant 0 : i32
        %dma_wait3A_1130 = tpu.memref_slice %arg3[%dma_wait3A_1128, %dma_wait3A_1129] : memref<500000x100xf32, #tpu.memory_space<hbm>> -> memref<1x100xf32, #tpu.memory_space<hbm>>
        tpu.wait_dma2 semaphore(%arg7 : memref<!tpu.dma_semaphore, #tpu.memory_space<semaphore_mem>>) src(%dma_wait3A_1130 : memref<1x100xf32, #tpu.memory_space<hbm>>) dst(%dma_wait3A_1127 : memref<1x100xf32, #tpu.memory_space<vmem>>)
        %dma_wait3A_1131 = arith.constant 0 : i32
        %dma_wait3A_1132 = arith.constant 0 : i32
        %dma_wait3A_1133 = tpu.memref_slice %arg6[%dma_wait3A_1131, %dma_wait3A_1132] : memref<800x100xf32, #tpu.memory_space<vmem>> -> memref<1x100xf32, #tpu.memory_space<vmem>>
        %dma_wait3A_1134 = arith.constant 0 : i32
        %dma_wait3A_1135 = arith.constant 0 : i32
        %dma_wait3A_1136 = tpu.memref_slice %arg3[%dma_wait3A_1134, %dma_wait3A_1135] : memref<500000x100xf32, #tpu.memory_space<hbm>> -> memref<1x100xf32, #tpu.memory_space<hbm>>
        %dma_wait3A_1137 = arith.constant 0 : i32
        %dma_wait3A_1138 = arith.constant 0 : i32
        %dma_wait3A_1139 = tpu.memref_slice %arg6[%dma_wait3A_1137, %dma_wait3A_1138] : memref<800x100xf32, #tpu.memory_space<vmem>> -> memref<1x100xf32, #tpu.memory_space<vmem>>
        %dma_wait3A_1140 = arith.constant 0 : i32
        %dma_wait3A_1141 = arith.constant 0 : i32
        %dma_wait3A_1142 = tpu.memref_slice %arg3[%dma_wait3A_1140, %dma_wait3A_1141] : memref<500000x100xf32, #tpu.memory_space<hbm>> -> memref<1x100xf32, #tpu.memory_space<hbm>>
        tpu.wait_dma2 semaphore(%arg7 : memref<!tpu.dma_semaphore, #tpu.memory_space<semaphore_mem>>) src(%dma_wait3A_1142 : memref<1x100xf32, #tpu.memory_space<hbm>>) dst(%dma_wait3A_1139 : memref<1x100xf32, #tpu.memory_space<vmem>>)
        %dma_wait3A_1143 = arith.constant 0 : i32
        %dma_wait3A_1144 = arith.constant 0 : i32
        %dma_wait3A_1145 = tpu.memref_slice %arg6[%dma_wait3A_1143, %dma_wait3A_1144] : memref<800x100xf32, #tpu.memory_space<vmem>> -> memref<1x100xf32, #tpu.memory_space<vmem>>
        %dma_wait3A_1146 = arith.constant 0 : i32
        %dma_wait3A_1147 = arith.constant 0 : i32
        %dma_wait3A_1148 = tpu.memref_slice %arg3[%dma_wait3A_1146, %dma_wait3A_1147] : memref<500000x100xf32, #tpu.memory_space<hbm>> -> memref<1x100xf32, #tpu.memory_space<hbm>>
        %dma_wait3A_1149 = arith.constant 0 : i32
        %dma_wait3A_1150 = arith.constant 0 : i32
        %dma_wait3A_1151 = tpu.memref_slice %arg6[%dma_wait3A_1149, %dma_wait3A_1150] : memref<800x100xf32, #tpu.memory_space<vmem>> -> memref<1x100xf32, #tpu.memory_space<vmem>>
        %dma_wait3A_1152 = arith.constant 0 : i32
        %dma_wait3A_1153 = arith.constant 0 : i32
        %dma_wait3A_1154 = tpu.memref_slice %arg3[%dma_wait3A_1152, %dma_wait3A_1153] : memref<500000x100xf32, #tpu.memory_space<hbm>> -> memref<1x100xf32, #tpu.memory_space<hbm>>
        tpu.wait_dma2 semaphore(%arg7 : memref<!tpu.dma_semaphore, #tpu.memory_space<semaphore_mem>>) src(%dma_wait3A_1154 : memref<1x100xf32, #tpu.memory_space<hbm>>) dst(%dma_wait3A_1151 : memref<1x100xf32, #tpu.memory_space<vmem>>)
        %dma_wait3A_1155 = arith.constant 0 : i32
        %dma_wait3A_1156 = arith.constant 0 : i32
        %dma_wait3A_1157 = tpu.memref_slice %arg6[%dma_wait3A_1155, %dma_wait3A_1156] : memref<800x100xf32, #tpu.memory_space<vmem>> -> memref<1x100xf32, #tpu.memory_space<vmem>>
        %dma_wait3A_1158 = arith.constant 0 : i32
        %dma_wait3A_1159 = arith.constant 0 : i32
        %dma_wait3A_1160 = tpu.memref_slice %arg3[%dma_wait3A_1158, %dma_wait3A_1159] : memref<500000x100xf32, #tpu.memory_space<hbm>> -> memref<1x100xf32, #tpu.memory_space<hbm>>
        %dma_wait3A_1161 = arith.constant 0 : i32
        %dma_wait3A_1162 = arith.constant 0 : i32
        %dma_wait3A_1163 = tpu.memref_slice %arg6[%dma_wait3A_1161, %dma_wait3A_1162] : memref<800x100xf32, #tpu.memory_space<vmem>> -> memref<1x100xf32, #tpu.memory_space<vmem>>
        %dma_wait3A_1164 = arith.constant 0 : i32
        %dma_wait3A_1165 = arith.constant 0 : i32
        %dma_wait3A_1166 = tpu.memref_slice %arg3[%dma_wait3A_1164, %dma_wait3A_1165] : memref<500000x100xf32, #tpu.memory_space<hbm>> -> memref<1x100xf32, #tpu.memory_space<hbm>>
        tpu.wait_dma2 semaphore(%arg7 : memref<!tpu.dma_semaphore, #tpu.memory_space<semaphore_mem>>) src(%dma_wait3A_1166 : memref<1x100xf32, #tpu.memory_space<hbm>>) dst(%dma_wait3A_1163 : memref<1x100xf32, #tpu.memory_space<vmem>>)
        %dma_wait3A_1167 = arith.constant 0 : i32
        %dma_wait3A_1168 = arith.constant 0 : i32
        %dma_wait3A_1169 = tpu.memref_slice %arg6[%dma_wait3A_1167, %dma_wait3A_1168] : memref<800x100xf32, #tpu.memory_space<vmem>> -> memref<1x100xf32, #tpu.memory_space<vmem>>
        %dma_wait3A_1170 = arith.constant 0 : i32
        %dma_wait3A_1171 = arith.constant 0 : i32
        %dma_wait3A_1172 = tpu.memref_slice %arg3[%dma_wait3A_1170, %dma_wait3A_1171] : memref<500000x100xf32, #tpu.memory_space<hbm>> -> memref<1x100xf32, #tpu.memory_space<hbm>>
        %dma_wait3A_1173 = arith.constant 0 : i32
        %dma_wait3A_1174 = arith.constant 0 : i32
        %dma_wait3A_1175 = tpu.memref_slice %arg6[%dma_wait3A_1173, %dma_wait3A_1174] : memref<800x100xf32, #tpu.memory_space<vmem>> -> memref<1x100xf32, #tpu.memory_space<vmem>>
        %dma_wait3A_1176 = arith.constant 0 : i32
        %dma_wait3A_1177 = arith.constant 0 : i32
        %dma_wait3A_1178 = tpu.memref_slice %arg3[%dma_wait3A_1176, %dma_wait3A_1177] : memref<500000x100xf32, #tpu.memory_space<hbm>> -> memref<1x100xf32, #tpu.memory_space<hbm>>
        tpu.wait_dma2 semaphore(%arg7 : memref<!tpu.dma_semaphore, #tpu.memory_space<semaphore_mem>>) src(%dma_wait3A_1178 : memref<1x100xf32, #tpu.memory_space<hbm>>) dst(%dma_wait3A_1175 : memref<1x100xf32, #tpu.memory_space<vmem>>)
        %dma_wait3A_1179 = arith.constant 0 : i32
        %dma_wait3A_1180 = arith.constant 0 : i32
        %dma_wait3A_1181 = tpu.memref_slice %arg6[%dma_wait3A_1179, %dma_wait3A_1180] : memref<800x100xf32, #tpu.memory_space<vmem>> -> memref<1x100xf32, #tpu.memory_space<vmem>>
        %dma_wait3A_1182 = arith.constant 0 : i32
        %dma_wait3A_1183 = arith.constant 0 : i32
        %dma_wait3A_1184 = tpu.memref_slice %arg3[%dma_wait3A_1182, %dma_wait3A_1183] : memref<500000x100xf32, #tpu.memory_space<hbm>> -> memref<1x100xf32, #tpu.memory_space<hbm>>
        %dma_wait3A_1185 = arith.constant 0 : i32
        %dma_wait3A_1186 = arith.constant 0 : i32
        %dma_wait3A_1187 = tpu.memref_slice %arg6[%dma_wait3A_1185, %dma_wait3A_1186] : memref<800x100xf32, #tpu.memory_space<vmem>> -> memref<1x100xf32, #tpu.memory_space<vmem>>
        %dma_wait3A_1188 = arith.constant 0 : i32
        %dma_wait3A_1189 = arith.constant 0 : i32
        %dma_wait3A_1190 = tpu.memref_slice %arg3[%dma_wait3A_1188, %dma_wait3A_1189] : memref<500000x100xf32, #tpu.memory_space<hbm>> -> memref<1x100xf32, #tpu.memory_space<hbm>>
        tpu.wait_dma2 semaphore(%arg7 : memref<!tpu.dma_semaphore, #tpu.memory_space<semaphore_mem>>) src(%dma_wait3A_1190 : memref<1x100xf32, #tpu.memory_space<hbm>>) dst(%dma_wait3A_1187 : memref<1x100xf32, #tpu.memory_space<vmem>>)
        %dma_wait3A_1191 = arith.constant 0 : i32
        %dma_wait3A_1192 = arith.constant 0 : i32
        %dma_wait3A_1193 = tpu.memref_slice %arg6[%dma_wait3A_1191, %dma_wait3A_1192] : memref<800x100xf32, #tpu.memory_space<vmem>> -> memref<1x100xf32, #tpu.memory_space<vmem>>
        %dma_wait3A_1194 = arith.constant 0 : i32
        %dma_wait3A_1195 = arith.constant 0 : i32
        %dma_wait3A_1196 = tpu.memref_slice %arg3[%dma_wait3A_1194, %dma_wait3A_1195] : memref<500000x100xf32, #tpu.memory_space<hbm>> -> memref<1x100xf32, #tpu.memory_space<hbm>>
        %dma_wait3A_1197 = arith.constant 0 : i32
        %dma_wait3A_1198 = arith.constant 0 : i32
        %dma_wait3A_1199 = tpu.memref_slice %arg6[%dma_wait3A_1197, %dma_wait3A_1198] : memref<800x100xf32, #tpu.memory_space<vmem>> -> memref<1x100xf32, #tpu.memory_space<vmem>>
        %dma_wait3A_1200 = arith.constant 0 : i32
        %dma_wait3A_1201 = arith.constant 0 : i32
        %dma_wait3A_1202 = tpu.memref_slice %arg3[%dma_wait3A_1200, %dma_wait3A_1201] : memref<500000x100xf32, #tpu.memory_space<hbm>> -> memref<1x100xf32, #tpu.memory_space<hbm>>
        tpu.wait_dma2 semaphore(%arg7 : memref<!tpu.dma_semaphore, #tpu.memory_space<semaphore_mem>>) src(%dma_wait3A_1202 : memref<1x100xf32, #tpu.memory_space<hbm>>) dst(%dma_wait3A_1199 : memref<1x100xf32, #tpu.memory_space<vmem>>)
        %dma_wait3A_1203 = arith.constant 0 : i32
        %dma_wait3A_1204 = arith.constant 0 : i32
        %dma_wait3A_1205 = tpu.memref_slice %arg6[%dma_wait3A_1203, %dma_wait3A_1204] : memref<800x100xf32, #tpu.memory_space<vmem>> -> memref<1x100xf32, #tpu.memory_space<vmem>>
        %dma_wait3A_1206 = arith.constant 0 : i32
        %dma_wait3A_1207 = arith.constant 0 : i32
        %dma_wait3A_1208 = tpu.memref_slice %arg3[%dma_wait3A_1206, %dma_wait3A_1207] : memref<500000x100xf32, #tpu.memory_space<hbm>> -> memref<1x100xf32, #tpu.memory_space<hbm>>
        %dma_wait3A_1209 = arith.constant 0 : i32
        %dma_wait3A_1210 = arith.constant 0 : i32
        %dma_wait3A_1211 = tpu.memref_slice %arg6[%dma_wait3A_1209, %dma_wait3A_1210] : memref<800x100xf32, #tpu.memory_space<vmem>> -> memref<1x100xf32, #tpu.memory_space<vmem>>
        %dma_wait3A_1212 = arith.constant 0 : i32
        %dma_wait3A_1213 = arith.constant 0 : i32
        %dma_wait3A_1214 = tpu.memref_slice %arg3[%dma_wait3A_1212, %dma_wait3A_1213] : memref<500000x100xf32, #tpu.memory_space<hbm>> -> memref<1x100xf32, #tpu.memory_space<hbm>>
        tpu.wait_dma2 semaphore(%arg7 : memref<!tpu.dma_semaphore, #tpu.memory_space<semaphore_mem>>) src(%dma_wait3A_1214 : memref<1x100xf32, #tpu.memory_space<hbm>>) dst(%dma_wait3A_1211 : memref<1x100xf32, #tpu.memory_space<vmem>>)
        %dma_wait3A_1215 = arith.constant 0 : i32
        %dma_wait3A_1216 = arith.constant 0 : i32
        %dma_wait3A_1217 = tpu.memref_slice %arg6[%dma_wait3A_1215, %dma_wait3A_1216] : memref<800x100xf32, #tpu.memory_space<vmem>> -> memref<1x100xf32, #tpu.memory_space<vmem>>
        %dma_wait3A_1218 = arith.constant 0 : i32
        %dma_wait3A_1219 = arith.constant 0 : i32
        %dma_wait3A_1220 = tpu.memref_slice %arg3[%dma_wait3A_1218, %dma_wait3A_1219] : memref<500000x100xf32, #tpu.memory_space<hbm>> -> memref<1x100xf32, #tpu.memory_space<hbm>>
        %dma_wait3A_1221 = arith.constant 0 : i32
        %dma_wait3A_1222 = arith.constant 0 : i32
        %dma_wait3A_1223 = tpu.memref_slice %arg6[%dma_wait3A_1221, %dma_wait3A_1222] : memref<800x100xf32, #tpu.memory_space<vmem>> -> memref<1x100xf32, #tpu.memory_space<vmem>>
        %dma_wait3A_1224 = arith.constant 0 : i32
        %dma_wait3A_1225 = arith.constant 0 : i32
        %dma_wait3A_1226 = tpu.memref_slice %arg3[%dma_wait3A_1224, %dma_wait3A_1225] : memref<500000x100xf32, #tpu.memory_space<hbm>> -> memref<1x100xf32, #tpu.memory_space<hbm>>
        tpu.wait_dma2 semaphore(%arg7 : memref<!tpu.dma_semaphore, #tpu.memory_space<semaphore_mem>>) src(%dma_wait3A_1226 : memref<1x100xf32, #tpu.memory_space<hbm>>) dst(%dma_wait3A_1223 : memref<1x100xf32, #tpu.memory_space<vmem>>)
      } else {
      }
    }
    %scan3A_411 = arith.constant 50 : i32
    %dma_wait3A_412 = arith.constant 0 : i32
    %dma_wait3A_413 = arith.constant 0 : i32
    %dma_wait3A_414 = tpu.memref_slice %arg6[%dma_wait3A_412, %dma_wait3A_413] : memref<800x100xf32, #tpu.memory_space<vmem>> -> memref<1x100xf32, #tpu.memory_space<vmem>>
    %dma_wait3A_415 = arith.constant 0 : i32
    %dma_wait3A_416 = arith.constant 0 : i32
    %dma_wait3A_417 = tpu.memref_slice %arg3[%dma_wait3A_415, %dma_wait3A_416] : memref<500000x100xf32, #tpu.memory_space<hbm>> -> memref<1x100xf32, #tpu.memory_space<hbm>>
    %dma_wait3A_418 = arith.constant 0 : i32
    %dma_wait3A_419 = arith.constant 0 : i32
    %dma_wait3A_420 = tpu.memref_slice %arg6[%dma_wait3A_418, %dma_wait3A_419] : memref<800x100xf32, #tpu.memory_space<vmem>> -> memref<1x100xf32, #tpu.memory_space<vmem>>
    %dma_wait3A_421 = arith.constant 0 : i32
    %dma_wait3A_422 = arith.constant 0 : i32
    %dma_wait3A_423 = tpu.memref_slice %arg3[%dma_wait3A_421, %dma_wait3A_422] : memref<500000x100xf32, #tpu.memory_space<hbm>> -> memref<1x100xf32, #tpu.memory_space<hbm>>
    tpu.wait_dma2 semaphore(%arg7 : memref<!tpu.dma_semaphore, #tpu.memory_space<semaphore_mem>>) src(%dma_wait3A_423 : memref<1x100xf32, #tpu.memory_space<hbm>>) dst(%dma_wait3A_420 : memref<1x100xf32, #tpu.memory_space<vmem>>)
    %dma_wait3A_424 = arith.constant 0 : i32
    %dma_wait3A_425 = arith.constant 0 : i32
    %dma_wait3A_426 = tpu.memref_slice %arg6[%dma_wait3A_424, %dma_wait3A_425] : memref<800x100xf32, #tpu.memory_space<vmem>> -> memref<1x100xf32, #tpu.memory_space<vmem>>
    %dma_wait3A_427 = arith.constant 0 : i32
    %dma_wait3A_428 = arith.constant 0 : i32
    %dma_wait3A_429 = tpu.memref_slice %arg3[%dma_wait3A_427, %dma_wait3A_428] : memref<500000x100xf32, #tpu.memory_space<hbm>> -> memref<1x100xf32, #tpu.memory_space<hbm>>
    %dma_wait3A_430 = arith.constant 0 : i32
    %dma_wait3A_431 = arith.constant 0 : i32
    %dma_wait3A_432 = tpu.memref_slice %arg6[%dma_wait3A_430, %dma_wait3A_431] : memref<800x100xf32, #tpu.memory_space<vmem>> -> memref<1x100xf32, #tpu.memory_space<vmem>>
    %dma_wait3A_433 = arith.constant 0 : i32
    %dma_wait3A_434 = arith.constant 0 : i32
    %dma_wait3A_435 = tpu.memref_slice %arg3[%dma_wait3A_433, %dma_wait3A_434] : memref<500000x100xf32, #tpu.memory_space<hbm>> -> memref<1x100xf32, #tpu.memory_space<hbm>>
    tpu.wait_dma2 semaphore(%arg7 : memref<!tpu.dma_semaphore, #tpu.memory_space<semaphore_mem>>) src(%dma_wait3A_435 : memref<1x100xf32, #tpu.memory_space<hbm>>) dst(%dma_wait3A_432 : memref<1x100xf32, #tpu.memory_space<vmem>>)
    %dma_wait3A_436 = arith.constant 0 : i32
    %dma_wait3A_437 = arith.constant 0 : i32
    %dma_wait3A_438 = tpu.memref_slice %arg6[%dma_wait3A_436, %dma_wait3A_437] : memref<800x100xf32, #tpu.memory_space<vmem>> -> memref<1x100xf32, #tpu.memory_space<vmem>>
    %dma_wait3A_439 = arith.constant 0 : i32
    %dma_wait3A_440 = arith.constant 0 : i32
    %dma_wait3A_441 = tpu.memref_slice %arg3[%dma_wait3A_439, %dma_wait3A_440] : memref<500000x100xf32, #tpu.memory_space<hbm>> -> memref<1x100xf32, #tpu.memory_space<hbm>>
    %dma_wait3A_442 = arith.constant 0 : i32
    %dma_wait3A_443 = arith.constant 0 : i32
    %dma_wait3A_444 = tpu.memref_slice %arg6[%dma_wait3A_442, %dma_wait3A_443] : memref<800x100xf32, #tpu.memory_space<vmem>> -> memref<1x100xf32, #tpu.memory_space<vmem>>
    %dma_wait3A_445 = arith.constant 0 : i32
    %dma_wait3A_446 = arith.constant 0 : i32
    %dma_wait3A_447 = tpu.memref_slice %arg3[%dma_wait3A_445, %dma_wait3A_446] : memref<500000x100xf32, #tpu.memory_space<hbm>> -> memref<1x100xf32, #tpu.memory_space<hbm>>
    tpu.wait_dma2 semaphore(%arg7 : memref<!tpu.dma_semaphore, #tpu.memory_space<semaphore_mem>>) src(%dma_wait3A_447 : memref<1x100xf32, #tpu.memory_space<hbm>>) dst(%dma_wait3A_444 : memref<1x100xf32, #tpu.memory_space<vmem>>)
    %dma_wait3A_448 = arith.constant 0 : i32
    %dma_wait3A_449 = arith.constant 0 : i32
    %dma_wait3A_450 = tpu.memref_slice %arg6[%dma_wait3A_448, %dma_wait3A_449] : memref<800x100xf32, #tpu.memory_space<vmem>> -> memref<1x100xf32, #tpu.memory_space<vmem>>
    %dma_wait3A_451 = arith.constant 0 : i32
    %dma_wait3A_452 = arith.constant 0 : i32
    %dma_wait3A_453 = tpu.memref_slice %arg3[%dma_wait3A_451, %dma_wait3A_452] : memref<500000x100xf32, #tpu.memory_space<hbm>> -> memref<1x100xf32, #tpu.memory_space<hbm>>
    %dma_wait3A_454 = arith.constant 0 : i32
    %dma_wait3A_455 = arith.constant 0 : i32
    %dma_wait3A_456 = tpu.memref_slice %arg6[%dma_wait3A_454, %dma_wait3A_455] : memref<800x100xf32, #tpu.memory_space<vmem>> -> memref<1x100xf32, #tpu.memory_space<vmem>>
    %dma_wait3A_457 = arith.constant 0 : i32
    %dma_wait3A_458 = arith.constant 0 : i32
    %dma_wait3A_459 = tpu.memref_slice %arg3[%dma_wait3A_457, %dma_wait3A_458] : memref<500000x100xf32, #tpu.memory_space<hbm>> -> memref<1x100xf32, #tpu.memory_space<hbm>>
    tpu.wait_dma2 semaphore(%arg7 : memref<!tpu.dma_semaphore, #tpu.memory_space<semaphore_mem>>) src(%dma_wait3A_459 : memref<1x100xf32, #tpu.memory_space<hbm>>) dst(%dma_wait3A_456 : memref<1x100xf32, #tpu.memory_space<vmem>>)
    %dma_wait3A_460 = arith.constant 0 : i32
    %dma_wait3A_461 = arith.constant 0 : i32
    %dma_wait3A_462 = tpu.memref_slice %arg6[%dma_wait3A_460, %dma_wait3A_461] : memref<800x100xf32, #tpu.memory_space<vmem>> -> memref<1x100xf32, #tpu.memory_space<vmem>>
    %dma_wait3A_463 = arith.constant 0 : i32
    %dma_wait3A_464 = arith.constant 0 : i32
    %dma_wait3A_465 = tpu.memref_slice %arg3[%dma_wait3A_463, %dma_wait3A_464] : memref<500000x100xf32, #tpu.memory_space<hbm>> -> memref<1x100xf32, #tpu.memory_space<hbm>>
    %dma_wait3A_466 = arith.constant 0 : i32
    %dma_wait3A_467 = arith.constant 0 : i32
    %dma_wait3A_468 = tpu.memref_slice %arg6[%dma_wait3A_466, %dma_wait3A_467] : memref<800x100xf32, #tpu.memory_space<vmem>> -> memref<1x100xf32, #tpu.memory_space<vmem>>
    %dma_wait3A_469 = arith.constant 0 : i32
    %dma_wait3A_470 = arith.constant 0 : i32
    %dma_wait3A_471 = tpu.memref_slice %arg3[%dma_wait3A_469, %dma_wait3A_470] : memref<500000x100xf32, #tpu.memory_space<hbm>> -> memref<1x100xf32, #tpu.memory_space<hbm>>
    tpu.wait_dma2 semaphore(%arg7 : memref<!tpu.dma_semaphore, #tpu.memory_space<semaphore_mem>>) src(%dma_wait3A_471 : memref<1x100xf32, #tpu.memory_space<hbm>>) dst(%dma_wait3A_468 : memref<1x100xf32, #tpu.memory_space<vmem>>)
    %dma_wait3A_472 = arith.constant 0 : i32
    %dma_wait3A_473 = arith.constant 0 : i32
    %dma_wait3A_474 = tpu.memref_slice %arg6[%dma_wait3A_472, %dma_wait3A_473] : memref<800x100xf32, #tpu.memory_space<vmem>> -> memref<1x100xf32, #tpu.memory_space<vmem>>
    %dma_wait3A_475 = arith.constant 0 : i32
    %dma_wait3A_476 = arith.constant 0 : i32
    %dma_wait3A_477 = tpu.memref_slice %arg3[%dma_wait3A_475, %dma_wait3A_476] : memref<500000x100xf32, #tpu.memory_space<hbm>> -> memref<1x100xf32, #tpu.memory_space<hbm>>
    %dma_wait3A_478 = arith.constant 0 : i32
    %dma_wait3A_479 = arith.constant 0 : i32
    %dma_wait3A_480 = tpu.memref_slice %arg6[%dma_wait3A_478, %dma_wait3A_479] : memref<800x100xf32, #tpu.memory_space<vmem>> -> memref<1x100xf32, #tpu.memory_space<vmem>>
    %dma_wait3A_481 = arith.constant 0 : i32
    %dma_wait3A_482 = arith.constant 0 : i32
    %dma_wait3A_483 = tpu.memref_slice %arg3[%dma_wait3A_481, %dma_wait3A_482] : memref<500000x100xf32, #tpu.memory_space<hbm>> -> memref<1x100xf32, #tpu.memory_space<hbm>>
    tpu.wait_dma2 semaphore(%arg7 : memref<!tpu.dma_semaphore, #tpu.memory_space<semaphore_mem>>) src(%dma_wait3A_483 : memref<1x100xf32, #tpu.memory_space<hbm>>) dst(%dma_wait3A_480 : memref<1x100xf32, #tpu.memory_space<vmem>>)
    %dma_wait3A_484 = arith.constant 0 : i32
    %dma_wait3A_485 = arith.constant 0 : i32
    %dma_wait3A_486 = tpu.memref_slice %arg6[%dma_wait3A_484, %dma_wait3A_485] : memref<800x100xf32, #tpu.memory_space<vmem>> -> memref<1x100xf32, #tpu.memory_space<vmem>>
    %dma_wait3A_487 = arith.constant 0 : i32
    %dma_wait3A_488 = arith.constant 0 : i32
    %dma_wait3A_489 = tpu.memref_slice %arg3[%dma_wait3A_487, %dma_wait3A_488] : memref<500000x100xf32, #tpu.memory_space<hbm>> -> memref<1x100xf32, #tpu.memory_space<hbm>>
    %dma_wait3A_490 = arith.constant 0 : i32
    %dma_wait3A_491 = arith.constant 0 : i32
    %dma_wait3A_492 = tpu.memref_slice %arg6[%dma_wait3A_490, %dma_wait3A_491] : memref<800x100xf32, #tpu.memory_space<vmem>> -> memref<1x100xf32, #tpu.memory_space<vmem>>
    %dma_wait3A_493 = arith.constant 0 : i32
    %dma_wait3A_494 = arith.constant 0 : i32
    %dma_wait3A_495 = tpu.memref_slice %arg3[%dma_wait3A_493, %dma_wait3A_494] : memref<500000x100xf32, #tpu.memory_space<hbm>> -> memref<1x100xf32, #tpu.memory_space<hbm>>
    tpu.wait_dma2 semaphore(%arg7 : memref<!tpu.dma_semaphore, #tpu.memory_space<semaphore_mem>>) src(%dma_wait3A_495 : memref<1x100xf32, #tpu.memory_space<hbm>>) dst(%dma_wait3A_492 : memref<1x100xf32, #tpu.memory_space<vmem>>)
    %dma_wait3A_496 = arith.constant 0 : i32
    %dma_wait3A_497 = arith.constant 0 : i32
    %dma_wait3A_498 = tpu.memref_slice %arg6[%dma_wait3A_496, %dma_wait3A_497] : memref<800x100xf32, #tpu.memory_space<vmem>> -> memref<1x100xf32, #tpu.memory_space<vmem>>
    %dma_wait3A_499 = arith.constant 0 : i32
    %dma_wait3A_500 = arith.constant 0 : i32
    %dma_wait3A_501 = tpu.memref_slice %arg3[%dma_wait3A_499, %dma_wait3A_500] : memref<500000x100xf32, #tpu.memory_space<hbm>> -> memref<1x100xf32, #tpu.memory_space<hbm>>
    %dma_wait3A_502 = arith.constant 0 : i32
    %dma_wait3A_503 = arith.constant 0 : i32
    %dma_wait3A_504 = tpu.memref_slice %arg6[%dma_wait3A_502, %dma_wait3A_503] : memref<800x100xf32, #tpu.memory_space<vmem>> -> memref<1x100xf32, #tpu.memory_space<vmem>>
    %dma_wait3A_505 = arith.constant 0 : i32
    %dma_wait3A_506 = arith.constant 0 : i32
    %dma_wait3A_507 = tpu.memref_slice %arg3[%dma_wait3A_505, %dma_wait3A_506] : memref<500000x100xf32, #tpu.memory_space<hbm>> -> memref<1x100xf32, #tpu.memory_space<hbm>>
    tpu.wait_dma2 semaphore(%arg7 : memref<!tpu.dma_semaphore, #tpu.memory_space<semaphore_mem>>) src(%dma_wait3A_507 : memref<1x100xf32, #tpu.memory_space<hbm>>) dst(%dma_wait3A_504 : memref<1x100xf32, #tpu.memory_space<vmem>>)
    %dma_wait3A_508 = arith.constant 0 : i32
    %dma_wait3A_509 = arith.constant 0 : i32
    %dma_wait3A_510 = tpu.memref_slice %arg6[%dma_wait3A_508, %dma_wait3A_509] : memref<800x100xf32, #tpu.memory_space<vmem>> -> memref<1x100xf32, #tpu.memory_space<vmem>>
    %dma_wait3A_511 = arith.constant 0 : i32
    %dma_wait3A_512 = arith.constant 0 : i32
    %dma_wait3A_513 = tpu.memref_slice %arg3[%dma_wait3A_511, %dma_wait3A_512] : memref<500000x100xf32, #tpu.memory_space<hbm>> -> memref<1x100xf32, #tpu.memory_space<hbm>>
    %dma_wait3A_514 = arith.constant 0 : i32
    %dma_wait3A_515 = arith.constant 0 : i32
    %dma_wait3A_516 = tpu.memref_slice %arg6[%dma_wait3A_514, %dma_wait3A_515] : memref<800x100xf32, #tpu.memory_space<vmem>> -> memref<1x100xf32, #tpu.memory_space<vmem>>
    %dma_wait3A_517 = arith.constant 0 : i32
    %dma_wait3A_518 = arith.constant 0 : i32
    %dma_wait3A_519 = tpu.memref_slice %arg3[%dma_wait3A_517, %dma_wait3A_518] : memref<500000x100xf32, #tpu.memory_space<hbm>> -> memref<1x100xf32, #tpu.memory_space<hbm>>
    tpu.wait_dma2 semaphore(%arg7 : memref<!tpu.dma_semaphore, #tpu.memory_space<semaphore_mem>>) src(%dma_wait3A_519 : memref<1x100xf32, #tpu.memory_space<hbm>>) dst(%dma_wait3A_516 : memref<1x100xf32, #tpu.memory_space<vmem>>)
    %dma_wait3A_520 = arith.constant 0 : i32
    %dma_wait3A_521 = arith.constant 0 : i32
    %dma_wait3A_522 = tpu.memref_slice %arg6[%dma_wait3A_520, %dma_wait3A_521] : memref<800x100xf32, #tpu.memory_space<vmem>> -> memref<1x100xf32, #tpu.memory_space<vmem>>
    %dma_wait3A_523 = arith.constant 0 : i32
    %dma_wait3A_524 = arith.constant 0 : i32
    %dma_wait3A_525 = tpu.memref_slice %arg3[%dma_wait3A_523, %dma_wait3A_524] : memref<500000x100xf32, #tpu.memory_space<hbm>> -> memref<1x100xf32, #tpu.memory_space<hbm>>
    %dma_wait3A_526 = arith.constant 0 : i32
    %dma_wait3A_527 = arith.constant 0 : i32
    %dma_wait3A_528 = tpu.memref_slice %arg6[%dma_wait3A_526, %dma_wait3A_527] : memref<800x100xf32, #tpu.memory_space<vmem>> -> memref<1x100xf32, #tpu.memory_space<vmem>>
    %dma_wait3A_529 = arith.constant 0 : i32
    %dma_wait3A_530 = arith.constant 0 : i32
    %dma_wait3A_531 = tpu.memref_slice %arg3[%dma_wait3A_529, %dma_wait3A_530] : memref<500000x100xf32, #tpu.memory_space<hbm>> -> memref<1x100xf32, #tpu.memory_space<hbm>>
    tpu.wait_dma2 semaphore(%arg7 : memref<!tpu.dma_semaphore, #tpu.memory_space<semaphore_mem>>) src(%dma_wait3A_531 : memref<1x100xf32, #tpu.memory_space<hbm>>) dst(%dma_wait3A_528 : memref<1x100xf32, #tpu.memory_space<vmem>>)
    %dma_wait3A_532 = arith.constant 0 : i32
    %dma_wait3A_533 = arith.constant 0 : i32
    %dma_wait3A_534 = tpu.memref_slice %arg6[%dma_wait3A_532, %dma_wait3A_533] : memref<800x100xf32, #tpu.memory_space<vmem>> -> memref<1x100xf32, #tpu.memory_space<vmem>>
    %dma_wait3A_535 = arith.constant 0 : i32
    %dma_wait3A_536 = arith.constant 0 : i32
    %dma_wait3A_537 = tpu.memref_slice %arg3[%dma_wait3A_535, %dma_wait3A_536] : memref<500000x100xf32, #tpu.memory_space<hbm>> -> memref<1x100xf32, #tpu.memory_space<hbm>>
    %dma_wait3A_538 = arith.constant 0 : i32
    %dma_wait3A_539 = arith.constant 0 : i32
    %dma_wait3A_540 = tpu.memref_slice %arg6[%dma_wait3A_538, %dma_wait3A_539] : memref<800x100xf32, #tpu.memory_space<vmem>> -> memref<1x100xf32, #tpu.memory_space<vmem>>
    %dma_wait3A_541 = arith.constant 0 : i32
    %dma_wait3A_542 = arith.constant 0 : i32
    %dma_wait3A_543 = tpu.memref_slice %arg3[%dma_wait3A_541, %dma_wait3A_542] : memref<500000x100xf32, #tpu.memory_space<hbm>> -> memref<1x100xf32, #tpu.memory_space<hbm>>
    tpu.wait_dma2 semaphore(%arg7 : memref<!tpu.dma_semaphore, #tpu.memory_space<semaphore_mem>>) src(%dma_wait3A_543 : memref<1x100xf32, #tpu.memory_space<hbm>>) dst(%dma_wait3A_540 : memref<1x100xf32, #tpu.memory_space<vmem>>)
    %dma_wait3A_544 = arith.constant 0 : i32
    %dma_wait3A_545 = arith.constant 0 : i32
    %dma_wait3A_546 = tpu.memref_slice %arg6[%dma_wait3A_544, %dma_wait3A_545] : memref<800x100xf32, #tpu.memory_space<vmem>> -> memref<1x100xf32, #tpu.memory_space<vmem>>
    %dma_wait3A_547 = arith.constant 0 : i32
    %dma_wait3A_548 = arith.constant 0 : i32
    %dma_wait3A_549 = tpu.memref_slice %arg3[%dma_wait3A_547, %dma_wait3A_548] : memref<500000x100xf32, #tpu.memory_space<hbm>> -> memref<1x100xf32, #tpu.memory_space<hbm>>
    %dma_wait3A_550 = arith.constant 0 : i32
    %dma_wait3A_551 = arith.constant 0 : i32
    %dma_wait3A_552 = tpu.memref_slice %arg6[%dma_wait3A_550, %dma_wait3A_551] : memref<800x100xf32, #tpu.memory_space<vmem>> -> memref<1x100xf32, #tpu.memory_space<vmem>>
    %dma_wait3A_553 = arith.constant 0 : i32
    %dma_wait3A_554 = arith.constant 0 : i32
    %dma_wait3A_555 = tpu.memref_slice %arg3[%dma_wait3A_553, %dma_wait3A_554] : memref<500000x100xf32, #tpu.memory_space<hbm>> -> memref<1x100xf32, #tpu.memory_space<hbm>>
    tpu.wait_dma2 semaphore(%arg7 : memref<!tpu.dma_semaphore, #tpu.memory_space<semaphore_mem>>) src(%dma_wait3A_555 : memref<1x100xf32, #tpu.memory_space<hbm>>) dst(%dma_wait3A_552 : memref<1x100xf32, #tpu.memory_space<vmem>>)
    %dma_wait3A_556 = arith.constant 0 : i32
    %dma_wait3A_557 = arith.constant 0 : i32
    %dma_wait3A_558 = tpu.memref_slice %arg6[%dma_wait3A_556, %dma_wait3A_557] : memref<800x100xf32, #tpu.memory_space<vmem>> -> memref<1x100xf32, #tpu.memory_space<vmem>>
    %dma_wait3A_559 = arith.constant 0 : i32
    %dma_wait3A_560 = arith.constant 0 : i32
    %dma_wait3A_561 = tpu.memref_slice %arg3[%dma_wait3A_559, %dma_wait3A_560] : memref<500000x100xf32, #tpu.memory_space<hbm>> -> memref<1x100xf32, #tpu.memory_space<hbm>>
    %dma_wait3A_562 = arith.constant 0 : i32
    %dma_wait3A_563 = arith.constant 0 : i32
    %dma_wait3A_564 = tpu.memref_slice %arg6[%dma_wait3A_562, %dma_wait3A_563] : memref<800x100xf32, #tpu.memory_space<vmem>> -> memref<1x100xf32, #tpu.memory_space<vmem>>
    %dma_wait3A_565 = arith.constant 0 : i32
    %dma_wait3A_566 = arith.constant 0 : i32
    %dma_wait3A_567 = tpu.memref_slice %arg3[%dma_wait3A_565, %dma_wait3A_566] : memref<500000x100xf32, #tpu.memory_space<hbm>> -> memref<1x100xf32, #tpu.memory_space<hbm>>
    tpu.wait_dma2 semaphore(%arg7 : memref<!tpu.dma_semaphore, #tpu.memory_space<semaphore_mem>>) src(%dma_wait3A_567 : memref<1x100xf32, #tpu.memory_space<hbm>>) dst(%dma_wait3A_564 : memref<1x100xf32, #tpu.memory_space<vmem>>)
    %dma_wait3A_568 = arith.constant 0 : i32
    %dma_wait3A_569 = arith.constant 0 : i32
    %dma_wait3A_570 = tpu.memref_slice %arg6[%dma_wait3A_568, %dma_wait3A_569] : memref<800x100xf32, #tpu.memory_space<vmem>> -> memref<1x100xf32, #tpu.memory_space<vmem>>
    %dma_wait3A_571 = arith.constant 0 : i32
    %dma_wait3A_572 = arith.constant 0 : i32
    %dma_wait3A_573 = tpu.memref_slice %arg3[%dma_wait3A_571, %dma_wait3A_572] : memref<500000x100xf32, #tpu.memory_space<hbm>> -> memref<1x100xf32, #tpu.memory_space<hbm>>
    %dma_wait3A_574 = arith.constant 0 : i32
    %dma_wait3A_575 = arith.constant 0 : i32
    %dma_wait3A_576 = tpu.memref_slice %arg6[%dma_wait3A_574, %dma_wait3A_575] : memref<800x100xf32, #tpu.memory_space<vmem>> -> memref<1x100xf32, #tpu.memory_space<vmem>>
    %dma_wait3A_577 = arith.constant 0 : i32
    %dma_wait3A_578 = arith.constant 0 : i32
    %dma_wait3A_579 = tpu.memref_slice %arg3[%dma_wait3A_577, %dma_wait3A_578] : memref<500000x100xf32, #tpu.memory_space<hbm>> -> memref<1x100xf32, #tpu.memory_space<hbm>>
    tpu.wait_dma2 semaphore(%arg7 : memref<!tpu.dma_semaphore, #tpu.memory_space<semaphore_mem>>) src(%dma_wait3A_579 : memref<1x100xf32, #tpu.memory_space<hbm>>) dst(%dma_wait3A_576 : memref<1x100xf32, #tpu.memory_space<vmem>>)
    %dma_wait3A_580 = arith.constant 0 : i32
    %dma_wait3A_581 = arith.constant 0 : i32
    %dma_wait3A_582 = tpu.memref_slice %arg6[%dma_wait3A_580, %dma_wait3A_581] : memref<800x100xf32, #tpu.memory_space<vmem>> -> memref<1x100xf32, #tpu.memory_space<vmem>>
    %dma_wait3A_583 = arith.constant 0 : i32
    %dma_wait3A_584 = arith.constant 0 : i32
    %dma_wait3A_585 = tpu.memref_slice %arg3[%dma_wait3A_583, %dma_wait3A_584] : memref<500000x100xf32, #tpu.memory_space<hbm>> -> memref<1x100xf32, #tpu.memory_space<hbm>>
    %dma_wait3A_586 = arith.constant 0 : i32
    %dma_wait3A_587 = arith.constant 0 : i32
    %dma_wait3A_588 = tpu.memref_slice %arg6[%dma_wait3A_586, %dma_wait3A_587] : memref<800x100xf32, #tpu.memory_space<vmem>> -> memref<1x100xf32, #tpu.memory_space<vmem>>
    %dma_wait3A_589 = arith.constant 0 : i32
    %dma_wait3A_590 = arith.constant 0 : i32
    %dma_wait3A_591 = tpu.memref_slice %arg3[%dma_wait3A_589, %dma_wait3A_590] : memref<500000x100xf32, #tpu.memory_space<hbm>> -> memref<1x100xf32, #tpu.memory_space<hbm>>
    tpu.wait_dma2 semaphore(%arg7 : memref<!tpu.dma_semaphore, #tpu.memory_space<semaphore_mem>>) src(%dma_wait3A_591 : memref<1x100xf32, #tpu.memory_space<hbm>>) dst(%dma_wait3A_588 : memref<1x100xf32, #tpu.memory_space<vmem>>)
    %dma_wait3A_592 = arith.constant 0 : i32
    %dma_wait3A_593 = arith.constant 0 : i32
    %dma_wait3A_594 = tpu.memref_slice %arg6[%dma_wait3A_592, %dma_wait3A_593] : memref<800x100xf32, #tpu.memory_space<vmem>> -> memref<1x100xf32, #tpu.memory_space<vmem>>
    %dma_wait3A_595 = arith.constant 0 : i32
    %dma_wait3A_596 = arith.constant 0 : i32
    %dma_wait3A_597 = tpu.memref_slice %arg3[%dma_wait3A_595, %dma_wait3A_596] : memref<500000x100xf32, #tpu.memory_space<hbm>> -> memref<1x100xf32, #tpu.memory_space<hbm>>
    %dma_wait3A_598 = arith.constant 0 : i32
    %dma_wait3A_599 = arith.constant 0 : i32
    %dma_wait3A_600 = tpu.memref_slice %arg6[%dma_wait3A_598, %dma_wait3A_599] : memref<800x100xf32, #tpu.memory_space<vmem>> -> memref<1x100xf32, #tpu.memory_space<vmem>>
    %dma_wait3A_601 = arith.constant 0 : i32
    %dma_wait3A_602 = arith.constant 0 : i32
    %dma_wait3A_603 = tpu.memref_slice %arg3[%dma_wait3A_601, %dma_wait3A_602] : memref<500000x100xf32, #tpu.memory_space<hbm>> -> memref<1x100xf32, #tpu.memory_space<hbm>>
    tpu.wait_dma2 semaphore(%arg7 : memref<!tpu.dma_semaphore, #tpu.memory_space<semaphore_mem>>) src(%dma_wait3A_603 : memref<1x100xf32, #tpu.memory_space<hbm>>) dst(%dma_wait3A_600 : memref<1x100xf32, #tpu.memory_space<vmem>>)
    %dma_wait3A_604 = arith.constant 0 : i32
    %dma_wait3A_605 = arith.constant 0 : i32
    %dma_wait3A_606 = tpu.memref_slice %arg6[%dma_wait3A_604, %dma_wait3A_605] : memref<800x100xf32, #tpu.memory_space<vmem>> -> memref<1x100xf32, #tpu.memory_space<vmem>>
    %dma_wait3A_607 = arith.constant 0 : i32
    %dma_wait3A_608 = arith.constant 0 : i32
    %dma_wait3A_609 = tpu.memref_slice %arg3[%dma_wait3A_607, %dma_wait3A_608] : memref<500000x100xf32, #tpu.memory_space<hbm>> -> memref<1x100xf32, #tpu.memory_space<hbm>>
    %dma_wait3A_610 = arith.constant 0 : i32
    %dma_wait3A_611 = arith.constant 0 : i32
    %dma_wait3A_612 = tpu.memref_slice %arg6[%dma_wait3A_610, %dma_wait3A_611] : memref<800x100xf32, #tpu.memory_space<vmem>> -> memref<1x100xf32, #tpu.memory_space<vmem>>
    %dma_wait3A_613 = arith.constant 0 : i32
    %dma_wait3A_614 = arith.constant 0 : i32
    %dma_wait3A_615 = tpu.memref_slice %arg3[%dma_wait3A_613, %dma_wait3A_614] : memref<500000x100xf32, #tpu.memory_space<hbm>> -> memref<1x100xf32, #tpu.memory_space<hbm>>
    tpu.wait_dma2 semaphore(%arg7 : memref<!tpu.dma_semaphore, #tpu.memory_space<semaphore_mem>>) src(%dma_wait3A_615 : memref<1x100xf32, #tpu.memory_space<hbm>>) dst(%dma_wait3A_612 : memref<1x100xf32, #tpu.memory_space<vmem>>)
    %dma_wait3A_616 = arith.constant 0 : i32
    %dma_wait3A_617 = arith.constant 0 : i32
    %dma_wait3A_618 = tpu.memref_slice %arg6[%dma_wait3A_616, %dma_wait3A_617] : memref<800x100xf32, #tpu.memory_space<vmem>> -> memref<1x100xf32, #tpu.memory_space<vmem>>
    %dma_wait3A_619 = arith.constant 0 : i32
    %dma_wait3A_620 = arith.constant 0 : i32
    %dma_wait3A_621 = tpu.memref_slice %arg3[%dma_wait3A_619, %dma_wait3A_620] : memref<500000x100xf32, #tpu.memory_space<hbm>> -> memref<1x100xf32, #tpu.memory_space<hbm>>
    %dma_wait3A_622 = arith.constant 0 : i32
    %dma_wait3A_623 = arith.constant 0 : i32
    %dma_wait3A_624 = tpu.memref_slice %arg6[%dma_wait3A_622, %dma_wait3A_623] : memref<800x100xf32, #tpu.memory_space<vmem>> -> memref<1x100xf32, #tpu.memory_space<vmem>>
    %dma_wait3A_625 = arith.constant 0 : i32
    %dma_wait3A_626 = arith.constant 0 : i32
    %dma_wait3A_627 = tpu.memref_slice %arg3[%dma_wait3A_625, %dma_wait3A_626] : memref<500000x100xf32, #tpu.memory_space<hbm>> -> memref<1x100xf32, #tpu.memory_space<hbm>>
    tpu.wait_dma2 semaphore(%arg7 : memref<!tpu.dma_semaphore, #tpu.memory_space<semaphore_mem>>) src(%dma_wait3A_627 : memref<1x100xf32, #tpu.memory_space<hbm>>) dst(%dma_wait3A_624 : memref<1x100xf32, #tpu.memory_space<vmem>>)
    %dma_wait3A_628 = arith.constant 0 : i32
    %dma_wait3A_629 = arith.constant 0 : i32
    %dma_wait3A_630 = tpu.memref_slice %arg6[%dma_wait3A_628, %dma_wait3A_629] : memref<800x100xf32, #tpu.memory_space<vmem>> -> memref<1x100xf32, #tpu.memory_space<vmem>>
    %dma_wait3A_631 = arith.constant 0 : i32
    %dma_wait3A_632 = arith.constant 0 : i32
    %dma_wait3A_633 = tpu.memref_slice %arg3[%dma_wait3A_631, %dma_wait3A_632] : memref<500000x100xf32, #tpu.memory_space<hbm>> -> memref<1x100xf32, #tpu.memory_space<hbm>>
    %dma_wait3A_634 = arith.constant 0 : i32
    %dma_wait3A_635 = arith.constant 0 : i32
    %dma_wait3A_636 = tpu.memref_slice %arg6[%dma_wait3A_634, %dma_wait3A_635] : memref<800x100xf32, #tpu.memory_space<vmem>> -> memref<1x100xf32, #tpu.memory_space<vmem>>
    %dma_wait3A_637 = arith.constant 0 : i32
    %dma_wait3A_638 = arith.constant 0 : i32
    %dma_wait3A_639 = tpu.memref_slice %arg3[%dma_wait3A_637, %dma_wait3A_638] : memref<500000x100xf32, #tpu.memory_space<hbm>> -> memref<1x100xf32, #tpu.memory_space<hbm>>
    tpu.wait_dma2 semaphore(%arg7 : memref<!tpu.dma_semaphore, #tpu.memory_space<semaphore_mem>>) src(%dma_wait3A_639 : memref<1x100xf32, #tpu.memory_space<hbm>>) dst(%dma_wait3A_636 : memref<1x100xf32, #tpu.memory_space<vmem>>)
    %dma_wait3A_640 = arith.constant 0 : i32
    %dma_wait3A_641 = arith.constant 0 : i32
    %dma_wait3A_642 = tpu.memref_slice %arg6[%dma_wait3A_640, %dma_wait3A_641] : memref<800x100xf32, #tpu.memory_space<vmem>> -> memref<1x100xf32, #tpu.memory_space<vmem>>
    %dma_wait3A_643 = arith.constant 0 : i32
    %dma_wait3A_644 = arith.constant 0 : i32
    %dma_wait3A_645 = tpu.memref_slice %arg3[%dma_wait3A_643, %dma_wait3A_644] : memref<500000x100xf32, #tpu.memory_space<hbm>> -> memref<1x100xf32, #tpu.memory_space<hbm>>
    %dma_wait3A_646 = arith.constant 0 : i32
    %dma_wait3A_647 = arith.constant 0 : i32
    %dma_wait3A_648 = tpu.memref_slice %arg6[%dma_wait3A_646, %dma_wait3A_647] : memref<800x100xf32, #tpu.memory_space<vmem>> -> memref<1x100xf32, #tpu.memory_space<vmem>>
    %dma_wait3A_649 = arith.constant 0 : i32
    %dma_wait3A_650 = arith.constant 0 : i32
    %dma_wait3A_651 = tpu.memref_slice %arg3[%dma_wait3A_649, %dma_wait3A_650] : memref<500000x100xf32, #tpu.memory_space<hbm>> -> memref<1x100xf32, #tpu.memory_space<hbm>>
    tpu.wait_dma2 semaphore(%arg7 : memref<!tpu.dma_semaphore, #tpu.memory_space<semaphore_mem>>) src(%dma_wait3A_651 : memref<1x100xf32, #tpu.memory_space<hbm>>) dst(%dma_wait3A_648 : memref<1x100xf32, #tpu.memory_space<vmem>>)
    %dma_wait3A_652 = arith.constant 0 : i32
    %dma_wait3A_653 = arith.constant 0 : i32
    %dma_wait3A_654 = tpu.memref_slice %arg6[%dma_wait3A_652, %dma_wait3A_653] : memref<800x100xf32, #tpu.memory_space<vmem>> -> memref<1x100xf32, #tpu.memory_space<vmem>>
    %dma_wait3A_655 = arith.constant 0 : i32
    %dma_wait3A_656 = arith.constant 0 : i32
    %dma_wait3A_657 = tpu.memref_slice %arg3[%dma_wait3A_655, %dma_wait3A_656] : memref<500000x100xf32, #tpu.memory_space<hbm>> -> memref<1x100xf32, #tpu.memory_space<hbm>>
    %dma_wait3A_658 = arith.constant 0 : i32
    %dma_wait3A_659 = arith.constant 0 : i32
    %dma_wait3A_660 = tpu.memref_slice %arg6[%dma_wait3A_658, %dma_wait3A_659] : memref<800x100xf32, #tpu.memory_space<vmem>> -> memref<1x100xf32, #tpu.memory_space<vmem>>
    %dma_wait3A_661 = arith.constant 0 : i32
    %dma_wait3A_662 = arith.constant 0 : i32
    %dma_wait3A_663 = tpu.memref_slice %arg3[%dma_wait3A_661, %dma_wait3A_662] : memref<500000x100xf32, #tpu.memory_space<hbm>> -> memref<1x100xf32, #tpu.memory_space<hbm>>
    tpu.wait_dma2 semaphore(%arg7 : memref<!tpu.dma_semaphore, #tpu.memory_space<semaphore_mem>>) src(%dma_wait3A_663 : memref<1x100xf32, #tpu.memory_space<hbm>>) dst(%dma_wait3A_660 : memref<1x100xf32, #tpu.memory_space<vmem>>)
    %dma_wait3A_664 = arith.constant 0 : i32
    %dma_wait3A_665 = arith.constant 0 : i32
    %dma_wait3A_666 = tpu.memref_slice %arg6[%dma_wait3A_664, %dma_wait3A_665] : memref<800x100xf32, #tpu.memory_space<vmem>> -> memref<1x100xf32, #tpu.memory_space<vmem>>
    %dma_wait3A_667 = arith.constant 0 : i32
    %dma_wait3A_668 = arith.constant 0 : i32
    %dma_wait3A_669 = tpu.memref_slice %arg3[%dma_wait3A_667, %dma_wait3A_668] : memref<500000x100xf32, #tpu.memory_space<hbm>> -> memref<1x100xf32, #tpu.memory_space<hbm>>
    %dma_wait3A_670 = arith.constant 0 : i32
    %dma_wait3A_671 = arith.constant 0 : i32
    %dma_wait3A_672 = tpu.memref_slice %arg6[%dma_wait3A_670, %dma_wait3A_671] : memref<800x100xf32, #tpu.memory_space<vmem>> -> memref<1x100xf32, #tpu.memory_space<vmem>>
    %dma_wait3A_673 = arith.constant 0 : i32
    %dma_wait3A_674 = arith.constant 0 : i32
    %dma_wait3A_675 = tpu.memref_slice %arg3[%dma_wait3A_673, %dma_wait3A_674] : memref<500000x100xf32, #tpu.memory_space<hbm>> -> memref<1x100xf32, #tpu.memory_space<hbm>>
    tpu.wait_dma2 semaphore(%arg7 : memref<!tpu.dma_semaphore, #tpu.memory_space<semaphore_mem>>) src(%dma_wait3A_675 : memref<1x100xf32, #tpu.memory_space<hbm>>) dst(%dma_wait3A_672 : memref<1x100xf32, #tpu.memory_space<vmem>>)
    %dma_wait3A_676 = arith.constant 0 : i32
    %dma_wait3A_677 = arith.constant 0 : i32
    %dma_wait3A_678 = tpu.memref_slice %arg6[%dma_wait3A_676, %dma_wait3A_677] : memref<800x100xf32, #tpu.memory_space<vmem>> -> memref<1x100xf32, #tpu.memory_space<vmem>>
    %dma_wait3A_679 = arith.constant 0 : i32
    %dma_wait3A_680 = arith.constant 0 : i32
    %dma_wait3A_681 = tpu.memref_slice %arg3[%dma_wait3A_679, %dma_wait3A_680] : memref<500000x100xf32, #tpu.memory_space<hbm>> -> memref<1x100xf32, #tpu.memory_space<hbm>>
    %dma_wait3A_682 = arith.constant 0 : i32
    %dma_wait3A_683 = arith.constant 0 : i32
    %dma_wait3A_684 = tpu.memref_slice %arg6[%dma_wait3A_682, %dma_wait3A_683] : memref<800x100xf32, #tpu.memory_space<vmem>> -> memref<1x100xf32, #tpu.memory_space<vmem>>
    %dma_wait3A_685 = arith.constant 0 : i32
    %dma_wait3A_686 = arith.constant 0 : i32
    %dma_wait3A_687 = tpu.memref_slice %arg3[%dma_wait3A_685, %dma_wait3A_686] : memref<500000x100xf32, #tpu.memory_space<hbm>> -> memref<1x100xf32, #tpu.memory_space<hbm>>
    tpu.wait_dma2 semaphore(%arg7 : memref<!tpu.dma_semaphore, #tpu.memory_space<semaphore_mem>>) src(%dma_wait3A_687 : memref<1x100xf32, #tpu.memory_space<hbm>>) dst(%dma_wait3A_684 : memref<1x100xf32, #tpu.memory_space<vmem>>)
    %dma_wait3A_688 = arith.constant 0 : i32
    %dma_wait3A_689 = arith.constant 0 : i32
    %dma_wait3A_690 = tpu.memref_slice %arg6[%dma_wait3A_688, %dma_wait3A_689] : memref<800x100xf32, #tpu.memory_space<vmem>> -> memref<1x100xf32, #tpu.memory_space<vmem>>
    %dma_wait3A_691 = arith.constant 0 : i32
    %dma_wait3A_692 = arith.constant 0 : i32
    %dma_wait3A_693 = tpu.memref_slice %arg3[%dma_wait3A_691, %dma_wait3A_692] : memref<500000x100xf32, #tpu.memory_space<hbm>> -> memref<1x100xf32, #tpu.memory_space<hbm>>
    %dma_wait3A_694 = arith.constant 0 : i32
    %dma_wait3A_695 = arith.constant 0 : i32
    %dma_wait3A_696 = tpu.memref_slice %arg6[%dma_wait3A_694, %dma_wait3A_695] : memref<800x100xf32, #tpu.memory_space<vmem>> -> memref<1x100xf32, #tpu.memory_space<vmem>>
    %dma_wait3A_697 = arith.constant 0 : i32
    %dma_wait3A_698 = arith.constant 0 : i32
    %dma_wait3A_699 = tpu.memref_slice %arg3[%dma_wait3A_697, %dma_wait3A_698] : memref<500000x100xf32, #tpu.memory_space<hbm>> -> memref<1x100xf32, #tpu.memory_space<hbm>>
    tpu.wait_dma2 semaphore(%arg7 : memref<!tpu.dma_semaphore, #tpu.memory_space<semaphore_mem>>) src(%dma_wait3A_699 : memref<1x100xf32, #tpu.memory_space<hbm>>) dst(%dma_wait3A_696 : memref<1x100xf32, #tpu.memory_space<vmem>>)
    %dma_wait3A_700 = arith.constant 0 : i32
    %dma_wait3A_701 = arith.constant 0 : i32
    %dma_wait3A_702 = tpu.memref_slice %arg6[%dma_wait3A_700, %dma_wait3A_701] : memref<800x100xf32, #tpu.memory_space<vmem>> -> memref<1x100xf32, #tpu.memory_space<vmem>>
    %dma_wait3A_703 = arith.constant 0 : i32
    %dma_wait3A_704 = arith.constant 0 : i32
    %dma_wait3A_705 = tpu.memref_slice %arg3[%dma_wait3A_703, %dma_wait3A_704] : memref<500000x100xf32, #tpu.memory_space<hbm>> -> memref<1x100xf32, #tpu.memory_space<hbm>>
    %dma_wait3A_706 = arith.constant 0 : i32
    %dma_wait3A_707 = arith.constant 0 : i32
    %dma_wait3A_708 = tpu.memref_slice %arg6[%dma_wait3A_706, %dma_wait3A_707] : memref<800x100xf32, #tpu.memory_space<vmem>> -> memref<1x100xf32, #tpu.memory_space<vmem>>
    %dma_wait3A_709 = arith.constant 0 : i32
    %dma_wait3A_710 = arith.constant 0 : i32
    %dma_wait3A_711 = tpu.memref_slice %arg3[%dma_wait3A_709, %dma_wait3A_710] : memref<500000x100xf32, #tpu.memory_space<hbm>> -> memref<1x100xf32, #tpu.memory_space<hbm>>
    tpu.wait_dma2 semaphore(%arg7 : memref<!tpu.dma_semaphore, #tpu.memory_space<semaphore_mem>>) src(%dma_wait3A_711 : memref<1x100xf32, #tpu.memory_space<hbm>>) dst(%dma_wait3A_708 : memref<1x100xf32, #tpu.memory_space<vmem>>)
    %dma_wait3A_712 = arith.constant 0 : i32
    %dma_wait3A_713 = arith.constant 0 : i32
    %dma_wait3A_714 = tpu.memref_slice %arg6[%dma_wait3A_712, %dma_wait3A_713] : memref<800x100xf32, #tpu.memory_space<vmem>> -> memref<1x100xf32, #tpu.memory_space<vmem>>
    %dma_wait3A_715 = arith.constant 0 : i32
    %dma_wait3A_716 = arith.constant 0 : i32
    %dma_wait3A_717 = tpu.memref_slice %arg3[%dma_wait3A_715, %dma_wait3A_716] : memref<500000x100xf32, #tpu.memory_space<hbm>> -> memref<1x100xf32, #tpu.memory_space<hbm>>
    %dma_wait3A_718 = arith.constant 0 : i32
    %dma_wait3A_719 = arith.constant 0 : i32
    %dma_wait3A_720 = tpu.memref_slice %arg6[%dma_wait3A_718, %dma_wait3A_719] : memref<800x100xf32, #tpu.memory_space<vmem>> -> memref<1x100xf32, #tpu.memory_space<vmem>>
    %dma_wait3A_721 = arith.constant 0 : i32
    %dma_wait3A_722 = arith.constant 0 : i32
    %dma_wait3A_723 = tpu.memref_slice %arg3[%dma_wait3A_721, %dma_wait3A_722] : memref<500000x100xf32, #tpu.memory_space<hbm>> -> memref<1x100xf32, #tpu.memory_space<hbm>>
    tpu.wait_dma2 semaphore(%arg7 : memref<!tpu.dma_semaphore, #tpu.memory_space<semaphore_mem>>) src(%dma_wait3A_723 : memref<1x100xf32, #tpu.memory_space<hbm>>) dst(%dma_wait3A_720 : memref<1x100xf32, #tpu.memory_space<vmem>>)
    %dma_wait3A_724 = arith.constant 0 : i32
    %dma_wait3A_725 = arith.constant 0 : i32
    %dma_wait3A_726 = tpu.memref_slice %arg6[%dma_wait3A_724, %dma_wait3A_725] : memref<800x100xf32, #tpu.memory_space<vmem>> -> memref<1x100xf32, #tpu.memory_space<vmem>>
    %dma_wait3A_727 = arith.constant 0 : i32
    %dma_wait3A_728 = arith.constant 0 : i32
    %dma_wait3A_729 = tpu.memref_slice %arg3[%dma_wait3A_727, %dma_wait3A_728] : memref<500000x100xf32, #tpu.memory_space<hbm>> -> memref<1x100xf32, #tpu.memory_space<hbm>>
    %dma_wait3A_730 = arith.constant 0 : i32
    %dma_wait3A_731 = arith.constant 0 : i32
    %dma_wait3A_732 = tpu.memref_slice %arg6[%dma_wait3A_730, %dma_wait3A_731] : memref<800x100xf32, #tpu.memory_space<vmem>> -> memref<1x100xf32, #tpu.memory_space<vmem>>
    %dma_wait3A_733 = arith.constant 0 : i32
    %dma_wait3A_734 = arith.constant 0 : i32
    %dma_wait3A_735 = tpu.memref_slice %arg3[%dma_wait3A_733, %dma_wait3A_734] : memref<500000x100xf32, #tpu.memory_space<hbm>> -> memref<1x100xf32, #tpu.memory_space<hbm>>
    tpu.wait_dma2 semaphore(%arg7 : memref<!tpu.dma_semaphore, #tpu.memory_space<semaphore_mem>>) src(%dma_wait3A_735 : memref<1x100xf32, #tpu.memory_space<hbm>>) dst(%dma_wait3A_732 : memref<1x100xf32, #tpu.memory_space<vmem>>)
    %dma_wait3A_736 = arith.constant 0 : i32
    %dma_wait3A_737 = arith.constant 0 : i32
    %dma_wait3A_738 = tpu.memref_slice %arg6[%dma_wait3A_736, %dma_wait3A_737] : memref<800x100xf32, #tpu.memory_space<vmem>> -> memref<1x100xf32, #tpu.memory_space<vmem>>
    %dma_wait3A_739 = arith.constant 0 : i32
    %dma_wait3A_740 = arith.constant 0 : i32
    %dma_wait3A_741 = tpu.memref_slice %arg3[%dma_wait3A_739, %dma_wait3A_740] : memref<500000x100xf32, #tpu.memory_space<hbm>> -> memref<1x100xf32, #tpu.memory_space<hbm>>
    %dma_wait3A_742 = arith.constant 0 : i32
    %dma_wait3A_743 = arith.constant 0 : i32
    %dma_wait3A_744 = tpu.memref_slice %arg6[%dma_wait3A_742, %dma_wait3A_743] : memref<800x100xf32, #tpu.memory_space<vmem>> -> memref<1x100xf32, #tpu.memory_space<vmem>>
    %dma_wait3A_745 = arith.constant 0 : i32
    %dma_wait3A_746 = arith.constant 0 : i32
    %dma_wait3A_747 = tpu.memref_slice %arg3[%dma_wait3A_745, %dma_wait3A_746] : memref<500000x100xf32, #tpu.memory_space<hbm>> -> memref<1x100xf32, #tpu.memory_space<hbm>>
    tpu.wait_dma2 semaphore(%arg7 : memref<!tpu.dma_semaphore, #tpu.memory_space<semaphore_mem>>) src(%dma_wait3A_747 : memref<1x100xf32, #tpu.memory_space<hbm>>) dst(%dma_wait3A_744 : memref<1x100xf32, #tpu.memory_space<vmem>>)
    %dma_wait3A_748 = arith.constant 0 : i32
    %dma_wait3A_749 = arith.constant 0 : i32
    %dma_wait3A_750 = tpu.memref_slice %arg6[%dma_wait3A_748, %dma_wait3A_749] : memref<800x100xf32, #tpu.memory_space<vmem>> -> memref<1x100xf32, #tpu.memory_space<vmem>>
    %dma_wait3A_751 = arith.constant 0 : i32
    %dma_wait3A_752 = arith.constant 0 : i32
    %dma_wait3A_753 = tpu.memref_slice %arg3[%dma_wait3A_751, %dma_wait3A_752] : memref<500000x100xf32, #tpu.memory_space<hbm>> -> memref<1x100xf32, #tpu.memory_space<hbm>>
    %dma_wait3A_754 = arith.constant 0 : i32
    %dma_wait3A_755 = arith.constant 0 : i32
    %dma_wait3A_756 = tpu.memref_slice %arg6[%dma_wait3A_754, %dma_wait3A_755] : memref<800x100xf32, #tpu.memory_space<vmem>> -> memref<1x100xf32, #tpu.memory_space<vmem>>
    %dma_wait3A_757 = arith.constant 0 : i32
    %dma_wait3A_758 = arith.constant 0 : i32
    %dma_wait3A_759 = tpu.memref_slice %arg3[%dma_wait3A_757, %dma_wait3A_758] : memref<500000x100xf32, #tpu.memory_space<hbm>> -> memref<1x100xf32, #tpu.memory_space<hbm>>
    tpu.wait_dma2 semaphore(%arg7 : memref<!tpu.dma_semaphore, #tpu.memory_space<semaphore_mem>>) src(%dma_wait3A_759 : memref<1x100xf32, #tpu.memory_space<hbm>>) dst(%dma_wait3A_756 : memref<1x100xf32, #tpu.memory_space<vmem>>)
    %dma_wait3A_760 = arith.constant 0 : i32
    %dma_wait3A_761 = arith.constant 0 : i32
    %dma_wait3A_762 = tpu.memref_slice %arg6[%dma_wait3A_760, %dma_wait3A_761] : memref<800x100xf32, #tpu.memory_space<vmem>> -> memref<1x100xf32, #tpu.memory_space<vmem>>
    %dma_wait3A_763 = arith.constant 0 : i32
    %dma_wait3A_764 = arith.constant 0 : i32
    %dma_wait3A_765 = tpu.memref_slice %arg3[%dma_wait3A_763, %dma_wait3A_764] : memref<500000x100xf32, #tpu.memory_space<hbm>> -> memref<1x100xf32, #tpu.memory_space<hbm>>
    %dma_wait3A_766 = arith.constant 0 : i32
    %dma_wait3A_767 = arith.constant 0 : i32
    %dma_wait3A_768 = tpu.memref_slice %arg6[%dma_wait3A_766, %dma_wait3A_767] : memref<800x100xf32, #tpu.memory_space<vmem>> -> memref<1x100xf32, #tpu.memory_space<vmem>>
    %dma_wait3A_769 = arith.constant 0 : i32
    %dma_wait3A_770 = arith.constant 0 : i32
    %dma_wait3A_771 = tpu.memref_slice %arg3[%dma_wait3A_769, %dma_wait3A_770] : memref<500000x100xf32, #tpu.memory_space<hbm>> -> memref<1x100xf32, #tpu.memory_space<hbm>>
    tpu.wait_dma2 semaphore(%arg7 : memref<!tpu.dma_semaphore, #tpu.memory_space<semaphore_mem>>) src(%dma_wait3A_771 : memref<1x100xf32, #tpu.memory_space<hbm>>) dst(%dma_wait3A_768 : memref<1x100xf32, #tpu.memory_space<vmem>>)
    %dma_wait3A_772 = arith.constant 0 : i32
    %dma_wait3A_773 = arith.constant 0 : i32
    %dma_wait3A_774 = tpu.memref_slice %arg6[%dma_wait3A_772, %dma_wait3A_773] : memref<800x100xf32, #tpu.memory_space<vmem>> -> memref<1x100xf32, #tpu.memory_space<vmem>>
    %dma_wait3A_775 = arith.constant 0 : i32
    %dma_wait3A_776 = arith.constant 0 : i32
    %dma_wait3A_777 = tpu.memref_slice %arg3[%dma_wait3A_775, %dma_wait3A_776] : memref<500000x100xf32, #tpu.memory_space<hbm>> -> memref<1x100xf32, #tpu.memory_space<hbm>>
    %dma_wait3A_778 = arith.constant 0 : i32
    %dma_wait3A_779 = arith.constant 0 : i32
    %dma_wait3A_780 = tpu.memref_slice %arg6[%dma_wait3A_778, %dma_wait3A_779] : memref<800x100xf32, #tpu.memory_space<vmem>> -> memref<1x100xf32, #tpu.memory_space<vmem>>
    %dma_wait3A_781 = arith.constant 0 : i32
    %dma_wait3A_782 = arith.constant 0 : i32
    %dma_wait3A_783 = tpu.memref_slice %arg3[%dma_wait3A_781, %dma_wait3A_782] : memref<500000x100xf32, #tpu.memory_space<hbm>> -> memref<1x100xf32, #tpu.memory_space<hbm>>
    tpu.wait_dma2 semaphore(%arg7 : memref<!tpu.dma_semaphore, #tpu.memory_space<semaphore_mem>>) src(%dma_wait3A_783 : memref<1x100xf32, #tpu.memory_space<hbm>>) dst(%dma_wait3A_780 : memref<1x100xf32, #tpu.memory_space<vmem>>)
    %dma_wait3A_784 = arith.constant 0 : i32
    %dma_wait3A_785 = arith.constant 0 : i32
    %dma_wait3A_786 = tpu.memref_slice %arg6[%dma_wait3A_784, %dma_wait3A_785] : memref<800x100xf32, #tpu.memory_space<vmem>> -> memref<1x100xf32, #tpu.memory_space<vmem>>
    %dma_wait3A_787 = arith.constant 0 : i32
    %dma_wait3A_788 = arith.constant 0 : i32
    %dma_wait3A_789 = tpu.memref_slice %arg3[%dma_wait3A_787, %dma_wait3A_788] : memref<500000x100xf32, #tpu.memory_space<hbm>> -> memref<1x100xf32, #tpu.memory_space<hbm>>
    %dma_wait3A_790 = arith.constant 0 : i32
    %dma_wait3A_791 = arith.constant 0 : i32
    %dma_wait3A_792 = tpu.memref_slice %arg6[%dma_wait3A_790, %dma_wait3A_791] : memref<800x100xf32, #tpu.memory_space<vmem>> -> memref<1x100xf32, #tpu.memory_space<vmem>>
    %dma_wait3A_793 = arith.constant 0 : i32
    %dma_wait3A_794 = arith.constant 0 : i32
    %dma_wait3A_795 = tpu.memref_slice %arg3[%dma_wait3A_793, %dma_wait3A_794] : memref<500000x100xf32, #tpu.memory_space<hbm>> -> memref<1x100xf32, #tpu.memory_space<hbm>>
    tpu.wait_dma2 semaphore(%arg7 : memref<!tpu.dma_semaphore, #tpu.memory_space<semaphore_mem>>) src(%dma_wait3A_795 : memref<1x100xf32, #tpu.memory_space<hbm>>) dst(%dma_wait3A_792 : memref<1x100xf32, #tpu.memory_space<vmem>>)
    %dma_start3A_796 = arith.constant 0 : i32
    %dma_start3A_797 = tpu.memref_slice %arg4[%add3A_399, %dma_start3A_796] : memref<51200x100xf32, #tpu.memory_space<hbm>> -> memref<800x100xf32, #tpu.memory_space<hbm>>
    %dma_start3A_798 = arith.constant 0 : i32
    %dma_start3A_799 = tpu.memref_slice %arg4[%add3A_399, %dma_start3A_798] : memref<51200x100xf32, #tpu.memory_space<hbm>> -> memref<800x100xf32, #tpu.memory_space<hbm>>
    tpu.enqueue_dma source(%arg6 : memref<800x100xf32, #tpu.memory_space<vmem>>) target(%dma_start3A_799 : memref<800x100xf32, #tpu.memory_space<hbm>>) target_semaphore(%arg8 : memref<!tpu.dma_semaphore, #tpu.memory_space<semaphore_mem>>)
    %dma_wait3A_800 = arith.constant 0 : i32
    %dma_wait3A_801 = arith.constant 0 : i32
    %dma_wait3A_802 = tpu.memref_slice %arg4[%dma_wait3A_800, %dma_wait3A_801] : memref<51200x100xf32, #tpu.memory_space<hbm>> -> memref<800x100xf32, #tpu.memory_space<hbm>>
    %dma_wait3A_803 = arith.constant 0 : i32
    %dma_wait3A_804 = arith.constant 0 : i32
    %dma_wait3A_805 = tpu.memref_slice %arg4[%dma_wait3A_803, %dma_wait3A_804] : memref<51200x100xf32, #tpu.memory_space<hbm>> -> memref<800x100xf32, #tpu.memory_space<hbm>>
    tpu.wait_dma2 semaphore(%arg8 : memref<!tpu.dma_semaphore, #tpu.memory_space<semaphore_mem>>) src(%arg6 : memref<800x100xf32, #tpu.memory_space<vmem>>) dst(%dma_wait3A_805 : memref<800x100xf32, #tpu.memory_space<hbm>>)
    return
  }
}

module attributes {stable_mosaic.version = 14 : i64} {
  func.func @_pack_body(%arg0: i32, %arg1: memref<100x2048xf32, #tpu.memory_space<vmem>>, %arg2: memref<100x100xbf16, #tpu.memory_space<vmem>>, %arg3: memref<1024x100xf32, #tpu.memory_space<vmem>>) attributes {dimension_semantics = [#tpu.dimension_semantics<arbitrary>], iteration_bounds = array<i64: 489>, scalar_prefetch = 0 : i64, scratch_operands = 0 : i64, tpu.core_type = #tpu.core_type<tc>, window_params = [{transform_indices = @transform_0, window_bounds = array<i64: 100, 2048>}, {pipeline_mode = #tpu.pipeline_mode<synchronous>, transform_indices = @transform_1, window_bounds = array<i64: 100, 100>}, {transform_indices = @transform_2, window_bounds = array<i64: 1024, 100>}]} {
    %get3A = arith.constant 0 : index
    %get3A_0 = arith.constant 0 : index
    %get3A_1 = vector.load %arg1[%get3A, %get3A_0] : memref<100x2048xf32, #tpu.memory_space<vmem>>, vector<100x2048xf32>
    %convert_element_type3A = arith.truncf %get3A_1 : vector<100x2048xf32> to vector<100x2048xbf16>
    %get3A_2 = arith.constant 0 : index
    %get3A_3 = arith.constant 0 : index
    %get3A_4 = vector.load %arg2[%get3A_2, %get3A_3] : memref<100x100xbf16, #tpu.memory_space<vmem>>, vector<100x100xbf16>
    %dot_general3A = arith.constant dense<0.000000e+00> : vector<2048x100xf32>
    %dot_general3A_5 = tpu.matmul %convert_element_type3A, %get3A_4, %dot_general3A {dimension_numbers = #tpu.dot_dimension_numbers<[0], [0], [1], [1], [0, 1, 1, 1], [], []>, transpose_lhs_hint = false} : vector<100x2048xbf16>, vector<100x100xbf16>, vector<2048x100xf32> -> vector<2048x100xf32>
    %convert_element_type3A_6 = arith.truncf %dot_general3A_5 : vector<2048x100xf32> to vector<2048x100xbf16>
    %bitcast3A = tpu.bitcast %convert_element_type3A_6 : vector<2048x100xbf16> -> vector<1024x100xf32>
    %swap3A = arith.constant 0 : index
    %swap3A_7 = arith.constant 0 : index
    %swap3A_8 = vector.load %arg3[%swap3A, %swap3A_7] : memref<1024x100xf32, #tpu.memory_space<vmem>>, vector<1024x100xf32>
    tpu.vector_store %arg3[%swap3A, %swap3A_7], %bitcast3A {strides = array<i32>} : memref<1024x100xf32, #tpu.memory_space<vmem>>, vector<1024x100xf32>,
    return
  }
  func.func @transform_0(%arg0: i32) -> (i32, i32) {
    %c0_i32 = arith.constant 0 : i32
    %c0_i32_0 = arith.constant 0 : i32
    return %c0_i32, %arg0 : i32, i32
  }
  func.func @transform_1(%arg0: i32) -> (i32, i32) {
    %c0_i32 = arith.constant 0 : i32
    %c0_i32_0 = arith.constant 0 : i32
    %c0_i32_1 = arith.constant 0 : i32
    return %c0_i32, %c0_i32_0 : i32, i32
  }
  func.func @transform_2(%arg0: i32) -> (i32, i32) {
    %c0_i32 = arith.constant 0 : i32
    %c0_i32_0 = arith.constant 0 : i32
    return %arg0, %c0_i32 : i32, i32
  }
}

module attributes {stable_mosaic.version = 14 : i64} {
  func.func @_lstm_body(%arg0: i32, %arg1: memref<1x1024x100xf32, #tpu.memory_space<vmem>>, %arg2: memref<1x1024x1xi32, #tpu.memory_space<vmem>>, %arg3: memref<100x512xf32, #tpu.memory_space<vmem>>, %arg4: memref<128x512xf32, #tpu.memory_space<vmem>>, %arg5: memref<1x512xf32, #tpu.memory_space<vmem>>, %arg6: memref<128x100xf32, #tpu.memory_space<vmem>>, %arg7: memref<1x100xf32, #tpu.memory_space<vmem>>, %arg8: memref<100x100xf32, #tpu.memory_space<vmem>>, %arg9: memref<1x100xf32, #tpu.memory_space<vmem>>, %arg10: memref<100x2xf32, #tpu.memory_space<vmem>>, %arg11: memref<1x2xf32, #tpu.memory_space<vmem>>, %arg12: memref<1024x2xf32, #tpu.memory_space<vmem>>, %arg13: memref<1024x128xf32, #tpu.memory_space<vmem>>, %arg14: memref<1024x128xf32, #tpu.memory_space<vmem>>) attributes {dimension_semantics = [#tpu.dimension_semantics<arbitrary>], iteration_bounds = array<i64: 50>, scalar_prefetch = 0 : i64, scratch_operands = 2 : i64, tpu.core_type = #tpu.core_type<tc>, window_params = [{transform_indices = @transform_0, window_bounds = array<i64: 1, 1024, 100>}, {transform_indices = @transform_1, window_bounds = array<i64: 1, 1024, 1>}, {pipeline_mode = #tpu.pipeline_mode<synchronous>, transform_indices = @transform_2, window_bounds = array<i64: 100, 512>}, {pipeline_mode = #tpu.pipeline_mode<synchronous>, transform_indices = @transform_3, window_bounds = array<i64: 128, 512>}, {pipeline_mode = #tpu.pipeline_mode<synchronous>, transform_indices = @transform_4, window_bounds = array<i64: 1, 512>}, {pipeline_mode = #tpu.pipeline_mode<synchronous>, transform_indices = @transform_5, window_bounds = array<i64: 128, 100>}, {pipeline_mode = #tpu.pipeline_mode<synchronous>, transform_indices = @transform_6, window_bounds = array<i64: 1, 100>}, {pipeline_mode = #tpu.pipeline_mode<synchronous>, transform_indices = @transform_7, window_bounds = array<i64: 100, 100>}, {pipeline_mode = #tpu.pipeline_mode<synchronous>, transform_indices = @transform_8, window_bounds = array<i64: 1, 100>}, {pipeline_mode = #tpu.pipeline_mode<synchronous>, transform_indices = @transform_9, window_bounds = array<i64: 100, 2>}, {pipeline_mode = #tpu.pipeline_mode<synchronous>, transform_indices = @transform_10, window_bounds = array<i64: 1, 2>}, {pipeline_mode = #tpu.pipeline_mode<synchronous>, transform_indices = @transform_11, window_bounds = array<i64: 1024, 2>}]} {
    %eq3A = arith.constant 0 : i32
    %eq3A_0 = arith.cmpi eq, %arg0, %eq3A : i32
    %convert_element_type3A = arith.extui %eq3A_0 : i1 to i32
    %cond3A = arith.constant 0 : i32
    %cond3A_1 = arith.cmpi ne, %convert_element_type3A, %cond3A : i32
    scf.if %cond3A_1 {
      %broadcast_in_dim3A_75 = arith.constant 0.000000e+00 : f32
      %broadcast_in_dim3A_76 = vector.broadcast %broadcast_in_dim3A_75 : f32 to vector<1024x128xf32>
      %swap3A_77 = arith.constant 0 : index
      %swap3A_78 = arith.constant 0 : index
      %swap3A_79 = vector.load %arg13[%swap3A_77, %swap3A_78] : memref<1024x128xf32, #tpu.memory_space<vmem>>, vector<1024x128xf32>
      tpu.vector_store %arg13[%swap3A_77, %swap3A_78], %broadcast_in_dim3A_76 {strides = array<i32>} : memref<1024x128xf32, #tpu.memory_space<vmem>>, vector<1024x128xf32>,
      %broadcast_in_dim3A_80 = arith.constant 0.000000e+00 : f32
      %broadcast_in_dim3A_81 = vector.broadcast %broadcast_in_dim3A_80 : f32 to vector<1024x128xf32>
      %swap3A_82 = arith.constant 0 : index
      %swap3A_83 = arith.constant 0 : index
      %swap3A_84 = vector.load %arg14[%swap3A_82, %swap3A_83] : memref<1024x128xf32, #tpu.memory_space<vmem>>, vector<1024x128xf32>
      tpu.vector_store %arg14[%swap3A_82, %swap3A_83], %broadcast_in_dim3A_81 {strides = array<i32>} : memref<1024x128xf32, #tpu.memory_space<vmem>>, vector<1024x128xf32>,
    } else {
    }
    %get3A = arith.constant 0 : index
    %get3A_2 = arith.constant 0 : index
    %get3A_3 = arith.constant 0 : index
    %get3A_4 = vector.load %arg1[%get3A, %get3A_2, %get3A_3] : memref<1x1024x100xf32, #tpu.memory_space<vmem>>, vector<1x1024x100xf32>
    %get3A_5 = vector.shape_cast %get3A_4 : vector<1x1024x100xf32> to vector<1024x100xf32>
    %bitcast_convert_type3A = tpu.bitcast %get3A_5 : vector<1024x100xf32> -> vector<1024x100xi32>
    %get3A_6 = arith.constant 0 : index
    %get3A_7 = arith.constant 0 : index
    %get3A_8 = arith.constant 0 : index
    %get3A_9 = vector.load %arg2[%get3A_6, %get3A_7, %get3A_8] : memref<1x1024x1xi32, #tpu.memory_space<vmem>>, vector<1x1024x1xi32>
    %get3A_10 = vector.shape_cast %get3A_9 : vector<1x1024x1xi32> to vector<1024x1xi32>
    %shift_left3A = arith.constant 16 : i32
    %shift_left3A_11 = vector.broadcast %shift_left3A : i32 to vector<1024x100xi32>
    %shift_left3A_12 = arith.shli %bitcast_convert_type3A, %shift_left3A_11 : vector<1024x100xi32>
    %bitcast_convert_type3A_13 = tpu.bitcast %shift_left3A_12 : vector<1024x100xi32> -> vector<1024x100xf32>
    %and3A = arith.constant -65536 : i32
    %and3A_14 = vector.broadcast %and3A : i32 to vector<1024x100xi32>
    %and3A_15 = arith.andi %bitcast_convert_type3A, %and3A_14 : vector<1024x100xi32>
    %bitcast_convert_type3A_16 = tpu.bitcast %and3A_15 : vector<1024x100xi32> -> vector<1024x100xf32>
    %eq3A_17 = arith.constant 0 : i32
    %eq3A_18 = vector.broadcast %eq3A_17 : i32 to vector<1024x1xi32>
    %eq3A_19 = arith.cmpi eq, %get3A_10, %eq3A_18 : vector<1024x1xi32>
    %broadcast_in_dim3A = vector.shape_cast %eq3A_19 : vector<1024x1xi1> to vector<1024x1xi1>
    %broadcast_in_dim3A_20 = vector.broadcast %broadcast_in_dim3A : vector<1024x1xi1> to vector<1024x100xi1>
    %select_n3A = arith.select %broadcast_in_dim3A_20, %bitcast_convert_type3A_13, %bitcast_convert_type3A_16 : vector<1024x100xi1>, vector<1024x100xf32>
    %get3A_21 = arith.constant 0 : index
    %get3A_22 = arith.constant 0 : index
    %get3A_23 = vector.load %arg13[%get3A_21, %get3A_22] : memref<1024x128xf32, #tpu.memory_space<vmem>>, vector<1024x128xf32>
    %get3A_24 = arith.constant 0 : index
    %get3A_25 = arith.constant 0 : index
    %get3A_26 = vector.load %arg3[%get3A_24, %get3A_25] : memref<100x512xf32, #tpu.memory_space<vmem>>, vector<100x512xf32>
    %dot_general3A = arith.constant dense<0.000000e+00> : vector<1024x512xf32>
    %dot_general3A_27 = tpu.matmul %select_n3A, %get3A_26, %dot_general3A {dimension_numbers = #tpu.dot_dimension_numbers<[1], [0], [0], [1], [0, 0, 1, 1], [], []>, transpose_lhs_hint = false} : vector<1024x100xf32>, vector<100x512xf32>, vector<1024x512xf32> -> vector<1024x512xf32>
    %get3A_28 = arith.constant 0 : index
    %get3A_29 = arith.constant 0 : index
    %get3A_30 = vector.load %arg4[%get3A_28, %get3A_29] : memref<128x512xf32, #tpu.memory_space<vmem>>, vector<128x512xf32>
    %dot_general3A_31 = arith.constant dense<0.000000e+00> : vector<1024x512xf32>
    %dot_general3A_32 = tpu.matmul %get3A_23, %get3A_30, %dot_general3A_31 {dimension_numbers = #tpu.dot_dimension_numbers<[1], [0], [0], [1], [0, 0, 1, 1], [], []>, transpose_lhs_hint = false} : vector<1024x128xf32>, vector<128x512xf32>, vector<1024x512xf32> -> vector<1024x512xf32>
    %add3A = arith.addf %dot_general3A_27, %dot_general3A_32 : vector<1024x512xf32>
    %get3A_33 = arith.constant 0 : index
    %get3A_34 = arith.constant 0 : index
    %get3A_35 = vector.load %arg5[%get3A_33, %get3A_34] : memref<1x512xf32, #tpu.memory_space<vmem>>, vector<1x512xf32>
    %add3A_36 = vector.broadcast %get3A_35 : vector<1x512xf32> to vector<1024x512xf32>
    %add3A_37 = arith.addf %add3A, %add3A_36 : vector<1024x512xf32>
    %slice3A = vector.extract_strided_slice %add3A_37 {offsets = [0, 0], sizes = [1024, 128], strides = [1, 1]} : vector<1024x512xf32> to vector<1024x128xf32>
    %logistic3A = arith.negf %slice3A : vector<1024x128xf32>
    %logistic3A_38 = math.exp %logistic3A : vector<1024x128xf32>
    %logistic3A_39 = arith.constant 1.000000e+00 : f32
    %logistic3A_40 = vector.broadcast %logistic3A_39 : f32 to vector<1024x128xf32>
    %logistic3A_41 = arith.addf %logistic3A_40, %logistic3A_38 : vector<1024x128xf32>
    %logistic3A_42 = arith.divf %logistic3A_40, %logistic3A_41 : vector<1024x128xf32>
    %slice3A_43 = vector.extract_strided_slice %add3A_37 {offsets = [0, 128], sizes = [1024, 128], strides = [1, 1]} : vector<1024x512xf32> to vector<1024x128xf32>
    %logistic3A_44 = arith.negf %slice3A_43 : vector<1024x128xf32>
    %logistic3A_45 = math.exp %logistic3A_44 : vector<1024x128xf32>
    %logistic3A_46 = arith.constant 1.000000e+00 : f32
    %logistic3A_47 = vector.broadcast %logistic3A_46 : f32 to vector<1024x128xf32>
    %logistic3A_48 = arith.addf %logistic3A_47, %logistic3A_45 : vector<1024x128xf32>
    %logistic3A_49 = arith.divf %logistic3A_47, %logistic3A_48 : vector<1024x128xf32>
    %slice3A_50 = vector.extract_strided_slice %add3A_37 {offsets = [0, 256], sizes = [1024, 128], strides = [1, 1]} : vector<1024x512xf32> to vector<1024x128xf32>
    %tanh3A = math.tanh %slice3A_50 : vector<1024x128xf32>
    %slice3A_51 = vector.extract_strided_slice %add3A_37 {offsets = [0, 384], sizes = [1024, 128], strides = [1, 1]} : vector<1024x512xf32> to vector<1024x128xf32>
    %logistic3A_52 = arith.negf %slice3A_51 : vector<1024x128xf32>
    %logistic3A_53 = math.exp %logistic3A_52 : vector<1024x128xf32>
    %logistic3A_54 = arith.constant 1.000000e+00 : f32
    %logistic3A_55 = vector.broadcast %logistic3A_54 : f32 to vector<1024x128xf32>
    %logistic3A_56 = arith.addf %logistic3A_55, %logistic3A_53 : vector<1024x128xf32>
    %logistic3A_57 = arith.divf %logistic3A_55, %logistic3A_56 : vector<1024x128xf32>
    %get3A_58 = arith.constant 0 : index
    %get3A_59 = arith.constant 0 : index
    %get3A_60 = vector.load %arg14[%get3A_58, %get3A_59] : memref<1024x128xf32, #tpu.memory_space<vmem>>, vector<1024x128xf32>
    %mul3A = arith.mulf %logistic3A_49, %get3A_60 : vector<1024x128xf32>
    %mul3A_61 = arith.mulf %logistic3A_42, %tanh3A : vector<1024x128xf32>
    %add3A_62 = arith.addf %mul3A, %mul3A_61 : vector<1024x128xf32>
    %tanh3A_63 = math.tanh %add3A_62 : vector<1024x128xf32>
    %mul3A_64 = arith.mulf %logistic3A_57, %tanh3A_63 : vector<1024x128xf32>
    %swap3A = arith.constant 0 : index
    %swap3A_65 = arith.constant 0 : index
    %swap3A_66 = vector.load %arg14[%swap3A, %swap3A_65] : memref<1024x128xf32, #tpu.memory_space<vmem>>, vector<1024x128xf32>
    tpu.vector_store %arg14[%swap3A, %swap3A_65], %add3A_62 {strides = array<i32>} : memref<1024x128xf32, #tpu.memory_space<vmem>>, vector<1024x128xf32>,
    %swap3A_67 = arith.constant 0 : index
    %swap3A_68 = arith.constant 0 : index
    %swap3A_69 = vector.load %arg13[%swap3A_67, %swap3A_68] : memref<1024x128xf32, #tpu.memory_space<vmem>>, vector<1024x128xf32>
    tpu.vector_store %arg13[%swap3A_67, %swap3A_68], %mul3A_64 {strides = array<i32>} : memref<1024x128xf32, #tpu.memory_space<vmem>>, vector<1024x128xf32>,
    %eq3A_70 = arith.constant 49 : i32
    %eq3A_71 = arith.cmpi eq, %arg0, %eq3A_70 : i32
    %convert_element_type3A_72 = arith.extui %eq3A_71 : i1 to i32
    %cond3A_73 = arith.constant 0 : i32
    %cond3A_74 = arith.cmpi ne, %convert_element_type3A_72, %cond3A_73 : i32
    scf.if %cond3A_74 {
      %get3A_75 = arith.constant 0 : index
      %get3A_76 = arith.constant 0 : index
      %get3A_77 = vector.load %arg6[%get3A_75, %get3A_76] : memref<128x100xf32, #tpu.memory_space<vmem>>, vector<128x100xf32>
      %dot_general3A_78 = arith.constant dense<0.000000e+00> : vector<1024x100xf32>
      %dot_general3A_79 = tpu.matmul %mul3A_64, %get3A_77, %dot_general3A_78 {dimension_numbers = #tpu.dot_dimension_numbers<[1], [0], [0], [1], [0, 0, 1, 1], [], []>, transpose_lhs_hint = false} : vector<1024x128xf32>, vector<128x100xf32>, vector<1024x100xf32> -> vector<1024x100xf32>
      %get3A_80 = arith.constant 0 : index
      %get3A_81 = arith.constant 0 : index
      %get3A_82 = vector.load %arg7[%get3A_80, %get3A_81] : memref<1x100xf32, #tpu.memory_space<vmem>>, vector<1x100xf32>
      %add3A_83 = vector.broadcast %get3A_82 : vector<1x100xf32> to vector<1024x100xf32>
      %add3A_84 = arith.addf %dot_general3A_79, %add3A_83 : vector<1024x100xf32>
      %max3A = arith.constant 0.000000e+00 : f32
      %max3A_85 = vector.broadcast %max3A : f32 to vector<1024x100xf32>
      %max3A_86 = arith.maximumf %add3A_84, %max3A_85 : vector<1024x100xf32>
      %get3A_87 = arith.constant 0 : index
      %get3A_88 = arith.constant 0 : index
      %get3A_89 = vector.load %arg8[%get3A_87, %get3A_88] : memref<100x100xf32, #tpu.memory_space<vmem>>, vector<100x100xf32>
      %dot_general3A_90 = arith.constant dense<0.000000e+00> : vector<1024x100xf32>
      %dot_general3A_91 = tpu.matmul %max3A_86, %get3A_89, %dot_general3A_90 {dimension_numbers = #tpu.dot_dimension_numbers<[1], [0], [0], [1], [0, 0, 1, 1], [], []>, transpose_lhs_hint = false} : vector<1024x100xf32>, vector<100x100xf32>, vector<1024x100xf32> -> vector<1024x100xf32>
      %get3A_92 = arith.constant 0 : index
      %get3A_93 = arith.constant 0 : index
      %get3A_94 = vector.load %arg9[%get3A_92, %get3A_93] : memref<1x100xf32, #tpu.memory_space<vmem>>, vector<1x100xf32>
      %add3A_95 = vector.broadcast %get3A_94 : vector<1x100xf32> to vector<1024x100xf32>
      %add3A_96 = arith.addf %dot_general3A_91, %add3A_95 : vector<1024x100xf32>
      %max3A_97 = arith.constant 0.000000e+00 : f32
      %max3A_98 = vector.broadcast %max3A_97 : f32 to vector<1024x100xf32>
      %max3A_99 = arith.maximumf %add3A_96, %max3A_98 : vector<1024x100xf32>
      %get3A_100 = arith.constant 0 : index
      %get3A_101 = arith.constant 0 : index
      %get3A_102 = vector.load %arg10[%get3A_100, %get3A_101] : memref<100x2xf32, #tpu.memory_space<vmem>>, vector<100x2xf32>
      %dot_general3A_103 = arith.constant dense<0.000000e+00> : vector<1024x2xf32>
      %dot_general3A_104 = tpu.matmul %max3A_99, %get3A_102, %dot_general3A_103 {dimension_numbers = #tpu.dot_dimension_numbers<[1], [0], [0], [1], [0, 0, 1, 1], [], []>, transpose_lhs_hint = false} : vector<1024x100xf32>, vector<100x2xf32>, vector<1024x2xf32> -> vector<1024x2xf32>
      %get3A_105 = arith.constant 0 : index
      %get3A_106 = arith.constant 0 : index
      %get3A_107 = vector.load %arg11[%get3A_105, %get3A_106] : memref<1x2xf32, #tpu.memory_space<vmem>>, vector<1x2xf32>
      %add3A_108 = vector.broadcast %get3A_107 : vector<1x2xf32> to vector<1024x2xf32>
      %add3A_109 = arith.addf %dot_general3A_104, %add3A_108 : vector<1024x2xf32>
      %reduce_max3A = arith.constant dense<0xFF800000> : vector<1024xf32>
      %reduce_max3A_110 = vector.multi_reduction <maximumf>, %add3A_109, %reduce_max3A [1] : vector<1024x2xf32> to vector<1024xf32>
      %broadcast_in_dim3A_111 = vector.shape_cast %reduce_max3A_110 : vector<1024xf32> to vector<1024x1xf32>
      %sub3A = vector.broadcast %broadcast_in_dim3A_111 : vector<1024x1xf32> to vector<1024x2xf32>
      %sub3A_112 = arith.subf %add3A_109, %sub3A : vector<1024x2xf32>
      %exp3A = math.exp %sub3A_112 : vector<1024x2xf32>
      %reduce_sum3A = arith.constant dense<0.000000e+00> : vector<1024xf32>
      %reduce_sum3A_113 = vector.multi_reduction <add>, %exp3A, %reduce_sum3A [1] : vector<1024x2xf32> to vector<1024xf32>
      %broadcast_in_dim3A_114 = vector.shape_cast %reduce_sum3A_113 : vector<1024xf32> to vector<1024x1xf32>
      %div3A = vector.broadcast %broadcast_in_dim3A_114 : vector<1024x1xf32> to vector<1024x2xf32>
      %div3A_115 = arith.divf %exp3A, %div3A : vector<1024x2xf32>
      %swap3A_116 = arith.constant 0 : index
      %swap3A_117 = arith.constant 0 : index
      %swap3A_118 = vector.load %arg12[%swap3A_116, %swap3A_117] : memref<1024x2xf32, #tpu.memory_space<vmem>>, vector<1024x2xf32>
      tpu.vector_store %arg12[%swap3A_116, %swap3A_117], %div3A_115 {strides = array<i32>} : memref<1024x2xf32, #tpu.memory_space<vmem>>, vector<1024x2xf32>,
    } else {
    }
    return
  }
  func.func @transform_0(%arg0: i32) -> (i32, i32, i32) {
    %c0_i32 = arith.constant 0 : i32
    %c0_i32_0 = arith.constant 0 : i32
    %c0_i32_1 = arith.constant 0 : i32
    return %arg0, %c0_i32, %c0_i32_0 : i32, i32, i32
  }
  func.func @transform_1(%arg0: i32) -> (i32, i32, i32) {
    %c0_i32 = arith.constant 0 : i32
    %c0_i32_0 = arith.constant 0 : i32
    %c0_i32_1 = arith.constant 0 : i32
    return %arg0, %c0_i32, %c0_i32_0 : i32, i32, i32
  }
  func.func @transform_2(%arg0: i32) -> (i32, i32) {
    %c0_i32 = arith.constant 0 : i32
    %c0_i32_0 = arith.constant 0 : i32
    %c0_i32_1 = arith.constant 0 : i32
    return %c0_i32, %c0_i32_0 : i32, i32
  }
  func.func @transform_3(%arg0: i32) -> (i32, i32) {
    %c0_i32 = arith.constant 0 : i32
    %c0_i32_0 = arith.constant 0 : i32
    %c0_i32_1 = arith.constant 0 : i32
    return %c0_i32, %c0_i32_0 : i32, i32
  }
  func.func @transform_4(%arg0: i32) -> (i32, i32) {
    %c0_i32 = arith.constant 0 : i32
    %c0_i32_0 = arith.constant 0 : i32
    %c0_i32_1 = arith.constant 0 : i32
    return %c0_i32, %c0_i32_0 : i32, i32
  }
  func.func @transform_5(%arg0: i32) -> (i32, i32) {
    %c0_i32 = arith.constant 0 : i32
    %c0_i32_0 = arith.constant 0 : i32
    %c0_i32_1 = arith.constant 0 : i32
    return %c0_i32, %c0_i32_0 : i32, i32
  }
  func.func @transform_6(%arg0: i32) -> (i32, i32) {
    %c0_i32 = arith.constant 0 : i32
    %c0_i32_0 = arith.constant 0 : i32
    %c0_i32_1 = arith.constant 0 : i32
    return %c0_i32, %c0_i32_0 : i32, i32
  }
  func.func @transform_7(%arg0: i32) -> (i32, i32) {
    %c0_i32 = arith.constant 0 : i32
    %c0_i32_0 = arith.constant 0 : i32
    %c0_i32_1 = arith.constant 0 : i32
    return %c0_i32, %c0_i32_0 : i32, i32
  }
  func.func @transform_8(%arg0: i32) -> (i32, i32) {
    %c0_i32 = arith.constant 0 : i32
    %c0_i32_0 = arith.constant 0 : i32
    %c0_i32_1 = arith.constant 0 : i32
    return %c0_i32, %c0_i32_0 : i32, i32
  }
  func.func @transform_9(%arg0: i32) -> (i32, i32) {
    %c0_i32 = arith.constant 0 : i32
    %c0_i32_0 = arith.constant 0 : i32
    %c0_i32_1 = arith.constant 0 : i32
    return %c0_i32, %c0_i32_0 : i32, i32
  }
  func.func @transform_10(%arg0: i32) -> (i32, i32) {
    %c0_i32 = arith.constant 0 : i32
    %c0_i32_0 = arith.constant 0 : i32
    %c0_i32_1 = arith.constant 0 : i32
    return %c0_i32, %c0_i32_0 : i32, i32
  }
  func.func @transform_11(%arg0: i32) -> (i32, i32) {
    %c0_i32 = arith.constant 0 : i32
    %c0_i32_0 = arith.constant 0 : i32
    %c0_i32_1 = arith.constant 0 : i32
    return %c0_i32, %c0_i32_0 : i32, i32
  }
}

</mosaic_0001>

<sc_bundles>
// kernel: kernel.5.cloned.1.call-start
scs
__scs_entry_jumppad:
0x0: {  	(pc) =	sbr.rel $0x88, $3  }
0x1: {  	(tag) =	ssettag $0x0;
	lr =	simm.s32 $0x1  }
0x2: {  	[smem:$0x3F96] =	sst lr;
	_ =	strace $0xD0000000  }
0x3: {  	_ = 	snop  }
0x4: {  	_ = 	snop  }
0x5: {  	_ = 	snop  }
0x6: {  	_ = 	snop  }
0x7: {  	_ = 	snop  }
__scs_overlays_trampoline_lowered:
0x8: {  	[smem:$0x3FA5] =	sst s0  }
0x9: {  	[smem:$0x3FA6] =	sst s1  }
0xa: {  	[smem:$0x3FA7] =	sst s2  }
0xb: {  	[smem:$0x3FA8] =	sst s3  }
0xc: {  	[smem:$0x3FA9] =	sst s4  }
0xd: {  	[smem:$0x3FAA] =	sst s5  }
0xe: {  	[smem:$0x3FAB] =	sst s6  }
0xf: {  	[smem:$0x3FAC] =	sst s7  }
0x10: {  	[smem:$0x3FAD] =	sst s8  }
0x11: {  	[smem:$0x3FAE] =	sst s9;
	s0 =	simm.s32 @!p0 $0x0  }
0x12: {  	s1 =	sld [smem:$0x3F94];
	s0 =	simm.s32 @p0 $0x1  }
0x13: {  	[smem:$0x3FAF] =	sst s0;
	s0 =	simm.s32 @!p1 $0x0  }
0x14: {  	s2 =	sld [smem:$0x3F93];
	s0 =	simm.s32 @p1 $0x1  }
0x15: {  	[smem:$0x3FB0] =	sst s0;
	s0 =	simm.s32 @!p2 $0x0  }
0x16: {  	s3 =	sld [smem:$0x3FDB];
	s0 =	simm.s32 @p2 $0x1  }
0x17: {  	s4 =	simm.s32 $0x1BF5;
	[smem:$0x3FB2] =	sst s0  }
0x18: {  	s0 =	sld [smem:$0x3F95];
	_ =	swait.ge [sflag:s4], $0x0  }
0x19: {  	s7 =	sld [smem:$0x3F96]  }
0x1a: {  	s8 =	sadd.s32 $0xFFFFE003, lr  }
0x1b: {  	s9 =	sadd.s32 $0xFFFFFEF7, lr;
	s5 =	simm.s32 $0xFFFFFFFF;
	p2 =	slt.u32 s8, $0xFFFFF086  }
0x1c: {  	p1 =	slt.u32 s9, $0xF7A;
	s5 =	simm.s32 @!p2 $0x0  }
0x1d: {  	s5 =	simm.s32 @p1 $0x1;
	p0 =	seq.s32 s7, s2  }
0x1e: {  	s7 =	smul.u32 @!p0 $0xF7A, s2;
	p2 =	seq.s32 @!p0 s5, $0x0  }
0x1f: {  	s9 =	smul.u32 $0xF7A, s1;
	s8 =	simm.s32 @!p0 $0x1BF5;
	p2 =	por !p2, p0  }
0x20: {  	[sflag:s8] =	ssyncset.s32 @!p0 $0xFFFFF086;
	s6 =	sadd.s32 @!p0 s3, s7;
	s7 =	simm.s32 @!p0 $0x108  }
0x21: {  	s3 =	sadd.s32 s3, s9;
	s6 =	sadd.s32 @!p0 $0x88, s6;
	s7 =	simm.s32 @p2 $0x1082  }
0x22: {  	[simem:s7], [sflag:s8] =	dma.local @!p0 [hbm:s6], $0xF7A  }
0x23: {  	s9 =	sor.u32 $0xD0000000, s2;
	s6 =	simm.s32 $0x108;
	_ =	swait.ge @!p0 [sflag:s8], $0x0  }
0x24: {  	s3 =	sadd.s32 $0x88, s3;
	s6 =	simm.s32 @!p1 $0x1082;
	[sflag:s4] =	ssyncset.s32 $0xFFFFF086  }
0x25: {  	[simem:s6], [sflag:s4] =	dma.local [hbm:s3], $0xF7A  }
0x26: {  	[smem:$0x3F96] =	sst s1;
	(tag) =	ssettag s2;
	_ =	strace s9  }
0x27: {  	s1 =	sld [smem:$0x3FA6]  }
0x28: {  	s2 =	sld [smem:$0x3FA7]  }
0x29: {  	s4 =	sld [smem:$0x3FA9]  }
0x2a: {  	p0 =	seq.s32 s5, $0x0;
	s5 =	sld [smem:$0x3FAA]  }
0x2b: {  	s6 =	sld [smem:$0x3FAB]  }
0x2c: {  	s7 =	sld [smem:$0x3FAC]  }
0x2d: {  	s3 =	simm.s32 $0x108;
	s8 =	sld [smem:$0x3FAD]  }
0x2e: {  	s3 =	simm.s32 @!p0 $0x1082;
	s9 =	sld [smem:$0x3FAE]  }
0x2f: {  	lr =	sadd.s32 s0, s3;
	s0 =	sld [smem:$0x3FA5]  }
0x30: {  	s3 =	sld [smem:$0x3FA8]  }
0x31: {  	[smem:$0x3FB1] =	sst s10  }
0x32: {  	s10 =	sld [smem:$0x3FAF];
	_ =	sdelay $0x3  }
0x33: {  	p0 =	seq.s32 s10, $0x1;
	s10 =	sld [smem:$0x3FB1];
	_ =	sdelay $0x3  }
0x34: {  	[smem:$0x3FB1] =	sst s10  }
0x35: {  	s10 =	sld [smem:$0x3FB0];
	_ =	sdelay $0x3  }
0x36: {  	p1 =	seq.s32 s10, $0x1;
	s10 =	sld [smem:$0x3FB1];
	_ =	sdelay $0x3  }
0x37: {  	[smem:$0x3FB1] =	sst s10  }
0x38: {  	s10 =	sld [smem:$0x3FB2]  }
0x39: {  	_ = 	snop;
	(pc) =	sbr.ind lr, $3  }
0x3a: {  	_ = 	snop  }
0x3b: {  	_ = 	snop  }
0x3c: {  	p2 =	seq.s32 s10, $0x1;
	s10 =	sld [smem:$0x3FB1]  }
0x3d: {  	_ =	shalt  }
0x3e: {  	_ =	shalt  }
0x3f: {  	_ =	shalt  }
0x40: {  	_ =	shalt  }
0x41: {  	_ =	shalt  }
0x42: {  	_ =	shalt  }
0x43: {  	_ =	shalt  }
0x44: {  	_ =	shalt  }
0x45: {  	_ =	shalt  }
0x46: {  	_ =	shalt  }
0x47: {  	_ =	shalt  }
0x48: {  	_ =	shalt  }
0x49: {  	_ =	shalt  }
0x4a: {  	_ =	shalt  }
0x4b: {  	_ =	shalt  }
0x4c: {  	_ =	shalt  }
0x4d: {  	_ =	shalt  }
0x4e: {  	_ =	shalt  }
0x4f: {  	_ =	shalt  }
0x50: {  	_ =	shalt  }
0x51: {  	_ =	shalt  }
0x52: {  	_ =	shalt  }
0x53: {  	_ =	shalt  }
0x54: {  	_ =	shalt  }
0x55: {  	_ =	shalt  }
0x56: {  	_ =	shalt  }
0x57: {  	_ =	shalt  }
0x58: {  	_ =	shalt  }
0x59: {  	_ =	shalt  }
0x5a: {  	_ =	shalt  }
0x5b: {  	_ =	shalt  }
0x5c: {  	_ =	shalt  }
0x5d: {  	_ =	shalt  }
0x5e: {  	_ =	shalt  }
0x5f: {  	_ =	shalt  }
0x60: {  	_ =	shalt  }
0x61: {  	_ =	shalt  }
0x62: {  	_ =	shalt  }
0x63: {  	_ =	shalt  }
0x64: {  	_ =	shalt  }
0x65: {  	_ =	shalt  }
0x66: {  	_ =	shalt  }
0x67: {  	_ =	shalt  }
0x68: {  	_ =	shalt  }
0x69: {  	_ =	shalt  }
0x6a: {  	_ =	shalt  }
0x6b: {  	_ =	shalt  }
0x6c: {  	_ =	shalt  }
0x6d: {  	_ =	shalt  }
0x6e: {  	_ =	shalt  }
0x6f: {  	_ =	shalt  }
0x70: {  	_ =	shalt  }
0x71: {  	_ =	shalt  }
0x72: {  	_ =	shalt  }
0x73: {  	_ =	shalt  }
0x74: {  	_ =	shalt  }
0x75: {  	_ =	shalt  }
0x76: {  	_ =	shalt  }
0x77: {  	_ =	shalt  }
0x78: {  	_ =	shalt  }
0x79: {  	_ =	shalt  }
0x7a: {  	_ =	shalt  }
0x7b: {  	_ =	shalt  }
0x7c: {  	_ =	shalt  }
0x7d: {  	_ =	shalt  }
0x7e: {  	_ =	shalt  }
0x7f: {  	_ =	shalt  }
0x80: {  	_ =	shalt  }
0x81: {  	_ =	shalt  }
0x82: {  	_ =	shalt  }
0x83: {  	_ =	shalt  }
0x84: {  	_ =	shalt  }
0x85: {  	_ =	shalt  }
0x86: {  	_ =	shalt  }
0x87: {  	_ =	shalt  }
.Lfunc_end0:
.L_simem_size_0:
called_computation_lowered:
.L_overlay_start_0:
0x88: {  	s2 =	sld [smem:$0x3FD9]  }
0x89: {  	s3 =	sld [smem:$0x3FFE];
	_ =	sdelay $0x1  }
0x8a: {  	s1 =	srdreg.scid  }
0x8b: {  	s0 =	sand.u32 $0x1, s1  }
0x8c: {  	s16 =	sshll.u32 s0, $0xA;
	s2 =	sadd.s32 s3, s2  }
0x8d: {  	s2 =	sadd.s32 s2, s16  }
0x8e: {  	[smem:$0x3FBD] =	sst s2  }
0x8f: {  	_ = 	snop  }
0x90: {  	(tm) =	ssettm $0x1  }
0x91: {  	s17 =	sld [smem:$0x3FFB];
	_ =	sdelay $0x3  }
0x92: {  	_ =	strace s17  }
0x93: {  	s2 =	sld [smem:$0x3FFC];
	_ =	sdelay $0x3  }
0x94: {  	_ =	strace s2  }
0x95: {  	s2 =	sld [smem:$0x3FFD];
	_ =	sdelay $0x3  }
0x96: {  	_ =	strace s2  }
0x97: {  	_ =	strace $0x8FFFFFFF  }
0x98: {  	s18 =	sld [smem:$0x3FDB];
	_ =	sdelay $0x1  }
0x99: {  	s19 =	simm.s32 $_scs_section_size  }
0x9a: {  	s4 =	simm.s32 $_size__tile_overlayer_lowered;
	s5 =	simm.s32 $_tile_overlayer_lowered  }
0x9b: {  	s22 =	simm.s32 $0x1BFF;
	s21 =	sshll.u32 s5, $0x1;
	s2 =	sadd.s32 s19, s18  }
0x9c: {  	s6 =	simm.s32 $0x0;
	s20 =	sshll.u32 s4, $0x1;
	s4 =	sadd.s32 s21, s2  }
0x9d: {  	[timem:s6], [sflag:s22] =	dma.local [hbm:s4], s20  }
0x9e: {  	_ =	swait.ge [sflag:s22], s20  }
0x9f: {  	s3 =	ssub.s32 $0x0, s20;
	[sflag:s22] =	ssyncset.done $0x0  }
0xa0: {  	[sflag:s22] =	ssyncadd.s32 s3;
	_ =	sdelay $0x1  }
0xa1: {  	s23 =	simm.s32 $0x1B8B  }
0xa2: {  	_ =	swait.ge [sflag:s23], $0x1  }
0xa3: {  	[sflag:s23] =	ssyncset.done $0x0  }
0xa4: {  	s25 =	simm.s32 $0x1B8E;
	s24 =	sld [smem:$0x3FFE];
	[sflag:s23] =	ssyncadd.s32 $0xFFFFFFFF  }
0xa5: {  	s26 =	simm.s32 $execute0_lowered;
	[smem:$0x3FD2] =	sst s25  }
0xa6: {  	s4 =	sshll.u32 s26, $0x1;
	_ =	strace $0x80000046;
	[dreg:$0x1] =	wrdreg $0xFFFFFFFF  }
0xa7: {  	s28 =	simm.s32 $_size_execute0_lowered;
	s2 =	sadd.s32 s2, s4;
	[dreg:$0x0] =	wrdreg $0x0  }
0xa8: {  	s4 =	sshll.u32 s28, $0x1;
	[dreg:$0x2] =	wrdreg s2  }
0xa9: {  	[dreg:$0x3] =	wrdreg s4  }
0xaa: {  	[dreg:$0x4] =	wrdreg $0xC0  }
0xab: {  	_ =	task [dreg:s6], $0x5FFFF  }
0xac: {  	[dreg:$0x1] =	wrdreg $0xFFFFFFFF  }
0xad: {  	[dreg:$0x0] =	wrdreg $0x60  }
0xae: {  	[dreg:$0x2] =	wrdreg s24  }
0xaf: {  	[dreg:$0x3] =	wrdreg $0x9  }
0xb0: {  	_ =	task.clear_ibuf [dreg:s6], $0x4FFFF;
	_ =	strace $0x90000046  }
0xb1: {  	s29 =	simm.s32 $0x9;
	_ =	strace $0x80000048  }
0xb2: {  	_ =	swait.ge [sflag:s29], $0x1  }
0xb3: {  	[sflag:s29] =	ssyncadd.s32 $0xFFFFFFFF  }
0xb4: {  	_ =	strace $0x90000048  }
0xb5: {  	_ =	sfence  }
0xb6: {  	s30 =	sld [smem:$0x0];
	_ =	sdelay $0x2  }
0xb7: {  	s31 =	sshll.u32 s1, $0xD;
	s1 =	sshrl.u32 s1, $0x2  }
0xb8: {  	s3 =	sand.u32 $0x4000, s31;
	s1 =	sadd.s32 s1, s30  }
0xb9: {  	s0 =	sor.u32 s3, s0;
	s1 =	sshll.u32 s1, $0x11  }
0xba: {  	s0 =	sor.u32 s1, s0  }
0xbb: {  	s0 =	sadd.s32 $0x8F2B, s0  }
0xbc: {  	[sflag:s0] =	ssyncadd.remote.s32 $0x1  }
0xbd: {  	_ =	sfence.sel $0xFFFF  }
0xbe: {  	[dreg:$0x0] =	wrdreg $0xFFFFFFFF;
	(pc) =	sbr.abs _section_cstart, $3  }
0xbf: {  	[dreg:$0x1] =	wrdreg $0xFFFFFFFF  }
0xc0: {  	_ =	task.clear_ibuf [dreg:s6], $0x2FFFF;
	_ =	strace $0x9FFFFFFF  }
0xc1: {  	(tm) =	ssettm $0x7FFFFFFF  }
tec
execute0_lowered:
.L_overlay_start_1:
0x0: {  	(tag) =	ssettag $0x1  }
0x1: {  	s4 =	rddreg [dreg:$0x0];
	s2 =	simm.s32 $0x0  }
0x2: {  	s3 =	srdreg.scid;
	s0 =	stileid.u32;
	s12 =	simm.s32 $0x2  }
0x3: {  	s13 =	simm.s32 $0x0;
	s3 =	sand.u32 $0x1, s3;
	s5 =	sshll.u32 s0, $0x1  }
0x4: {  	[smem:$0x7FF] =	sst s2;
	s7 =	sadd.s32 $0x3600, s4;
	s5 =	sor.u32 s3, s5  }
0x5: {  	s10 =	sadd.s32 $0x7A6200, s4;
	s6 =	ssub.s32 $0x2, s3;
	s9 =	smul.u32 $0x640, s5  }
0x6: {  	_ =	strace $0x80000047;
	s8 =	sshrl.u32 s6, $0x1;
	s5 =	smul.u32 $0x6400, s5  }
0x7: {  	s3 =	sadd.s32 $0x5000, s4;
	s8 =	ssub.s32 s6, s8;
	s28 =	sshrl.u32 s9, $0x3  }
0x8: {  	s29 =	sadd.s32 $0x320, s9;
	s31 =	sadd.s32 s10, s5;
	s8 =	smax.u32 s8, $0x1  }
0x9: {  	s30 =	sadd.s32 s7, s28;
	s9 =	sshrl.u32 s29, $0x3;
	[dreg:$0x3] =	wrdreg s31  }
0xa: {  	s11 =	sshll.u32 s29, $0x4;
	[dreg:$0x2] =	wrdreg s30;
	s6 =	sadd.s32 s7, s9  }
0xb: {  	s7 =	sadd.s32 s10, s11;
	s9 =	simm.s32 $0x3;
	s10 =	simm.s32 $0x1  }
.LBB2_1:
0xc: {  	s0 =	rddreg [dreg:$0x2]  }
0xd: {  	[tilespmem:s2], [sflag:$0x3] =	stream.linear.gather [hbm4b:s0+s2], $0x320, $0x38;
	[tilespmem:$0x19380] =	vst v63  }
0xe: {  	_ =	swait.ge [sflag:s9], $0x320  }
0xf: {  	[sflag:s9] =	ssyncset.done $0x0  }
0x10: {  	[sflag:s9] =	ssyncadd.s32 $0xFFFFFCE0  }
0x11: {  	v0 =	vld [tilespmem:s2+$0x0];
	_ =	sdelay $0x4  }
0x12: {  	v0 =	vshll.u32 v0, $0x4  }
0x13: {  	(v2sf) =	vpush v0, $0x0  }
0x14: {  	(v2sf) =	vpush v0, $0x1  }
0x15: {  	(v2sf) =	vpush v0, $0x2;
	_ =	sdelay $0x1  }
0x16: {  	(v2sf) =	vpush v0, $0x3;
	_ =	sdelay $0x1  }
0x17: {  	(v2sf) =	vpush v0, $0x4;
	_ =	sdelay $0x1  }
0x18: {  	(v2sf) =	vpush v0, $0x5;
	_ =	sdelay $0x1  }
0x19: {  	(v2sf) =	vpush v0, $0x6  }
0x1a: {  	s16 =	simm.s32 $0x400;
	s17 =	simm.s32 $0x500;
	s18 =	simm.s32 $0x580  }
0x1b: {  	s19 =	simm.s32 $0x380;
	s20 =	simm.s32 $0x480;
	s21 =	simm.s32 $0x600;
	(v2sf) =	vpush v0, $0x7  }
0x1c: {  	p0 =	por $0x1, $0x1;
	s22 =	simm.s32 $0x800;
	s14 =	simm.s32 $0xA00  }
0x1d: {  	s23 =	simm.s32 $0x680;
	s24 =	simm.s32 $0x780;
	s15 =	simm.s32 $0x980;
	(v2sf) =	vpush v0, $0x8  }
0x1e: {  	s25 =	simm.s32 $0x700;
	s26 =	simm.s32 $0x900;
	s28 =	spop (v2sf)  }
0x1f: {  	s29 =	simm.s32 $0x880;
	(v2sf) =	vpush v0, $0x9;
	s28 =	sand.u32 $0x1FFFFFF0, s28;
	s30 =	spop (v2sf)  }
0x20: {  	s28 =	sadd.s32 s3, s28;
	s30 =	sand.u32 $0x1FFFFFF0, s30;
	s31 =	spop (v2sf)  }
0x21: {  	(v2sf) =	vpush v0, $0xA;
	[tilespmem:s19], [sflag:$0x1] =	stream.linear.gather [hbm4b:s28+s2], $0x80, $0x38;
	[tilespmem:$0x19380] =	vst v63  }
0x22: {  	s11 =	sadd.s32 s3, s30;
	s0 =	sand.u32 $0x1FFFFFF0, s31;
	s1 =	spop (v2sf)  }
0x23: {  	(v2sf) =	vpush v0, $0xB;
	[tilespmem:s16], [sflag:$0x1] =	stream.linear.gather [hbm4b:s11+s2], $0x80, $0x38;
	[tilespmem:$0x19380] =	vst v63  }
0x24: {  	s4 =	sadd.s32 s3, s0;
	s5 =	sand.u32 $0x1FFFFFF0, s1;
	s11 =	spop (v2sf)  }
0x25: {  	(v2sf) =	vpush v0, $0xC;
	[tilespmem:s20], [sflag:$0x1] =	stream.linear.gather [hbm4b:s4+s2], $0x80, $0x38;
	[tilespmem:$0x19380] =	vst v63  }
0x26: {  	s28 =	sand.u32 $0x1FFFFFF0, s11;
	s30 =	spop (v2sf);
	s20 =	sadd.s32 s3, s5  }
0x27: {  	(v2sf) =	vpush v0, $0xD;
	[tilespmem:s17], [sflag:$0x1] =	stream.linear.gather [hbm4b:s20+s2], $0x80, $0x38;
	[tilespmem:$0x19380] =	vst v63  }
0x28: {  	s31 =	sadd.s32 s3, s28;
	s0 =	sand.u32 $0x1FFFFFF0, s30;
	s1 =	spop (v2sf)  }
0x29: {  	(v2sf) =	vpush v0, $0xE;
	[tilespmem:s18], [sflag:$0x1] =	stream.linear.gather [hbm4b:s31+s2], $0x80, $0x38;
	[tilespmem:$0x19380] =	vst v63  }
0x2a: {  	s4 =	sadd.s32 s3, s0;
	s5 =	sand.u32 $0x1FFFFFF0, s1;
	s11 =	spop (v2sf)  }
0x2b: {  	(v2sf) =	vpush v0, $0xF;
	[tilespmem:s21], [sflag:$0x1] =	stream.linear.gather [hbm4b:s4+s2], $0x80, $0x38;
	[tilespmem:$0x19380] =	vst v63  }
0x2c: {  	s17 =	sadd.s32 s3, s5;
	s19 =	spop (v2sf);
	s18 =	sand.u32 $0x1FFFFFF0, s11  }
0x2d: {  	[tilespmem:s23], [sflag:$0x1] =	stream.linear.gather [hbm4b:s17+s2], $0x80, $0x38;
	[tilespmem:$0x19380] =	vst v63  }
0x2e: {  	s20 =	sadd.s32 s3, s18;
	s21 =	sand.u32 $0x1FFFFFF0, s19;
	s23 =	spop (v2sf)  }
0x2f: {  	[tilespmem:s25], [sflag:$0x1] =	stream.linear.gather [hbm4b:s20+s2], $0x80, $0x38;
	[tilespmem:$0x19380] =	vst v63  }
0x30: {  	s28 =	sand.u32 $0x1FFFFFF0, s23;
	s30 =	spop (v2sf);
	s25 =	sadd.s32 s3, s21  }
0x31: {  	[tilespmem:s24], [sflag:$0x1] =	stream.linear.gather [hbm4b:s25+s2], $0x80, $0x38;
	[tilespmem:$0x19380] =	vst v63  }
0x32: {  	s31 =	sadd.s32 s3, s28;
	s0 =	sand.u32 $0x1FFFFFF0, s30;
	s1 =	spop (v2sf)  }
0x33: {  	[tilespmem:s22], [sflag:$0x1] =	stream.linear.gather [hbm4b:s31+s2], $0x80, $0x38;
	[tilespmem:$0x19380] =	vst v63  }
0x34: {  	s4 =	sadd.s32 s3, s0;
	s5 =	sand.u32 $0x1FFFFFF0, s1;
	s11 =	spop (v2sf)  }
0x35: {  	[tilespmem:s29], [sflag:$0x1] =	stream.linear.gather [hbm4b:s4+s2], $0x80, $0x38;
	[tilespmem:$0x19380] =	vst v63  }
0x36: {  	s17 =	sadd.s32 s3, s5;
	s18 =	sand.u32 $0x1FFFFFF0, s11;
	s19 =	spop (v2sf)  }
0x37: {  	[tilespmem:s26], [sflag:$0x1] =	stream.linear.gather [hbm4b:s17+s2], $0x80, $0x38;
	[tilespmem:$0x19380] =	vst v63  }
0x38: {  	s20 =	sadd.s32 s3, s18;
	s21 =	sand.u32 $0x1FFFFFF0, s19;
	s22 =	spop (v2sf)  }
0x39: {  	[tilespmem:s15], [sflag:$0x1] =	stream.linear.gather [hbm4b:s20+s2], $0x80, $0x38;
	[tilespmem:$0x19380] =	vst v63  }
0x3a: {  	s23 =	sadd.s32 s3, s21;
	s24 =	sand.u32 $0x1FFFFFF0, s22;
	s25 =	spop (v2sf)  }
0x3b: {  	[tilespmem:s14], [sflag:$0x1] =	stream.linear.gather [hbm4b:s23+s2], $0x80, $0x38;
	[tilespmem:$0x19380] =	vst v63  }
0x3c: {  	s28 =	sadd.s32 s3, s24;
	s29 =	sand.u32 $0x1FFFFFF0, s25;
	s26 =	simm.s32 $0xA80  }
0x3d: {  	[tilespmem:s26], [sflag:$0x1] =	stream.linear.gather [hbm4b:s28+s2], $0x80, $0x38;
	[tilespmem:$0x19380] =	vst v63  }
0x3e: {  	s30 =	simm.s32 $0xB00;
	s31 =	sadd.s32 s3, s29;
	s17 =	simm.s32 @!p0 $0x1  }
0x3f: {  	[tilespmem:s30], [sflag:$0x1] =	stream.linear.gather [hbm4b:s31+s2], $0x80, $0x38;
	[tilespmem:$0x19380] =	vst v63  }
0x40: {  	_ =	swait.ge @!p0 [sflag:s17], $0x80  }
0x41: {  	[sflag:s17] =	ssyncset.done @!p0 $0x0  }
0x42: {  	[sflag:s17] =	ssyncadd.s32 @!p0 $0xFFFFFF80  }
0x43: {  	_ =	swait.ge @!p0 [sflag:s17], $0x80  }
0x44: {  	[sflag:s17] =	ssyncset.done @!p0 $0x0  }
0x45: {  	[sflag:s17] =	ssyncadd.s32 @!p0 $0xFFFFFF80  }
0x46: {  	_ =	swait.ge @!p0 [sflag:s17], $0x80  }
0x47: {  	[sflag:s17] =	ssyncset.done @!p0 $0x0  }
0x48: {  	[sflag:s17] =	ssyncadd.s32 @!p0 $0xFFFFFF80  }
0x49: {  	_ =	swait.ge @!p0 [sflag:s17], $0x80  }
0x4a: {  	[sflag:s17] =	ssyncset.done @!p0 $0x0  }
0x4b: {  	[sflag:s17] =	ssyncadd.s32 @!p0 $0xFFFFFF80  }
0x4c: {  	_ =	swait.ge @!p0 [sflag:s17], $0x80  }
0x4d: {  	[sflag:s17] =	ssyncset.done @!p0 $0x0  }
0x4e: {  	[sflag:s17] =	ssyncadd.s32 @!p0 $0xFFFFFF80  }
0x4f: {  	_ =	swait.ge @!p0 [sflag:s17], $0x80  }
0x50: {  	[sflag:s17] =	ssyncset.done @!p0 $0x0  }
0x51: {  	[sflag:s17] =	ssyncadd.s32 @!p0 $0xFFFFFF80  }
0x52: {  	_ =	swait.ge @!p0 [sflag:s17], $0x80  }
0x53: {  	[sflag:s17] =	ssyncset.done @!p0 $0x0  }
0x54: {  	[sflag:s17] =	ssyncadd.s32 @!p0 $0xFFFFFF80  }
0x55: {  	_ =	swait.ge @!p0 [sflag:s17], $0x80  }
0x56: {  	[sflag:s17] =	ssyncset.done @!p0 $0x0  }
0x57: {  	[sflag:s17] =	ssyncadd.s32 @!p0 $0xFFFFFF80  }
0x58: {  	_ =	swait.ge @!p0 [sflag:s17], $0x80  }
0x59: {  	[sflag:s17] =	ssyncset.done @!p0 $0x0  }
0x5a: {  	[sflag:s17] =	ssyncadd.s32 @!p0 $0xFFFFFF80  }
0x5b: {  	_ =	swait.ge @!p0 [sflag:s17], $0x80  }
0x5c: {  	[sflag:s17] =	ssyncset.done @!p0 $0x0  }
0x5d: {  	[sflag:s17] =	ssyncadd.s32 @!p0 $0xFFFFFF80  }
0x5e: {  	_ =	swait.ge @!p0 [sflag:s17], $0x80  }
0x5f: {  	[sflag:s17] =	ssyncset.done @!p0 $0x0  }
0x60: {  	[sflag:s17] =	ssyncadd.s32 @!p0 $0xFFFFFF80  }
0x61: {  	_ =	swait.ge @!p0 [sflag:s17], $0x80  }
0x62: {  	[sflag:s17] =	ssyncset.done @!p0 $0x0  }
0x63: {  	[sflag:s17] =	ssyncadd.s32 @!p0 $0xFFFFFF80  }
0x64: {  	_ =	swait.ge @!p0 [sflag:s17], $0x80  }
0x65: {  	[sflag:s17] =	ssyncset.done @!p0 $0x0  }
0x66: {  	s16 =	simm.s32 $0x0;
	[sflag:s17] =	ssyncadd.s32 @!p0 $0xFFFFFF80  }
0x67: {  	s15 =	simm.s32 $0x10;
	s14 =	simm.s32 $0x2000;
	_ =	swait.ge @!p0 [sflag:s17], $0x80  }
.LBB2_2:
0x68: {  	[sflag:s17] =	ssyncset.done @!p0 $0x0  }
0x69: {  	s16 =	sadd.s32 $0x1, s16;
	s18 =	smov.u32 s14;
	s14 =	sadd.s32 $0x2000, s14  }
0x6a: {  	p1 =	sne.s32 s14, $0x64000;
	[sflag:s17] =	ssyncadd.s32 @!p0 $0xFFFFFF80  }
0x6b: {  	_ =	swait.ge @!p0 [sflag:s17], $0x80  }
0x6c: {  	[sflag:s17] =	ssyncset.done @!p0 $0x0  }
0x6d: {  	[sflag:s17] =	ssyncadd.s32 @!p0 $0xFFFFFF80  }
0x6e: {  	_ =	swait.ge @!p0 [sflag:s17], $0x80  }
0x6f: {  	[sflag:s17] =	ssyncset.done @!p0 $0x0  }
0x70: {  	[sflag:s17] =	ssyncadd.s32 @!p0 $0xFFFFFF80  }
0x71: {  	v0 =	vld [tilespmem:s15+$0x0];
	_ =	sdelay $0x4  }
0x72: {  	v0 =	vshll.u32 v0, $0x4  }
0x73: {  	(v2sf) =	vpush v0, $0x0  }
0x74: {  	(v2sf) =	vpush v0, $0x1  }
0x75: {  	(v2sf) =	vpush v0, $0x2;
	_ =	sdelay $0x1  }
0x76: {  	(v2sf) =	vpush v0, $0x3;
	_ =	sdelay $0x1  }
0x77: {  	(v2sf) =	vpush v0, $0x4;
	_ =	sdelay $0x1  }
0x78: {  	(v2sf) =	vpush v0, $0x5  }
0x79: {  	s17 =	sshra.s32 s18, $0x2  }
0x7a: {  	s25 =	sadd.s32 $0x400, s17;
	s26 =	sadd.s32 $0x500, s17;
	s28 =	sadd.s32 $0x580, s17;
	(v2sf) =	vpush v0, $0x6  }
0x7b: {  	s29 =	sadd.s32 $0x380, s17;
	s30 =	sadd.s32 $0x480, s17  }
0x7c: {  	p0 =	slt.u32 s16, $0x2;
	s31 =	sadd.s32 $0x600, s17;
	(v2sf) =	vpush v0, $0x7  }
0x7d: {  	s22 =	sadd.s32 $0x800, s17;
	s19 =	sadd.s32 $0xA00, s17;
	s18 =	sadd.s32 $0xB00, s17  }
0x7e: {  	s0 =	sadd.s32 $0x680, s17;
	s24 =	sadd.s32 $0x780, s17;
	s20 =	sadd.s32 $0x980, s17;
	(v2sf) =	vpush v0, $0x8  }
0x7f: {  	s1 =	sadd.s32 $0x700, s17;
	s21 =	sadd.s32 $0x900, s17;
	s23 =	spop (v2sf)  }
0x80: {  	s11 =	sand.u32 $0x1FFFFFF0, s23;
	s23 =	sadd.s32 $0x880, s17;
	s4 =	spop (v2sf);
	(v2sf) =	vpush v0, $0x9  }
0x81: {  	s11 =	sadd.s32 s3, s11;
	s4 =	sand.u32 $0x1FFFFFF0, s4;
	s5 =	spop (v2sf)  }
0x82: {  	[tilespmem:s29], [sflag:$0x1] =	stream.linear.gather [hbm4b:s11+s2], $0x80, $0x38;
	(v2sf) =	vpush v0, $0xA;
	[tilespmem:$0x19380] =	vst v63  }
0x83: {  	s4 =	sadd.s32 s3, s4;
	s5 =	sand.u32 $0x1FFFFFF0, s5;
	s11 =	spop (v2sf)  }
0x84: {  	[tilespmem:s25], [sflag:$0x1] =	stream.linear.gather [hbm4b:s4+s2], $0x80, $0x38;
	(v2sf) =	vpush v0, $0xB;
	[tilespmem:$0x19380] =	vst v63  }
0x85: {  	s4 =	sadd.s32 s3, s5;
	s5 =	sand.u32 $0x1FFFFFF0, s11;
	s11 =	spop (v2sf)  }
0x86: {  	[tilespmem:s30], [sflag:$0x1] =	stream.linear.gather [hbm4b:s4+s2], $0x80, $0x38;
	(v2sf) =	vpush v0, $0xC;
	[tilespmem:$0x19380] =	vst v63  }
0x87: {  	s4 =	sadd.s32 s3, s5;
	s5 =	sand.u32 $0x1FFFFFF0, s11;
	s11 =	spop (v2sf)  }
0x88: {  	[tilespmem:s26], [sflag:$0x1] =	stream.linear.gather [hbm4b:s4+s2], $0x80, $0x38;
	(v2sf) =	vpush v0, $0xD;
	[tilespmem:$0x19380] =	vst v63  }
0x89: {  	s4 =	sadd.s32 s3, s5;
	s5 =	sand.u32 $0x1FFFFFF0, s11;
	s11 =	spop (v2sf)  }
0x8a: {  	[tilespmem:s28], [sflag:$0x1] =	stream.linear.gather [hbm4b:s4+s2], $0x80, $0x38;
	(v2sf) =	vpush v0, $0xE;
	[tilespmem:$0x19380] =	vst v63  }
0x8b: {  	s4 =	sadd.s32 s3, s5;
	s5 =	sand.u32 $0x1FFFFFF0, s11;
	s11 =	spop (v2sf)  }
0x8c: {  	[tilespmem:s31], [sflag:$0x1] =	stream.linear.gather [hbm4b:s4+s2], $0x80, $0x38;
	(v2sf) =	vpush v0, $0xF;
	[tilespmem:$0x19380] =	vst v63  }
0x8d: {  	s4 =	sadd.s32 s3, s5;
	s5 =	sand.u32 $0x1FFFFFF0, s11;
	s11 =	spop (v2sf)  }
0x8e: {  	[tilespmem:s0], [sflag:$0x1] =	stream.linear.gather [hbm4b:s4+s2], $0x80, $0x38;
	[tilespmem:$0x19380] =	vst v63  }
0x8f: {  	s0 =	sadd.s32 s3, s5;
	s4 =	sand.u32 $0x1FFFFFF0, s11;
	s5 =	spop (v2sf)  }
0x90: {  	[tilespmem:s1], [sflag:$0x1] =	stream.linear.gather [hbm4b:s0+s2], $0x80, $0x38;
	[tilespmem:$0x19380] =	vst v63  }
0x91: {  	s0 =	sadd.s32 s3, s4;
	s1 =	sand.u32 $0x1FFFFFF0, s5;
	s4 =	spop (v2sf)  }
0x92: {  	[tilespmem:s24], [sflag:$0x1] =	stream.linear.gather [hbm4b:s0+s2], $0x80, $0x38;
	[tilespmem:$0x19380] =	vst v63  }
0x93: {  	s0 =	sadd.s32 s3, s1;
	s1 =	sand.u32 $0x1FFFFFF0, s4;
	s4 =	spop (v2sf)  }
0x94: {  	[tilespmem:s22], [sflag:$0x1] =	stream.linear.gather [hbm4b:s0+s2], $0x80, $0x38;
	[tilespmem:$0x19380] =	vst v63  }
0x95: {  	s0 =	sadd.s32 s3, s1;
	s1 =	sand.u32 $0x1FFFFFF0, s4;
	s4 =	spop (v2sf)  }
0x96: {  	[tilespmem:s23], [sflag:$0x1] =	stream.linear.gather [hbm4b:s0+s2], $0x80, $0x38;
	[tilespmem:$0x19380] =	vst v63  }
0x97: {  	s0 =	sadd.s32 s3, s1;
	s1 =	sand.u32 $0x1FFFFFF0, s4;
	s4 =	spop (v2sf)  }
0x98: {  	[tilespmem:s21], [sflag:$0x1] =	stream.linear.gather [hbm4b:s0+s2], $0x80, $0x38;
	[tilespmem:$0x19380] =	vst v63  }
0x99: {  	s0 =	sadd.s32 s3, s1;
	s1 =	sand.u32 $0x1FFFFFF0, s4;
	s4 =	spop (v2sf)  }
0x9a: {  	[tilespmem:s20], [sflag:$0x1] =	stream.linear.gather [hbm4b:s0+s2], $0x80, $0x38;
	[tilespmem:$0x19380] =	vst v63  }
0x9b: {  	s0 =	sadd.s32 s3, s1;
	s1 =	sand.u32 $0x1FFFFFF0, s4;
	s4 =	spop (v2sf)  }
0x9c: {  	[tilespmem:s19], [sflag:$0x1] =	stream.linear.gather [hbm4b:s0+s2], $0x80, $0x38;
	[tilespmem:$0x19380] =	vst v63  }
0x9d: {  	s1 =	sadd.s32 s3, s1;
	s0 =	sadd.s32 $0xA80, s17;
	s4 =	sand.u32 $0x1FFFFFF0, s4  }
0x9e: {  	[tilespmem:s0], [sflag:$0x1] =	stream.linear.gather [hbm4b:s1+s2], $0x80, $0x38;
	[tilespmem:$0x19380] =	vst v63  }
0x9f: {  	s17 =	simm.s32 @!p0 $0x1;
	s0 =	sadd.s32 s3, s4  }
0xa0: {  	[tilespmem:s18], [sflag:$0x1] =	stream.linear.gather [hbm4b:s0+s2], $0x80, $0x38;
	[tilespmem:$0x19380] =	vst v63  }
0xa1: {  	_ =	swait.ge @!p0 [sflag:s17], $0x80  }
0xa2: {  	[sflag:s17] =	ssyncset.done @!p0 $0x0  }
0xa3: {  	[sflag:s17] =	ssyncadd.s32 @!p0 $0xFFFFFF80  }
0xa4: {  	_ =	swait.ge @!p0 [sflag:s17], $0x80  }
0xa5: {  	[sflag:s17] =	ssyncset.done @!p0 $0x0  }
0xa6: {  	[sflag:s17] =	ssyncadd.s32 @!p0 $0xFFFFFF80  }
0xa7: {  	_ =	swait.ge @!p0 [sflag:s17], $0x80  }
0xa8: {  	[sflag:s17] =	ssyncset.done @!p0 $0x0  }
0xa9: {  	[sflag:s17] =	ssyncadd.s32 @!p0 $0xFFFFFF80  }
0xaa: {  	_ =	swait.ge @!p0 [sflag:s17], $0x80  }
0xab: {  	[sflag:s17] =	ssyncset.done @!p0 $0x0  }
0xac: {  	[sflag:s17] =	ssyncadd.s32 @!p0 $0xFFFFFF80  }
0xad: {  	_ =	swait.ge @!p0 [sflag:s17], $0x80  }
0xae: {  	[sflag:s17] =	ssyncset.done @!p0 $0x0  }
0xaf: {  	[sflag:s17] =	ssyncadd.s32 @!p0 $0xFFFFFF80  }
0xb0: {  	_ =	swait.ge @!p0 [sflag:s17], $0x80  }
0xb1: {  	[sflag:s17] =	ssyncset.done @!p0 $0x0  }
0xb2: {  	[sflag:s17] =	ssyncadd.s32 @!p0 $0xFFFFFF80  }
0xb3: {  	_ =	swait.ge @!p0 [sflag:s17], $0x80  }
0xb4: {  	[sflag:s17] =	ssyncset.done @!p0 $0x0  }
0xb5: {  	[sflag:s17] =	ssyncadd.s32 @!p0 $0xFFFFFF80  }
0xb6: {  	_ =	swait.ge @!p0 [sflag:s17], $0x80  }
0xb7: {  	[sflag:s17] =	ssyncset.done @!p0 $0x0  }
0xb8: {  	[sflag:s17] =	ssyncadd.s32 @!p0 $0xFFFFFF80  }
0xb9: {  	_ =	swait.ge @!p0 [sflag:s17], $0x80  }
0xba: {  	[sflag:s17] =	ssyncset.done @!p0 $0x0  }
0xbb: {  	[sflag:s17] =	ssyncadd.s32 @!p0 $0xFFFFFF80  }
0xbc: {  	_ =	swait.ge @!p0 [sflag:s17], $0x80  }
0xbd: {  	[sflag:s17] =	ssyncset.done @!p0 $0x0  }
0xbe: {  	[sflag:s17] =	ssyncadd.s32 @!p0 $0xFFFFFF80  }
0xbf: {  	_ =	swait.ge @!p0 [sflag:s17], $0x80  }
0xc0: {  	[sflag:s17] =	ssyncset.done @!p0 $0x0  }
0xc1: {  	[sflag:s17] =	ssyncadd.s32 @!p0 $0xFFFFFF80  }
0xc2: {  	_ =	swait.ge @!p0 [sflag:s17], $0x80  }
0xc3: {  	[sflag:s17] =	ssyncset.done @!p0 $0x0  }
.Ltmp0:
0xc4: {  	[sflag:s17] =	ssyncadd.s32 @!p0 $0xFFFFFF80;
	(pc) =	sbr.rel @p1 .LBB2_2-.Ltmp0, $4  }
0xc5: {  	_ =	swait.ge @!p0 [sflag:s17], $0x80  }
0xc6: {  	[sflag:s17] =	ssyncset.done @!p0 $0x0  }
0xc7: {  	[sflag:s17] =	ssyncadd.s32 @!p0 $0xFFFFFF80  }
0xc8: {  	s15 =	sadd.s32 $0x10, s15;
	_ =	swait.ge @!p0 [sflag:s17], $0x80  }
0xc9: {  	[sflag:s17] =	ssyncset.done @!p0 $0x0  }
0xca: {  	[sflag:s17] =	ssyncadd.s32 @!p0 $0xFFFFFF80  }
0xcb: {  	_ =	swait.ge @!p0 [sflag:s17], $0x80  }
0xcc: {  	[sflag:s17] =	ssyncset.done @!p0 $0x0  }
0xcd: {  	[sflag:s17] =	ssyncadd.s32 @!p0 $0xFFFFFF80  }
0xce: {  	_ =	swait.ge @!p0 [sflag:s17], $0x80  }
0xcf: {  	[sflag:s17] =	ssyncset.done @!p0 $0x0  }
0xd0: {  	[sflag:s17] =	ssyncadd.s32 @!p0 $0xFFFFFF80  }
0xd1: {  	_ =	swait.ge [sflag:s10], $0x80  }
0xd2: {  	[sflag:s10] =	ssyncset.done $0x0  }
0xd3: {  	[sflag:s10] =	ssyncadd.s32 $0xFFFFFF80  }
0xd4: {  	_ =	swait.ge [sflag:s10], $0x80  }
0xd5: {  	[sflag:s10] =	ssyncset.done $0x0  }
0xd6: {  	[sflag:s10] =	ssyncadd.s32 $0xFFFFFF80  }
0xd7: {  	_ =	swait.ge [sflag:s10], $0x80  }
0xd8: {  	[sflag:s10] =	ssyncset.done $0x0  }
0xd9: {  	[sflag:s10] =	ssyncadd.s32 $0xFFFFFF80  }
0xda: {  	_ =	swait.ge [sflag:s10], $0x80  }
0xdb: {  	[sflag:s10] =	ssyncset.done $0x0  }
0xdc: {  	[sflag:s10] =	ssyncadd.s32 $0xFFFFFF80  }
0xdd: {  	_ =	swait.ge [sflag:s10], $0x80  }
0xde: {  	[sflag:s10] =	ssyncset.done $0x0  }
0xdf: {  	[sflag:s10] =	ssyncadd.s32 $0xFFFFFF80  }
0xe0: {  	_ =	swait.ge [sflag:s10], $0x80  }
0xe1: {  	[sflag:s10] =	ssyncset.done $0x0  }
0xe2: {  	[sflag:s10] =	ssyncadd.s32 $0xFFFFFF80  }
0xe3: {  	_ =	swait.ge [sflag:s10], $0x80  }
0xe4: {  	[sflag:s10] =	ssyncset.done $0x0  }
0xe5: {  	[sflag:s10] =	ssyncadd.s32 $0xFFFFFF80  }
0xe6: {  	_ =	swait.ge [sflag:s10], $0x80  }
0xe7: {  	[sflag:s10] =	ssyncset.done $0x0  }
0xe8: {  	[sflag:s10] =	ssyncadd.s32 $0xFFFFFF80  }
0xe9: {  	_ =	swait.ge [sflag:s10], $0x80  }
0xea: {  	[sflag:s10] =	ssyncset.done $0x0  }
0xeb: {  	[sflag:s10] =	ssyncadd.s32 $0xFFFFFF80  }
0xec: {  	_ =	swait.ge [sflag:s10], $0x80  }
0xed: {  	[sflag:s10] =	ssyncset.done $0x0  }
0xee: {  	[sflag:s10] =	ssyncadd.s32 $0xFFFFFF80  }
0xef: {  	_ =	swait.ge [sflag:s10], $0x80  }
0xf0: {  	[sflag:s10] =	ssyncset.done $0x0  }
0xf1: {  	[sflag:s10] =	ssyncadd.s32 $0xFFFFFF80  }
0xf2: {  	_ =	swait.ge [sflag:s10], $0x80  }
0xf3: {  	[sflag:s10] =	ssyncset.done $0x0  }
0xf4: {  	[sflag:s10] =	ssyncadd.s32 $0xFFFFFF80  }
0xf5: {  	_ =	swait.ge [sflag:s10], $0x80  }
0xf6: {  	[sflag:s10] =	ssyncset.done $0x0  }
0xf7: {  	[sflag:s10] =	ssyncadd.s32 $0xFFFFFF80  }
0xf8: {  	_ =	swait.ge [sflag:s10], $0x80  }
0xf9: {  	[sflag:s10] =	ssyncset.done $0x0  }
0xfa: {  	[sflag:s10] =	ssyncadd.s32 $0xFFFFFF80  }
0xfb: {  	_ =	swait.ge [sflag:s10], $0x80  }
0xfc: {  	[sflag:s10] =	ssyncset.done $0x0  }
0xfd: {  	[sflag:s10] =	ssyncadd.s32 $0xFFFFFF80  }
0xfe: {  	_ =	swait.ge [sflag:s10], $0x80  }
0xff: {  	[sflag:s10] =	ssyncset.done $0x0  }
0x100: {  	[sflag:s10] =	ssyncadd.s32 $0xFFFFFF80  }
0x101: {  	_ =	swait.ge [sflag:s10], $0x80  }
0x102: {  	[sflag:s10] =	ssyncset.done $0x0  }
0x103: {  	[sflag:s10] =	ssyncadd.s32 $0xFFFFFF80  }
0x104: {  	_ =	swait.ge [sflag:s10], $0x80  }
0x105: {  	[sflag:s10] =	ssyncset.done $0x0  }
0x106: {  	[sflag:s10] =	ssyncadd.s32 $0xFFFFFF80  }
0x107: {  	_ =	swait.ge [sflag:s10], $0x80  }
0x108: {  	[sflag:s10] =	ssyncset.done $0x0  }
0x109: {  	[sflag:s10] =	ssyncadd.s32 $0xFFFFFF80  }
0x10a: {  	_ =	swait.ge [sflag:s10], $0x80  }
0x10b: {  	[sflag:s10] =	ssyncset.done $0x0  }
0x10c: {  	[sflag:s10] =	ssyncadd.s32 $0xFFFFFF80  }
0x10d: {  	_ =	swait.ge [sflag:s10], $0x80  }
0x10e: {  	[sflag:s10] =	ssyncset.done $0x0  }
0x10f: {  	[sflag:s10] =	ssyncadd.s32 $0xFFFFFF80  }
0x110: {  	_ =	swait.ge [sflag:s10], $0x80  }
0x111: {  	[sflag:s10] =	ssyncset.done $0x0  }
0x112: {  	[sflag:s10] =	ssyncadd.s32 $0xFFFFFF80  }
0x113: {  	_ =	swait.ge [sflag:s10], $0x80  }
0x114: {  	[sflag:s10] =	ssyncset.done $0x0  }
0x115: {  	[sflag:s10] =	ssyncadd.s32 $0xFFFFFF80  }
0x116: {  	_ =	swait.ge [sflag:s10], $0x80  }
0x117: {  	[sflag:s10] =	ssyncset.done $0x0  }
0x118: {  	[sflag:s10] =	ssyncadd.s32 $0xFFFFFF80  }
0x119: {  	_ =	swait.ge [sflag:s10], $0x80  }
0x11a: {  	[sflag:s10] =	ssyncset.done $0x0  }
0x11b: {  	[sflag:s10] =	ssyncadd.s32 $0xFFFFFF80  }
0x11c: {  	_ =	swait.ge [sflag:s10], $0x80  }
0x11d: {  	[sflag:s10] =	ssyncset.done $0x0  }
0x11e: {  	[sflag:s10] =	ssyncadd.s32 $0xFFFFFF80  }
0x11f: {  	_ =	swait.ge [sflag:s10], $0x80  }
0x120: {  	[sflag:s10] =	ssyncset.done $0x0  }
0x121: {  	[sflag:s10] =	ssyncadd.s32 $0xFFFFFF80  }
0x122: {  	_ =	swait.ge [sflag:s10], $0x80  }
0x123: {  	[sflag:s10] =	ssyncset.done $0x0  }
0x124: {  	[sflag:s10] =	ssyncadd.s32 $0xFFFFFF80  }
0x125: {  	_ =	swait.ge [sflag:s10], $0x80  }
0x126: {  	[sflag:s10] =	ssyncset.done $0x0  }
0x127: {  	[sflag:s10] =	ssyncadd.s32 $0xFFFFFF80  }
0x128: {  	_ =	swait.ge [sflag:s10], $0x80  }
0x129: {  	[sflag:s10] =	ssyncset.done $0x0  }
0x12a: {  	[sflag:s10] =	ssyncadd.s32 $0xFFFFFF80  }
0x12b: {  	_ =	swait.ge [sflag:s10], $0x80  }
0x12c: {  	[sflag:s10] =	ssyncset.done $0x0  }
0x12d: {  	[sflag:s10] =	ssyncadd.s32 $0xFFFFFF80  }
0x12e: {  	_ =	swait.ge [sflag:s10], $0x80  }
0x12f: {  	s14 =	simm.s32 $0x0;
	[sflag:s10] =	ssyncset.done $0x0  }
0x130: {  	s1 =	simm.s32 $0x380;
	s0 =	rddreg [dreg:$0x3];
	[sflag:s10] =	ssyncadd.s32 $0xFFFFFF80  }
0x131: {  	[hbm4b:s0+s14] =	stream.linear.scatter [tilespmem:s1], [sflag:$0x2], $0x19000, $0x38;
	[tilespmem:$0x19380] =	vst v63  }
0x132: {  	_ =	swait.ge [sflag:s12], $0x19000  }
0x133: {  	[sflag:s12] =	ssyncset.done $0x0  }
0x134: {  	[sflag:s12] =	ssyncadd.s32 $0xFFFE7000  }
0x135: {  	[tilespmem:s14], [sflag:$0x3] =	stream.linear.gather [hbm4b:s6+s14], $0x320, $0x38;
	[tilespmem:$0x19380] =	vst v63  }
0x136: {  	_ =	swait.ge [sflag:s9], $0x320  }
0x137: {  	[sflag:s9] =	ssyncset.done $0x0  }
0x138: {  	[sflag:s9] =	ssyncadd.s32 $0xFFFFFCE0  }
0x139: {  	v0 =	vld [tilespmem:s14+$0x0];
	_ =	sdelay $0x4  }
0x13a: {  	v0 =	vshll.u32 v0, $0x4  }
0x13b: {  	(v2sf) =	vpush v0, $0x0  }
0x13c: {  	(v2sf) =	vpush v0, $0x1  }
0x13d: {  	(v2sf) =	vpush v0, $0x2;
	_ =	sdelay $0x2  }
0x13e: {  	(v2sf) =	vpush v0, $0x3;
	_ =	sdelay $0x1  }
0x13f: {  	(v2sf) =	vpush v0, $0x4;
	_ =	sdelay $0x1  }
0x140: {  	(v2sf) =	vpush v0, $0x5;
	_ =	sdelay $0x1  }
0x141: {  	(v2sf) =	vpush v0, $0x6;
	_ =	sdelay $0x2  }
0x142: {  	s11 =	simm.s32 $0x400;
	s18 =	simm.s32 $0x480;
	s19 =	simm.s32 $0x500  }
0x143: {  	s23 =	simm.s32 $0x580;
	s24 =	simm.s32 $0x600;
	s4 =	spop (v2sf);
	(v2sf) =	vpush v0, $0x7  }
0x144: {  	s0 =	sand.u32 $0x1FFFFFF0, s4;
	s5 =	spop (v2sf);
	s4 =	simm.s32 $0x380  }
0x145: {  	(v2sf) =	vpush v0, $0x8;
	s0 =	sadd.s32 s3, s0;
	s1 =	sand.u32 $0x1FFFFFF0, s5;
	s15 =	spop (v2sf)  }
0x146: {  	(v2sf) =	vpush v0, $0x9;
	[tilespmem:s4], [sflag:$0x1] =	stream.linear.gather [hbm4b:s0+s2], $0x80, $0x38;
	[tilespmem:$0x19380] =	vst v63  }
0x147: {  	s29 =	simm.s32 $0x680;
	s30 =	simm.s32 $0x700;
	s1 =	sadd.s32 s3, s1  }
0x148: {  	s16 =	sand.u32 $0x1FFFFFF0, s15;
	s17 =	spop (v2sf);
	(v2sf) =	vpush v0, $0xA;
	s15 =	simm.s32 $0x800  }
0x149: {  	[tilespmem:s11], [sflag:$0x1] =	stream.linear.gather [hbm4b:s1+s2], $0x80, $0x38;
	[tilespmem:$0x19380] =	vst v63  }
0x14a: {  	s0 =	sadd.s32 s3, s16;
	s20 =	spop (v2sf);
	(v2sf) =	vpush v0, $0xB;
	s1 =	sand.u32 $0x1FFFFFF0, s17  }
0x14b: {  	[tilespmem:s18], [sflag:$0x1] =	stream.linear.gather [hbm4b:s0+s2], $0x80, $0x38;
	[tilespmem:$0x19380] =	vst v63  }
0x14c: {  	s21 =	sand.u32 $0x1FFFFFF0, s20;
	s22 =	spop (v2sf);
	(v2sf) =	vpush v0, $0xC;
	s1 =	sadd.s32 s3, s1  }
0x14d: {  	[tilespmem:s19], [sflag:$0x1] =	stream.linear.gather [hbm4b:s1+s2], $0x80, $0x38;
	[tilespmem:$0x19380] =	vst v63  }
0x14e: {  	s25 =	spop (v2sf);
	(v2sf) =	vpush v0, $0xD;
	s0 =	sadd.s32 s3, s21;
	s1 =	sand.u32 $0x1FFFFFF0, s22  }
0x14f: {  	[tilespmem:s23], [sflag:$0x1] =	stream.linear.gather [hbm4b:s0+s2], $0x80, $0x38;
	[tilespmem:$0x19380] =	vst v63  }
0x150: {  	s11 =	simm.s32 $0x780;
	s26 =	sand.u32 $0x1FFFFFF0, s25;
	s1 =	sadd.s32 s3, s1  }
0x151: {  	[tilespmem:s24], [sflag:$0x1] =	stream.linear.gather [hbm4b:s1+s2], $0x80, $0x38;
	[tilespmem:$0x19380] =	vst v63  }
0x152: {  	s20 =	simm.s32 $0x900;
	s0 =	sadd.s32 s3, s26;
	s28 =	spop (v2sf);
	(v2sf) =	vpush v0, $0xE  }
0x153: {  	[tilespmem:s29], [sflag:$0x1] =	stream.linear.gather [hbm4b:s0+s2], $0x80, $0x38;
	[tilespmem:$0x19380] =	vst v63  }
0x154: {  	s19 =	simm.s32 $0x880;
	s1 =	sand.u32 $0x1FFFFFF0, s28;
	s31 =	spop (v2sf);
	(v2sf) =	vpush v0, $0xF  }
0x155: {  	s1 =	sadd.s32 s3, s1;
	s4 =	sand.u32 $0x1FFFFFF0, s31;
	s5 =	spop (v2sf)  }
0x156: {  	[tilespmem:s30], [sflag:$0x1] =	stream.linear.gather [hbm4b:s1+s2], $0x80, $0x38;
	[tilespmem:$0x19380] =	vst v63  }
0x157: {  	s0 =	sadd.s32 s3, s4;
	s1 =	sand.u32 $0x1FFFFFF0, s5;
	s16 =	spop (v2sf)  }
0x158: {  	[tilespmem:s11], [sflag:$0x1] =	stream.linear.gather [hbm4b:s0+s2], $0x80, $0x38;
	[tilespmem:$0x19380] =	vst v63  }
0x159: {  	s1 =	sadd.s32 s3, s1;
	s17 =	sand.u32 $0x1FFFFFF0, s16;
	s18 =	spop (v2sf)  }
0x15a: {  	[tilespmem:s15], [sflag:$0x1] =	stream.linear.gather [hbm4b:s1+s2], $0x80, $0x38;
	[tilespmem:$0x19380] =	vst v63  }
0x15b: {  	s0 =	sadd.s32 s3, s17;
	s21 =	spop (v2sf);
	s1 =	sand.u32 $0x1FFFFFF0, s18  }
0x15c: {  	[tilespmem:s19], [sflag:$0x1] =	stream.linear.gather [hbm4b:s0+s2], $0x80, $0x38;
	[tilespmem:$0x19380] =	vst v63  }
0x15d: {  	s22 =	sand.u32 $0x1FFFFFF0, s21;
	s23 =	spop (v2sf);
	s1 =	sadd.s32 s3, s1  }
0x15e: {  	[tilespmem:s20], [sflag:$0x1] =	stream.linear.gather [hbm4b:s1+s2], $0x80, $0x38;
	[tilespmem:$0x19380] =	vst v63  }
0x15f: {  	s24 =	simm.s32 $0x980;
	s0 =	sadd.s32 s3, s22;
	s1 =	sand.u32 $0x1FFFFFF0, s23  }
0x160: {  	[tilespmem:s24], [sflag:$0x1] =	stream.linear.gather [hbm4b:s0+s2], $0x80, $0x38;
	[tilespmem:$0x19380] =	vst v63  }
0x161: {  	s25 =	simm.s32 $0xA00;
	s1 =	sadd.s32 s3, s1;
	s26 =	spop (v2sf)  }
0x162: {  	[tilespmem:s25], [sflag:$0x1] =	stream.linear.gather [hbm4b:s1+s2], $0x80, $0x38;
	[tilespmem:$0x19380] =	vst v63  }
0x163: {  	p0 =	por $0x1, $0x1;
	s28 =	sand.u32 $0x1FFFFFF0, s26;
	s29 =	spop (v2sf)  }
0x164: {  	s30 =	simm.s32 $0xA80;
	s0 =	sadd.s32 s3, s28;
	s1 =	sand.u32 $0x1FFFFFF0, s29  }
0x165: {  	[tilespmem:s30], [sflag:$0x1] =	stream.linear.gather [hbm4b:s0+s2], $0x80, $0x38;
	[tilespmem:$0x19380] =	vst v63  }
0x166: {  	s31 =	simm.s32 $0xB00;
	s17 =	simm.s32 @!p0 $0x1;
	s1 =	sadd.s32 s3, s1  }
0x167: {  	[tilespmem:s31], [sflag:$0x1] =	stream.linear.gather [hbm4b:s1+s2], $0x80, $0x38;
	[tilespmem:$0x19380] =	vst v63  }
0x168: {  	_ =	swait.ge @!p0 [sflag:s17], $0x80  }
0x169: {  	[sflag:s17] =	ssyncset.done @!p0 $0x0  }
0x16a: {  	[sflag:s17] =	ssyncadd.s32 @!p0 $0xFFFFFF80  }
0x16b: {  	_ =	swait.ge @!p0 [sflag:s17], $0x80  }
0x16c: {  	[sflag:s17] =	ssyncset.done @!p0 $0x0  }
0x16d: {  	[sflag:s17] =	ssyncadd.s32 @!p0 $0xFFFFFF80  }
0x16e: {  	_ =	swait.ge @!p0 [sflag:s17], $0x80  }
0x16f: {  	[sflag:s17] =	ssyncset.done @!p0 $0x0  }
0x170: {  	[sflag:s17] =	ssyncadd.s32 @!p0 $0xFFFFFF80  }
0x171: {  	_ =	swait.ge @!p0 [sflag:s17], $0x80  }
0x172: {  	[sflag:s17] =	ssyncset.done @!p0 $0x0  }
0x173: {  	[sflag:s17] =	ssyncadd.s32 @!p0 $0xFFFFFF80  }
0x174: {  	_ =	swait.ge @!p0 [sflag:s17], $0x80  }
0x175: {  	[sflag:s17] =	ssyncset.done @!p0 $0x0  }
0x176: {  	[sflag:s17] =	ssyncadd.s32 @!p0 $0xFFFFFF80  }
0x177: {  	_ =	swait.ge @!p0 [sflag:s17], $0x80  }
0x178: {  	[sflag:s17] =	ssyncset.done @!p0 $0x0  }
0x179: {  	[sflag:s17] =	ssyncadd.s32 @!p0 $0xFFFFFF80  }
0x17a: {  	_ =	swait.ge @!p0 [sflag:s17], $0x80  }
0x17b: {  	[sflag:s17] =	ssyncset.done @!p0 $0x0  }
0x17c: {  	[sflag:s17] =	ssyncadd.s32 @!p0 $0xFFFFFF80  }
0x17d: {  	_ =	swait.ge @!p0 [sflag:s17], $0x80  }
0x17e: {  	[sflag:s17] =	ssyncset.done @!p0 $0x0  }
0x17f: {  	[sflag:s17] =	ssyncadd.s32 @!p0 $0xFFFFFF80  }
0x180: {  	_ =	swait.ge @!p0 [sflag:s17], $0x80  }
0x181: {  	[sflag:s17] =	ssyncset.done @!p0 $0x0  }
0x182: {  	[sflag:s17] =	ssyncadd.s32 @!p0 $0xFFFFFF80  }
0x183: {  	_ =	swait.ge @!p0 [sflag:s17], $0x80  }
0x184: {  	[sflag:s17] =	ssyncset.done @!p0 $0x0  }
0x185: {  	[sflag:s17] =	ssyncadd.s32 @!p0 $0xFFFFFF80  }
0x186: {  	_ =	swait.ge @!p0 [sflag:s17], $0x80  }
0x187: {  	[sflag:s17] =	ssyncset.done @!p0 $0x0  }
0x188: {  	[sflag:s17] =	ssyncadd.s32 @!p0 $0xFFFFFF80  }
0x189: {  	_ =	swait.ge @!p0 [sflag:s17], $0x80  }
0x18a: {  	[sflag:s17] =	ssyncset.done @!p0 $0x0  }
0x18b: {  	[sflag:s17] =	ssyncadd.s32 @!p0 $0xFFFFFF80  }
0x18c: {  	_ =	swait.ge @!p0 [sflag:s17], $0x80  }
0x18d: {  	[sflag:s17] =	ssyncset.done @!p0 $0x0  }
0x18e: {  	[sflag:s17] =	ssyncadd.s32 @!p0 $0xFFFFFF80  }
0x18f: {  	s16 =	simm.s32 $0x10;
	s15 =	simm.s32 $0x2000;
	_ =	swait.ge @!p0 [sflag:s17], $0x80  }
.LBB2_4:
0x190: {  	[sflag:s17] =	ssyncset.done @!p0 $0x0  }
0x191: {  	s14 =	sadd.s32 $0x1, s14;
	s0 =	smov.u32 s15;
	s15 =	sadd.s32 $0x2000, s15  }
0x192: {  	p1 =	sne.s32 s15, $0x64000;
	[sflag:s17] =	ssyncadd.s32 @!p0 $0xFFFFFF80  }
0x193: {  	_ =	swait.ge @!p0 [sflag:s17], $0x80  }
0x194: {  	[sflag:s17] =	ssyncset.done @!p0 $0x0  }
0x195: {  	[sflag:s17] =	ssyncadd.s32 @!p0 $0xFFFFFF80  }
0x196: {  	_ =	swait.ge @!p0 [sflag:s17], $0x80  }
0x197: {  	[sflag:s17] =	ssyncset.done @!p0 $0x0  }
0x198: {  	[sflag:s17] =	ssyncadd.s32 @!p0 $0xFFFFFF80  }
0x199: {  	v0 =	vld [tilespmem:s16+$0x0];
	_ =	sdelay $0x4  }
0x19a: {  	v0 =	vshll.u32 v0, $0x4  }
0x19b: {  	(v2sf) =	vpush v0, $0x0  }
0x19c: {  	(v2sf) =	vpush v0, $0x1  }
0x19d: {  	(v2sf) =	vpush v0, $0x2;
	_ =	sdelay $0x1  }
0x19e: {  	(v2sf) =	vpush v0, $0x3;
	_ =	sdelay $0x1  }
0x19f: {  	(v2sf) =	vpush v0, $0x4;
	_ =	sdelay $0x1  }
0x1a0: {  	(v2sf) =	vpush v0, $0x5  }
0x1a1: {  	s17 =	sshra.s32 s0, $0x2  }
0x1a2: {  	s0 =	sadd.s32 $0x400, s17;
	s1 =	sadd.s32 $0x500, s17;
	s4 =	sadd.s32 $0x580, s17;
	(v2sf) =	vpush v0, $0x6  }
0x1a3: {  	s5 =	sadd.s32 $0x380, s17;
	s11 =	sadd.s32 $0x480, s17  }
0x1a4: {  	p0 =	slt.u32 s14, $0x2;
	s25 =	sadd.s32 $0x600, s17;
	(v2sf) =	vpush v0, $0x7  }
0x1a5: {  	s22 =	sadd.s32 $0x800, s17;
	s19 =	sadd.s32 $0xA00, s17;
	s18 =	sadd.s32 $0xB00, s17  }
0x1a6: {  	s26 =	sadd.s32 $0x680, s17;
	s24 =	sadd.s32 $0x780, s17;
	s20 =	sadd.s32 $0x980, s17;
	(v2sf) =	vpush v0, $0x8  }
0x1a7: {  	s28 =	sadd.s32 $0x700, s17;
	s21 =	sadd.s32 $0x900, s17;
	s23 =	spop (v2sf)  }
0x1a8: {  	s29 =	sand.u32 $0x1FFFFFF0, s23;
	s23 =	sadd.s32 $0x880, s17;
	s30 =	spop (v2sf);
	(v2sf) =	vpush v0, $0x9  }
0x1a9: {  	s29 =	sadd.s32 s3, s29;
	s30 =	sand.u32 $0x1FFFFFF0, s30;
	s31 =	spop (v2sf)  }
0x1aa: {  	[tilespmem:s5], [sflag:$0x1] =	stream.linear.gather [hbm4b:s29+s2], $0x80, $0x38;
	(v2sf) =	vpush v0, $0xA;
	[tilespmem:$0x19380] =	vst v63  }
0x1ab: {  	s5 =	sadd.s32 s3, s30;
	s29 =	sand.u32 $0x1FFFFFF0, s31;
	s30 =	spop (v2sf)  }
0x1ac: {  	[tilespmem:s0], [sflag:$0x1] =	stream.linear.gather [hbm4b:s5+s2], $0x80, $0x38;
	(v2sf) =	vpush v0, $0xB;
	[tilespmem:$0x19380] =	vst v63  }
0x1ad: {  	s0 =	sadd.s32 s3, s29;
	s5 =	sand.u32 $0x1FFFFFF0, s30;
	s29 =	spop (v2sf)  }
0x1ae: {  	[tilespmem:s11], [sflag:$0x1] =	stream.linear.gather [hbm4b:s0+s2], $0x80, $0x38;
	(v2sf) =	vpush v0, $0xC;
	[tilespmem:$0x19380] =	vst v63  }
0x1af: {  	s0 =	sadd.s32 s3, s5;
	s5 =	sand.u32 $0x1FFFFFF0, s29;
	s11 =	spop (v2sf)  }
0x1b0: {  	[tilespmem:s1], [sflag:$0x1] =	stream.linear.gather [hbm4b:s0+s2], $0x80, $0x38;
	(v2sf) =	vpush v0, $0xD;
	[tilespmem:$0x19380] =	vst v63  }
0x1b1: {  	s0 =	sadd.s32 s3, s5;
	s1 =	sand.u32 $0x1FFFFFF0, s11;
	s5 =	spop (v2sf)  }
0x1b2: {  	[tilespmem:s4], [sflag:$0x1] =	stream.linear.gather [hbm4b:s0+s2], $0x80, $0x38;
	(v2sf) =	vpush v0, $0xE;
	[tilespmem:$0x19380] =	vst v63  }
0x1b3: {  	s0 =	sadd.s32 s3, s1;
	s1 =	sand.u32 $0x1FFFFFF0, s5;
	s4 =	spop (v2sf)  }
0x1b4: {  	[tilespmem:s25], [sflag:$0x1] =	stream.linear.gather [hbm4b:s0+s2], $0x80, $0x38;
	(v2sf) =	vpush v0, $0xF;
	[tilespmem:$0x19380] =	vst v63  }
0x1b5: {  	s0 =	sadd.s32 s3, s1;
	s1 =	sand.u32 $0x1FFFFFF0, s4;
	s4 =	spop (v2sf)  }
0x1b6: {  	[tilespmem:s26], [sflag:$0x1] =	stream.linear.gather [hbm4b:s0+s2], $0x80, $0x38;
	[tilespmem:$0x19380] =	vst v63  }
0x1b7: {  	s0 =	sadd.s32 s3, s1;
	s1 =	sand.u32 $0x1FFFFFF0, s4;
	s4 =	spop (v2sf)  }
0x1b8: {  	[tilespmem:s28], [sflag:$0x1] =	stream.linear.gather [hbm4b:s0+s2], $0x80, $0x38;
	[tilespmem:$0x19380] =	vst v63  }
0x1b9: {  	s0 =	sadd.s32 s3, s1;
	s1 =	sand.u32 $0x1FFFFFF0, s4;
	s4 =	spop (v2sf)  }
0x1ba: {  	[tilespmem:s24], [sflag:$0x1] =	stream.linear.gather [hbm4b:s0+s2], $0x80, $0x38;
	[tilespmem:$0x19380] =	vst v63  }
0x1bb: {  	s0 =	sadd.s32 s3, s1;
	s1 =	sand.u32 $0x1FFFFFF0, s4;
	s4 =	spop (v2sf)  }
0x1bc: {  	[tilespmem:s22], [sflag:$0x1] =	stream.linear.gather [hbm4b:s0+s2], $0x80, $0x38;
	[tilespmem:$0x19380] =	vst v63  }
0x1bd: {  	s0 =	sadd.s32 s3, s1;
	s1 =	sand.u32 $0x1FFFFFF0, s4;
	s4 =	spop (v2sf)  }
0x1be: {  	[tilespmem:s23], [sflag:$0x1] =	stream.linear.gather [hbm4b:s0+s2], $0x80, $0x38;
	[tilespmem:$0x19380] =	vst v63  }
0x1bf: {  	s0 =	sadd.s32 s3, s1;
	s1 =	sand.u32 $0x1FFFFFF0, s4;
	s4 =	spop (v2sf)  }
0x1c0: {  	[tilespmem:s21], [sflag:$0x1] =	stream.linear.gather [hbm4b:s0+s2], $0x80, $0x38;
	[tilespmem:$0x19380] =	vst v63  }
0x1c1: {  	s0 =	sadd.s32 s3, s1;
	s1 =	sand.u32 $0x1FFFFFF0, s4;
	s4 =	spop (v2sf)  }
0x1c2: {  	[tilespmem:s20], [sflag:$0x1] =	stream.linear.gather [hbm4b:s0+s2], $0x80, $0x38;
	[tilespmem:$0x19380] =	vst v63  }
0x1c3: {  	s0 =	sadd.s32 s3, s1;
	s1 =	sand.u32 $0x1FFFFFF0, s4;
	s4 =	spop (v2sf)  }
0x1c4: {  	[tilespmem:s19], [sflag:$0x1] =	stream.linear.gather [hbm4b:s0+s2], $0x80, $0x38;
	[tilespmem:$0x19380] =	vst v63  }
0x1c5: {  	s1 =	sadd.s32 s3, s1;
	s0 =	sadd.s32 $0xA80, s17;
	s4 =	sand.u32 $0x1FFFFFF0, s4  }
0x1c6: {  	[tilespmem:s0], [sflag:$0x1] =	stream.linear.gather [hbm4b:s1+s2], $0x80, $0x38;
	[tilespmem:$0x19380] =	vst v63  }
0x1c7: {  	s17 =	simm.s32 @!p0 $0x1;
	s0 =	sadd.s32 s3, s4  }
0x1c8: {  	[tilespmem:s18], [sflag:$0x1] =	stream.linear.gather [hbm4b:s0+s2], $0x80, $0x38;
	[tilespmem:$0x19380] =	vst v63  }
0x1c9: {  	_ =	swait.ge @!p0 [sflag:s17], $0x80  }
0x1ca: {  	[sflag:s17] =	ssyncset.done @!p0 $0x0  }
0x1cb: {  	[sflag:s17] =	ssyncadd.s32 @!p0 $0xFFFFFF80  }
0x1cc: {  	_ =	swait.ge @!p0 [sflag:s17], $0x80  }
0x1cd: {  	[sflag:s17] =	ssyncset.done @!p0 $0x0  }
0x1ce: {  	[sflag:s17] =	ssyncadd.s32 @!p0 $0xFFFFFF80  }
0x1cf: {  	_ =	swait.ge @!p0 [sflag:s17], $0x80  }
0x1d0: {  	[sflag:s17] =	ssyncset.done @!p0 $0x0  }
0x1d1: {  	[sflag:s17] =	ssyncadd.s32 @!p0 $0xFFFFFF80  }
0x1d2: {  	_ =	swait.ge @!p0 [sflag:s17], $0x80  }
0x1d3: {  	[sflag:s17] =	ssyncset.done @!p0 $0x0  }
0x1d4: {  	[sflag:s17] =	ssyncadd.s32 @!p0 $0xFFFFFF80  }
0x1d5: {  	_ =	swait.ge @!p0 [sflag:s17], $0x80  }
0x1d6: {  	[sflag:s17] =	ssyncset.done @!p0 $0x0  }
0x1d7: {  	[sflag:s17] =	ssyncadd.s32 @!p0 $0xFFFFFF80  }
0x1d8: {  	_ =	swait.ge @!p0 [sflag:s17], $0x80  }
0x1d9: {  	[sflag:s17] =	ssyncset.done @!p0 $0x0  }
0x1da: {  	[sflag:s17] =	ssyncadd.s32 @!p0 $0xFFFFFF80  }
0x1db: {  	_ =	swait.ge @!p0 [sflag:s17], $0x80  }
0x1dc: {  	[sflag:s17] =	ssyncset.done @!p0 $0x0  }
0x1dd: {  	[sflag:s17] =	ssyncadd.s32 @!p0 $0xFFFFFF80  }
0x1de: {  	_ =	swait.ge @!p0 [sflag:s17], $0x80  }
0x1df: {  	[sflag:s17] =	ssyncset.done @!p0 $0x0  }
0x1e0: {  	[sflag:s17] =	ssyncadd.s32 @!p0 $0xFFFFFF80  }
0x1e1: {  	_ =	swait.ge @!p0 [sflag:s17], $0x80  }
0x1e2: {  	[sflag:s17] =	ssyncset.done @!p0 $0x0  }
0x1e3: {  	[sflag:s17] =	ssyncadd.s32 @!p0 $0xFFFFFF80  }
0x1e4: {  	_ =	swait.ge @!p0 [sflag:s17], $0x80  }
0x1e5: {  	[sflag:s17] =	ssyncset.done @!p0 $0x0  }
0x1e6: {  	[sflag:s17] =	ssyncadd.s32 @!p0 $0xFFFFFF80  }
0x1e7: {  	_ =	swait.ge @!p0 [sflag:s17], $0x80  }
0x1e8: {  	[sflag:s17] =	ssyncset.done @!p0 $0x0  }
0x1e9: {  	[sflag:s17] =	ssyncadd.s32 @!p0 $0xFFFFFF80  }
0x1ea: {  	_ =	swait.ge @!p0 [sflag:s17], $0x80  }
0x1eb: {  	[sflag:s17] =	ssyncset.done @!p0 $0x0  }
.Ltmp1:
0x1ec: {  	[sflag:s17] =	ssyncadd.s32 @!p0 $0xFFFFFF80;
	(pc) =	sbr.rel @p1 .LBB2_4-.Ltmp1, $4  }
0x1ed: {  	_ =	swait.ge @!p0 [sflag:s17], $0x80  }
0x1ee: {  	[sflag:s17] =	ssyncset.done @!p0 $0x0  }
0x1ef: {  	[sflag:s17] =	ssyncadd.s32 @!p0 $0xFFFFFF80  }
0x1f0: {  	s16 =	sadd.s32 $0x10, s16;
	_ =	swait.ge @!p0 [sflag:s17], $0x80  }
0x1f1: {  	[sflag:s17] =	ssyncset.done @!p0 $0x0  }
0x1f2: {  	[sflag:s17] =	ssyncadd.s32 @!p0 $0xFFFFFF80  }
0x1f3: {  	_ =	swait.ge @!p0 [sflag:s17], $0x80  }
0x1f4: {  	[sflag:s17] =	ssyncset.done @!p0 $0x0  }
0x1f5: {  	[sflag:s17] =	ssyncadd.s32 @!p0 $0xFFFFFF80  }
0x1f6: {  	_ =	swait.ge @!p0 [sflag:s17], $0x80  }
0x1f7: {  	[sflag:s17] =	ssyncset.done @!p0 $0x0  }
0x1f8: {  	[sflag:s17] =	ssyncadd.s32 @!p0 $0xFFFFFF80  }
0x1f9: {  	_ =	swait.ge [sflag:s10], $0x80  }
0x1fa: {  	[sflag:s10] =	ssyncset.done $0x0  }
0x1fb: {  	[sflag:s10] =	ssyncadd.s32 $0xFFFFFF80  }
0x1fc: {  	_ =	swait.ge [sflag:s10], $0x80  }
0x1fd: {  	[sflag:s10] =	ssyncset.done $0x0  }
0x1fe: {  	[sflag:s10] =	ssyncadd.s32 $0xFFFFFF80  }
0x1ff: {  	_ =	swait.ge [sflag:s10], $0x80  }
0x200: {  	[sflag:s10] =	ssyncset.done $0x0  }
0x201: {  	[sflag:s10] =	ssyncadd.s32 $0xFFFFFF80  }
0x202: {  	_ =	swait.ge [sflag:s10], $0x80  }
0x203: {  	[sflag:s10] =	ssyncset.done $0x0  }
0x204: {  	[sflag:s10] =	ssyncadd.s32 $0xFFFFFF80  }
0x205: {  	_ =	swait.ge [sflag:s10], $0x80  }
0x206: {  	[sflag:s10] =	ssyncset.done $0x0  }
0x207: {  	[sflag:s10] =	ssyncadd.s32 $0xFFFFFF80  }
0x208: {  	_ =	swait.ge [sflag:s10], $0x80  }
0x209: {  	[sflag:s10] =	ssyncset.done $0x0  }
0x20a: {  	[sflag:s10] =	ssyncadd.s32 $0xFFFFFF80  }
0x20b: {  	_ =	swait.ge [sflag:s10], $0x80  }
0x20c: {  	[sflag:s10] =	ssyncset.done $0x0  }
0x20d: {  	[sflag:s10] =	ssyncadd.s32 $0xFFFFFF80  }
0x20e: {  	_ =	swait.ge [sflag:s10], $0x80  }
0x20f: {  	[sflag:s10] =	ssyncset.done $0x0  }
0x210: {  	[sflag:s10] =	ssyncadd.s32 $0xFFFFFF80  }
0x211: {  	_ =	swait.ge [sflag:s10], $0x80  }
0x212: {  	[sflag:s10] =	ssyncset.done $0x0  }
0x213: {  	[sflag:s10] =	ssyncadd.s32 $0xFFFFFF80  }
0x214: {  	_ =	swait.ge [sflag:s10], $0x80  }
0x215: {  	[sflag:s10] =	ssyncset.done $0x0  }
0x216: {  	[sflag:s10] =	ssyncadd.s32 $0xFFFFFF80  }
0x217: {  	_ =	swait.ge [sflag:s10], $0x80  }
0x218: {  	[sflag:s10] =	ssyncset.done $0x0  }
0x219: {  	[sflag:s10] =	ssyncadd.s32 $0xFFFFFF80  }
0x21a: {  	_ =	swait.ge [sflag:s10], $0x80  }
0x21b: {  	[sflag:s10] =	ssyncset.done $0x0  }
0x21c: {  	[sflag:s10] =	ssyncadd.s32 $0xFFFFFF80  }
0x21d: {  	_ =	swait.ge [sflag:s10], $0x80  }
0x21e: {  	[sflag:s10] =	ssyncset.done $0x0  }
0x21f: {  	[sflag:s10] =	ssyncadd.s32 $0xFFFFFF80  }
0x220: {  	_ =	swait.ge [sflag:s10], $0x80  }
0x221: {  	[sflag:s10] =	ssyncset.done $0x0  }
0x222: {  	[sflag:s10] =	ssyncadd.s32 $0xFFFFFF80  }
0x223: {  	_ =	swait.ge [sflag:s10], $0x80  }
0x224: {  	[sflag:s10] =	ssyncset.done $0x0  }
0x225: {  	[sflag:s10] =	ssyncadd.s32 $0xFFFFFF80  }
0x226: {  	_ =	swait.ge [sflag:s10], $0x80  }
0x227: {  	[sflag:s10] =	ssyncset.done $0x0  }
0x228: {  	[sflag:s10] =	ssyncadd.s32 $0xFFFFFF80  }
0x229: {  	_ =	swait.ge [sflag:s10], $0x80  }
0x22a: {  	[sflag:s10] =	ssyncset.done $0x0  }
0x22b: {  	[sflag:s10] =	ssyncadd.s32 $0xFFFFFF80  }
0x22c: {  	_ =	swait.ge [sflag:s10], $0x80  }
0x22d: {  	[sflag:s10] =	ssyncset.done $0x0  }
0x22e: {  	[sflag:s10] =	ssyncadd.s32 $0xFFFFFF80  }
0x22f: {  	_ =	swait.ge [sflag:s10], $0x80  }
0x230: {  	[sflag:s10] =	ssyncset.done $0x0  }
0x231: {  	[sflag:s10] =	ssyncadd.s32 $0xFFFFFF80  }
0x232: {  	_ =	swait.ge [sflag:s10], $0x80  }
0x233: {  	[sflag:s10] =	ssyncset.done $0x0  }
0x234: {  	[sflag:s10] =	ssyncadd.s32 $0xFFFFFF80  }
0x235: {  	_ =	swait.ge [sflag:s10], $0x80  }
0x236: {  	[sflag:s10] =	ssyncset.done $0x0  }
0x237: {  	[sflag:s10] =	ssyncadd.s32 $0xFFFFFF80  }
0x238: {  	_ =	swait.ge [sflag:s10], $0x80  }
0x239: {  	[sflag:s10] =	ssyncset.done $0x0  }
0x23a: {  	[sflag:s10] =	ssyncadd.s32 $0xFFFFFF80  }
0x23b: {  	_ =	swait.ge [sflag:s10], $0x80  }
0x23c: {  	[sflag:s10] =	ssyncset.done $0x0  }
0x23d: {  	[sflag:s10] =	ssyncadd.s32 $0xFFFFFF80  }
0x23e: {  	_ =	swait.ge [sflag:s10], $0x80  }
0x23f: {  	[sflag:s10] =	ssyncset.done $0x0  }
0x240: {  	[sflag:s10] =	ssyncadd.s32 $0xFFFFFF80  }
0x241: {  	_ =	swait.ge [sflag:s10], $0x80  }
0x242: {  	[sflag:s10] =	ssyncset.done $0x0  }
0x243: {  	[sflag:s10] =	ssyncadd.s32 $0xFFFFFF80  }
0x244: {  	_ =	swait.ge [sflag:s10], $0x80  }
0x245: {  	[sflag:s10] =	ssyncset.done $0x0  }
0x246: {  	[sflag:s10] =	ssyncadd.s32 $0xFFFFFF80  }
0x247: {  	_ =	swait.ge [sflag:s10], $0x80  }
0x248: {  	[sflag:s10] =	ssyncset.done $0x0  }
0x249: {  	[sflag:s10] =	ssyncadd.s32 $0xFFFFFF80  }
0x24a: {  	_ =	swait.ge [sflag:s10], $0x80  }
0x24b: {  	[sflag:s10] =	ssyncset.done $0x0  }
0x24c: {  	[sflag:s10] =	ssyncadd.s32 $0xFFFFFF80  }
0x24d: {  	_ =	swait.ge [sflag:s10], $0x80  }
0x24e: {  	[sflag:s10] =	ssyncset.done $0x0  }
0x24f: {  	[sflag:s10] =	ssyncadd.s32 $0xFFFFFF80  }
0x250: {  	_ =	swait.ge [sflag:s10], $0x80  }
0x251: {  	[sflag:s10] =	ssyncset.done $0x0  }
0x252: {  	[sflag:s10] =	ssyncadd.s32 $0xFFFFFF80  }
0x253: {  	_ =	swait.ge [sflag:s10], $0x80  }
0x254: {  	[sflag:s10] =	ssyncset.done $0x0  }
0x255: {  	[sflag:s10] =	ssyncadd.s32 $0xFFFFFF80  }
0x256: {  	s13 =	sadd.s32 $0x1, s13;
	_ =	swait.ge [sflag:s10], $0x80  }
0x257: {  	p0 =	sne.s32 s13, s8;
	[sflag:s10] =	ssyncset.done $0x0  }
.Ltmp2:
0x258: {  	s0 =	simm.s32 $0x380;
	[sflag:s10] =	ssyncadd.s32 $0xFFFFFF80;
	(pc) =	sbr.rel @p0 .LBB2_1-.Ltmp2, $4  }
0x259: {  	[hbm4b:s7+s2] =	stream.linear.scatter [tilespmem:s0], [sflag:$0x2], $0x19000, $0x38;
	[tilespmem:$0x19380] =	vst v63  }
0x25a: {  	_ =	swait.ge [sflag:s12], $0x19000  }
0x25b: {  	[sflag:s12] =	ssyncset.done $0x0  }
0x25c: {  	[sflag:s12] =	ssyncadd.s32 $0xFFFE7000  }
0x25d: {  	_ =	sfence.sel $0x180000  }
0x25e: {  	[bflag:$0x0] =	sbarrier.arrive $0xFFFF  }
0x25f: {  	_ =	strace $0x90000047  }
0x260: {  	s0 =	stileid.u32;
	[bflag:$0x2] =	sbarrier.arrive $0xFFFF  }
0x261: {  	p0 =	sne.s32 s0, $0x0;
	s0 =	rddreg [dreg:$0x1]  }
0x262: {  	s0 =	sadd.s32 @!p0 $0x100000, s0  }
0x263: {  	[sflag:s0] =	ssyncadd.tile.s32 @!p0 $0x1;
	_ =	shalt  }
.Lfunc_end2:
_tile_overlayer_lowered:
.L_overlay_start_2:
0x264: {  	(tag) =	ssettag $0x2  }
0x265: {  	s0 =	rddreg [dreg:$0x0];
	s2 =	stileid.u32  }
0x266: {  	s1 =	rddreg [dreg:$0x1];
	p0 =	sne.s32 s2, $0x0  }
0x267: {  	s3 =	rddreg [dreg:$0x2];
	[bflag:$0x3] =	sbarrier.arrive $0xFFFF;
	s2 =	simm.s32 @!p0 $0x1C03  }
0x268: {  	[timem:s3], [sflag:s2] =	dma.local @!p0 [hbm:s0], s1  }
0x269: {  	s0 =	simm.s32 @!p0 $0x3  }
0x26a: {  	_ =	swait.ge @!p0 [sflag:s0], s1  }
0x26b: {  	s1 =	ssub.s32 @!p0 $0x0, s1;
	[sflag:s0] =	ssyncset.done @!p0 $0x0  }
0x26c: {  	[sflag:s0] =	ssyncadd.s32 @!p0 s1  }
0x26d: {  	[bflag:$0x3] =	sbarrier.arrive $0xFFFF  }
0x26e: {  	_ =	shalt  }

</sc_bundles>
